<compile_context>
chip_gen: v7x
topology: tpu7x:2x2x1
jax: 0.10.2.dev20260603
libtpu: 0.0.44.dev20260713+nightly
codegen_flags: <defaults>
</compile_context>

<pallas_src>
import functools
import math

import jax
import jax.numpy as jnp
from jax import lax
from jax.experimental import pallas as pl
from jax.experimental.pallas import tpu as pltpu
from jax.experimental.pallas import tpu_sc as plsc

B, T = 2, 2048
D = 1024
CD = 256
E = 8
HID2 = 2 * D
SLICE = 1024 // E
N = B * T

TT = 512
NTILES = 2 * N // TT + E
PAD = NTILES * TT

NW = 32
TPW = N // NW
SUB = 64


def _router_body(ce_ref, anchor_ref, g_ref, fi_ref, temp_ref,
                 meta_ref, w2_ref, te_ref, imp_ref, aux_ref):
    ce = ce_ref[...]
    anchor = anchor_ref[...]
    an = anchor / jnp.maximum(
        jnp.sqrt(jnp.sum(anchor * anchor, axis=1, keepdims=True)), 1e-12)
    cn = ce / jnp.maximum(
        jnp.sqrt(jnp.sum(ce * ce, axis=1, keepdims=True)), 1e-12)
    logits = jnp.dot(cn, an.T, preferred_element_type=jnp.float32) * 0.125
    z = (logits + g_ref[...]) / 0.1
    z = z - jnp.max(z, axis=1, keepdims=True)
    ez = jnp.exp(z)
    y = ez / jnp.sum(ez, axis=1, keepdims=True)
    eidx = lax.broadcasted_iota(jnp.int32, (N, E), 1)
    m1 = jnp.max(y, axis=1, keepdims=True)
    i1 = jnp.min(jnp.where(y == m1, eidx, E), axis=1, keepdims=True)
    oh1 = (eidx == i1).astype(jnp.float32)
    ymask = jnp.where(eidx == i1, -jnp.inf, y)
    m2 = jnp.max(ymask, axis=1, keepdims=True)
    i2 = jnp.min(jnp.where(ymask == m2, eidx, E), axis=1, keepdims=True)
    oh2 = (eidx == i2).astype(jnp.float32)
    ew = y * (oh1 + oh2)
    counts = ew[:T, :] + ew[T:, :]
    nelem = T * E
    mean = jnp.sum(counts) / nelem
    var = jnp.sum((counts - mean) ** 2) / (nelem - 1)
    std = jnp.sqrt(var)
    load = counts / (jnp.sum(counts) + 1e-8)
    load_ent = -jnp.sum(load * jnp.log(load + 1e-8))
    routing_loss = 0.5 * (std + load_ent)
    tclip = jnp.clip(temp_ref[0, 0], 0.1, 5.0)
    fi = fi_ref[...] / tclip
    fi = fi - jnp.max(fi, axis=1, keepdims=True)
    efi = jnp.exp(fi)
    imp = efi / jnp.sum(efi, axis=1, keepdims=True)
    imp_ref[...] = imp
    ent = -jnp.sum(imp * jnp.log(imp + 1e-8)) / E
    aux_ref[...] = jnp.broadcast_to(routing_loss - 0.01 * ent, (1, 1))

    def _cumsum0(x):
        k = 1
        while k < N:
            x = x + jnp.concatenate(
                [jnp.zeros((k, E), jnp.float32), x[:-k, :]], axis=0)
            k *= 2
        return x

    c1 = _cumsum0(oh1)
    c2 = _cumsum0(oh2)
    c1tot = c1[N - 1:N, :]
    ctot = c1tot + c2[N - 1:N, :]
    aligned = jnp.floor((ctot + (TT - 1)) * (1.0 / TT)).astype(jnp.float32)
    aligned = aligned * TT
    acc = aligned
    for k in (1, 2, 4):
        acc = acc + jnp.concatenate(
            [jnp.zeros((1, k), jnp.float32), acc[:, :-k]], axis=1)
    start = acc - aligned
    rank0 = jnp.sum((c1 - oh1) * oh1, axis=1, keepdims=True)
    rank1 = jnp.sum(((c2 - oh2) + c1tot) * oh2, axis=1, keepdims=True)
    pos0 = jnp.sum(start * oh1, axis=1, keepdims=True) + rank0
    pos1 = jnp.sum(start * oh2, axis=1, keepdims=True) + rank1
    tvec = lax.broadcasted_iota(jnp.int32, (N, 1), 0)
    q0 = tvec * E + i1
    q1 = tvec * E + i2
    meta_ref[...] = jnp.concatenate(
        [pos0.astype(jnp.int32), pos1.astype(jnp.int32), q0, q1], axis=1)
    w2_ref[0] = jnp.broadcast_to(m1, (N, 128))
    w2_ref[1] = jnp.broadcast_to(m2, (N, 128))
    jstart = (lax.broadcasted_iota(jnp.int32, (1, 128), 1)
              * TT).astype(jnp.float32)
    sb = jnp.broadcast_to(start.reshape(E, 1), (E, 128))
    te = jnp.sum((sb <= jstart).astype(jnp.float32), axis=0, keepdims=True)
    te_ref[...] = (te - 1.0).astype(jnp.int32)


def _dispatch_body(h_hbm, ce_hbm, posT_hbm, wT_hbm,
                   hs_hbm, cs_hbm, ws_hbm,
                   hbuf, cbuf, wsbuf0, wsbuf1, idx0, idx1, sem, sem2):
    wid = lax.axis_index("s") * 2 + lax.axis_index("c")
    tok0 = wid * TPW
    for j in range(TPW // SUB):
        tb = tok0 + j * SUB
        incopies = [
            pltpu.async_copy(h_hbm.at[pl.ds(tb, SUB)], hbuf, sem),
            pltpu.async_copy(ce_hbm.at[pl.ds(tb, SUB)], cbuf, sem),
            pltpu.async_copy(posT_hbm.at[0, pl.ds(tb, SUB)], idx0, sem),
            pltpu.async_copy(posT_hbm.at[1, pl.ds(tb, SUB)], idx1, sem),
            pltpu.async_copy(wT_hbm.at[0, pl.ds(tb, SUB)], wsbuf0, sem),
            pltpu.async_copy(wT_hbm.at[1, pl.ds(tb, SUB)], wsbuf1, sem),
        ]
        for c in incopies:
            c.wait()
        scatters = [
            pltpu.async_copy(wsbuf0, ws_hbm.at[idx0], sem2),
            pltpu.async_copy(hbuf, hs_hbm.at[idx0], sem2),
            pltpu.async_copy(cbuf, cs_hbm.at[idx0], sem2),
            pltpu.async_copy(wsbuf1, ws_hbm.at[idx1], sem2),
            pltpu.async_copy(hbuf, hs_hbm.at[idx1], sem2),
            pltpu.async_copy(cbuf, cs_hbm.at[idx1], sem2),
        ]
        for c in scatters:
            c.wait()


def _mlp_body(te_ref, imp_ref, hs_ref, cs_ref, w1_ref, b1_ref, w2_ref,
              b2_ref, ws_ref, out_ref):
    xh = hs_ref[...] * imp_ref[0]
    a = jnp.dot(xh, w1_ref[0, :D, :], preferred_element_type=jnp.float32)
    a += jnp.dot(cs_ref[...], w1_ref[0, D:, :],
                 preferred_element_type=jnp.float32)
    a += b1_ref[0]
    hdn = 0.5 * a * (1.0 + lax.erf(a * (1.0 / math.sqrt(2.0))))
    out = jnp.dot(hdn, w2_ref[0], preferred_element_type=jnp.float32)
    out += b2_ref[0]
    out_ref[...] = out * ws_ref[:, 0:1]


def _combine_body(outs_hbm, posT_hbm, qT_hbm, z_hbm, outv_hbm,
                  stag, zbuf, gidx, sidx, sem, zsem):
    wid = lax.axis_index("s") * 2 + lax.axis_index("c")
    tok0 = wid * TPW
    row0 = wid * (TPW * E)
    pltpu.sync_copy(z_hbm, zbuf)
    zcopies = [
        pltpu.async_copy(zbuf, outv_hbm.at[pl.ds(row0 + r * 128, 128)], zsem)
        for r in range(TPW * E // 128)
    ]
    idxcopies = []
    for j in range(TPW // SUB):
        tb = tok0 + j * SUB
        idxcopies += [
            pltpu.async_copy(posT_hbm.at[0, pl.ds(tb, SUB)],
                             gidx.at[j, pl.ds(0, SUB)], sem),
            pltpu.async_copy(posT_hbm.at[1, pl.ds(tb, SUB)],
                             gidx.at[j, pl.ds(SUB, SUB)], sem),
            pltpu.async_copy(qT_hbm.at[0, pl.ds(tb, SUB)],
                             sidx.at[j, pl.ds(0, SUB)], sem),
            pltpu.async_copy(qT_hbm.at[1, pl.ds(tb, SUB)],
                             sidx.at[j, pl.ds(SUB, SUB)], sem),
        ]
    for c in idxcopies:
        c.wait()
    for c in zcopies:
        c.wait()
    for j in range(TPW // SUB):
        pltpu.async_copy(outs_hbm.at[gidx.at[j]], stag, sem).wait()
        pltpu.async_copy(stag, outv_hbm.at[sidx.at[j]], sem).wait()


def _dispatch(h2, ce2, posT, wT):
    mesh = plsc.VectorSubcoreMesh(core_axis_name="c", subcore_axis_name="s")
    call = pl.kernel(
        _dispatch_body, mesh=mesh,
        out_type=[
            jax.ShapeDtypeStruct((PAD, D), jnp.float32),
            jax.ShapeDtypeStruct((PAD, CD), jnp.float32),
            jax.ShapeDtypeStruct((PAD, 128), jnp.float32),
        ],
        scratch_types=[
            pltpu.VMEM((SUB, D), jnp.float32),
            pltpu.VMEM((SUB, CD), jnp.float32),
            pltpu.VMEM((SUB, 128), jnp.float32),
            pltpu.VMEM((SUB, 128), jnp.float32),
            pltpu.VMEM((SUB,), jnp.int32),
            pltpu.VMEM((SUB,), jnp.int32),
            pltpu.SemaphoreType.DMA,
            pltpu.SemaphoreType.DMA,
        ],
    )
    return call(h2, ce2, posT, wT)


def _combine(out_sorted, posT, qT, zrows):
    mesh = plsc.VectorSubcoreMesh(core_axis_name="c", subcore_axis_name="s")
    call = pl.kernel(
        _combine_body, mesh=mesh,
        out_type=jax.ShapeDtypeStruct((N * E, SLICE), jnp.float32),
        scratch_types=[
            pltpu.VMEM((2 * SUB, SLICE), jnp.float32),
            pltpu.VMEM((128, SLICE), jnp.float32),
            pltpu.VMEM((TPW // SUB, 2 * SUB), jnp.int32),
            pltpu.VMEM((TPW // SUB, 2 * SUB), jnp.int32),
            pltpu.SemaphoreType.DMA,
            pltpu.SemaphoreType.DMA,
        ],
    )
    return call(out_sorted, posT, qT, zrows)


def kernel(h, code_emb, code_anchor, feature_importance,
           importance_temperature, W1, b1, W2, b2):
    h2 = h.reshape(N, D)
    ce2 = code_emb.reshape(N, CD)
    g = jax.random.gumbel(jax.random.key(42), (N, E), dtype=jnp.float32)
    temp = importance_temperature.reshape(1, 1)

    meta, w2pair, te, imp, aux = pl.pallas_call(
        _router_body,
        out_shape=[
            jax.ShapeDtypeStruct((N, 4), jnp.int32),
            jax.ShapeDtypeStruct((2, N, 128), jnp.float32),
            jax.ShapeDtypeStruct((1, 128), jnp.int32),
            jax.ShapeDtypeStruct((E, D), jnp.float32),
            jax.ShapeDtypeStruct((1, 1), jnp.float32),
        ],
    )(ce2, code_anchor, g, feature_importance, temp)

    posT = meta[:, 0:2].T
    qT = meta[:, 2:4].T
    wT = w2pair

    hs, cs, ws = _dispatch(h2, ce2, posT, wT)

    out_sorted = pl.pallas_call(
        _mlp_body,
        grid_spec=pltpu.PrefetchScalarGridSpec(
            num_scalar_prefetch=1,
            grid=(NTILES,),
            in_specs=[
                pl.BlockSpec((1, 1, D), lambda i, te_s: (te_s[i], 0, 0)),
                pl.BlockSpec((TT, D), lambda i, te_s: (i, 0)),
                pl.BlockSpec((TT, CD), lambda i, te_s: (i, 0)),
                pl.BlockSpec((1, D + CD, HID2),
                             lambda i, te_s: (te_s[i], 0, 0)),
                pl.BlockSpec((1, 1, HID2), lambda i, te_s: (te_s[i], 0, 0)),
                pl.BlockSpec((1, HID2, SLICE),
                             lambda i, te_s: (te_s[i], 0, 0)),
                pl.BlockSpec((1, 1, SLICE), lambda i, te_s: (te_s[i], 0, 0)),
                pl.BlockSpec((TT, 128), lambda i, te_s: (i, 0)),
            ],
            out_specs=pl.BlockSpec((TT, SLICE), lambda i, te_s: (i, 0)),
        ),
        out_shape=jax.ShapeDtypeStruct((PAD, SLICE), jnp.float32),
    )(te.reshape(128), imp.reshape(E, 1, D), hs, cs, W1,
      b1.reshape(E, 1, HID2), W2, b2.reshape(E, 1, SLICE), ws)

    zrows = jnp.zeros((128, SLICE), jnp.float32)
    outv = _combine(out_sorted, posT, qT, zrows)

    return outv.reshape(B, T, E * SLICE), aux.reshape(())

# --- scband reference (transcript-rebuilt; emitter-appended) ---
"""Pipeline reference for scband-importance-weighted-mo-e-71854802862233 (READ-ONLY COPY).

The authoritative reference and input builder live on the scoring server;
editing this copy changes nothing except your own understanding.
"""

import jax, jax.numpy as jnp
import numpy as np

B, T = 2, 2048
D = 1024
CD = 256
E = 8
TOPK = 2
HID2 = 2 * D
SLICE = 1024 // E


def setup_inputs(seed: int = 0) -> dict:
    key = jax.random.key(seed)
    ks = jax.random.split(key, 8)
    return {
        "h": jax.random.normal(ks[0], (B, T, D), dtype=jnp.float32),
        "code_emb": jax.random.normal(ks[1], (B, T, CD), dtype=jnp.float32),
        "code_anchor": jax.random.normal(ks[2], (E, CD), dtype=jnp.float32),
        "feature_importance": 0.01 * jax.random.normal(ks[3], (E, D), dtype=jnp.float32),
        "importance_temperature": jnp.array(1.0, dtype=jnp.float32),
        "W1": 0.01 * jax.random.normal(ks[4], (E, D + CD, HID2), dtype=jnp.float32),
        "b1": jnp.zeros((E, HID2), dtype=jnp.float32),
        "W2": 0.02 * jax.random.normal(ks[5], (E, HID2, SLICE), dtype=jnp.float32),
        "b2": jnp.zeros((E, SLICE), dtype=jnp.float32),
    }


def _l2norm(x, axis):
    n = jnp.linalg.norm(x, axis=axis, keepdims=True)
    return x / jnp.maximum(n, 1e-12)


def reference(h, code_emb, code_anchor, feature_importance, importance_temperature, W1, b1, W2, b2):
    # Router: cosine similarity between code embeddings and code anchors
    anchor_n = _l2norm(code_anchor, 1)
    ce = _l2norm(code_emb.reshape(-1, CD), 1)
    router_logits = (ce @ anchor_n.T).reshape(B, T, E) * 0.125
    # Gumbel-softmax (soft), tau=0.1, deterministic noise key
    g = jax.random.gumbel(jax.random.key(42), router_logits.shape, dtype=router_logits.dtype)
    expert_weights = jax.nn.softmax((router_logits + g) / 0.1, axis=-1)
    topk_w, topk_i = jax.lax.top_k(expert_weights, TOPK)
    mask = jnp.clip(jnp.sum(jax.nn.one_hot(topk_i, E, dtype=expert_weights.dtype), axis=-2), 0.0, 1.0)
    expert_weights = expert_weights * mask
    temperature = jnp.clip(importance_temperature, 0.1, 5.0)
    full_output = jnp.zeros((B, T, 1024), dtype=h.dtype)
    entropies = []
    for i in range(E):
        imp = jax.nn.softmax(feature_importance[i] / temperature)
        weighted_h = h * imp.reshape(1, 1, -1)
        ent = -(imp * jnp.log(imp + 1e-8)).sum()
        entropies.append(jax.lax.stop_gradient(ent))  # torch uses .item() (detached)
        xin = jnp.concatenate([weighted_h, code_emb], axis=-1)
        hdn = jax.nn.gelu(xin @ W1[i] + b1[i], approximate=False)
        out = hdn @ W2[i] + b2[i]
        ew = jnp.sum(jnp.where(topk_i == i, topk_w, 0.0), axis=-1)
        full_output = full_output.at[..., i * SLICE:(i + 1) * SLICE].add(out * ew[..., None])
    expert_counts = expert_weights.sum(0)
    expert_load = expert_counts / (expert_counts.sum() + 1e-8)
    routing_loss = 0.5 * (jnp.std(expert_counts, ddof=1) + (-expert_load * jnp.log(expert_load + 1e-8)).sum())
    avg_entropy = sum(entropies) / float(E)
    aux_loss = routing_loss - 0.01 * avg_entropy
    return full_output, aux_loss

if __name__ == "__main__":
    import jax
    _d = setup_inputs()
    print(jax.jit(kernel)(*tuple(_d.values())))

</pallas_src>

<mosaic_0001>
#map = affine_map<(d0, d1) -> (0, 0)>
#map1 = affine_map<(d0, d1) -> (0, 0, 0)>
module attributes {stable_mosaic.version = 14 : i64} {
  func.func @_dispatch_body(%arg0: i32, %arg1: i32, %arg2: memref<4096x1024xf32, #tpu.memory_space<hbm>>, %arg3: memref<4096x256xf32, #tpu.memory_space<hbm>>, %arg4: memref<2x4096xi32, #tpu.memory_space<hbm>>, %arg5: memref<2x4096x128xf32, #tpu.memory_space<hbm>>, %arg6: memref<12288x1024xf32, #tpu.memory_space<hbm>>, %arg7: memref<12288x256xf32, #tpu.memory_space<hbm>>, %arg8: memref<12288x128xf32, #tpu.memory_space<hbm>>, %arg9: memref<64x1024xf32, #tpu.memory_space<vmem>>, %arg10: memref<64x256xf32, #tpu.memory_space<vmem>>, %arg11: memref<64x128xf32, #tpu.memory_space<vmem>>, %arg12: memref<64x128xf32, #tpu.memory_space<vmem>>, %arg13: memref<64xi32, #tpu.memory_space<vmem>>, %arg14: memref<64xi32, #tpu.memory_space<vmem>>, %arg15: memref<!tpu.dma_semaphore, #tpu.memory_space<semaphore_mem>>, %arg16: memref<!tpu.dma_semaphore, #tpu.memory_space<semaphore_mem>>) attributes {dimension_semantics = [#tpu.dimension_semantics<core_parallel>, #tpu.dimension_semantics<subcore_parallel>], iteration_bounds = array<i64: 2, 16>, scalar_prefetch = 0 : i64, scratch_operands = 8 : i64, tpu.core_type = #tpu.core_type<sc_vector_subcore>, window_params = [{transform_indices = #map}, {transform_indices = #map}, {transform_indices = #map}, {transform_indices = #map1}, {transform_indices = #map}, {transform_indices = #map}, {transform_indices = #map}]} {
    %mul3A = arith.constant 2 : i32
    %mul3A_0 = arith.muli %arg1, %mul3A : i32
    %add3A = arith.addi %mul3A_0, %arg0 : i32
    %mul3A_1 = arith.constant 128 : i32
    %mul3A_2 = arith.muli %add3A, %mul3A_1 : i32
    %add3A_3 = arith.constant 0 : i32
    %add3A_4 = arith.addi %mul3A_2, %add3A_3 : i32
    %dma_start3A = arith.constant 0 : i32
    %dma_start3A_5 = tpu.memref_slice %arg2[%add3A_4, %dma_start3A] : memref<4096x1024xf32, #tpu.memory_space<hbm>> -> memref<64x1024xf32, #tpu.memory_space<hbm>>
    %dma_start3A_6 = arith.constant 0 : i32
    %dma_start3A_7 = tpu.memref_slice %arg2[%add3A_4, %dma_start3A_6] : memref<4096x1024xf32, #tpu.memory_space<hbm>> -> memref<64x1024xf32, #tpu.memory_space<hbm>>
    tpu.enqueue_dma source(%dma_start3A_7 : memref<64x1024xf32, #tpu.memory_space<hbm>>) target(%arg9 : memref<64x1024xf32, #tpu.memory_space<vmem>>) target_semaphore(%arg15 : memref<!tpu.dma_semaphore, #tpu.memory_space<semaphore_mem>>)
    %dma_start3A_8 = arith.constant 0 : i32
    %dma_start3A_9 = tpu.memref_slice %arg3[%add3A_4, %dma_start3A_8] : memref<4096x256xf32, #tpu.memory_space<hbm>> -> memref<64x256xf32, #tpu.memory_space<hbm>>
    %dma_start3A_10 = arith.constant 0 : i32
    %dma_start3A_11 = tpu.memref_slice %arg3[%add3A_4, %dma_start3A_10] : memref<4096x256xf32, #tpu.memory_space<hbm>> -> memref<64x256xf32, #tpu.memory_space<hbm>>
    tpu.enqueue_dma source(%dma_start3A_11 : memref<64x256xf32, #tpu.memory_space<hbm>>) target(%arg10 : memref<64x256xf32, #tpu.memory_space<vmem>>) target_semaphore(%arg15 : memref<!tpu.dma_semaphore, #tpu.memory_space<semaphore_mem>>)
    %dma_start3A_12 = arith.constant 0 : i32
    %dma_start3A_13 = tpu.memref_slice %arg4[%dma_start3A_12, %add3A_4] : memref<2x4096xi32, #tpu.memory_space<hbm>> -> memref<1x64xi32, #tpu.memory_space<hbm>>
    %dma_start3A_14 = tpu.memref_squeeze %dma_start3A_13 : memref<1x64xi32, #tpu.memory_space<hbm>> -> memref<64xi32, #tpu.memory_space<hbm>>
    %dma_start3A_15 = tpu.memref_slice %arg4[%dma_start3A_12, %add3A_4] : memref<2x4096xi32, #tpu.memory_space<hbm>> -> memref<1x64xi32, #tpu.memory_space<hbm>>
    %dma_start3A_16 = tpu.memref_squeeze %dma_start3A_15 : memref<1x64xi32, #tpu.memory_space<hbm>> -> memref<64xi32, #tpu.memory_space<hbm>>
    tpu.enqueue_dma source(%dma_start3A_16 : memref<64xi32, #tpu.memory_space<hbm>>) target(%arg13 : memref<64xi32, #tpu.memory_space<vmem>>) target_semaphore(%arg15 : memref<!tpu.dma_semaphore, #tpu.memory_space<semaphore_mem>>)
    %dma_start3A_17 = arith.constant 1 : i32
    %dma_start3A_18 = tpu.memref_slice %arg4[%dma_start3A_17, %add3A_4] : memref<2x4096xi32, #tpu.memory_space<hbm>> -> memref<1x64xi32, #tpu.memory_space<hbm>>
    %dma_start3A_19 = tpu.memref_squeeze %dma_start3A_18 : memref<1x64xi32, #tpu.memory_space<hbm>> -> memref<64xi32, #tpu.memory_space<hbm>>
    %dma_start3A_20 = tpu.memref_slice %arg4[%dma_start3A_17, %add3A_4] : memref<2x4096xi32, #tpu.memory_space<hbm>> -> memref<1x64xi32, #tpu.memory_space<hbm>>
    %dma_start3A_21 = tpu.memref_squeeze %dma_start3A_20 : memref<1x64xi32, #tpu.memory_space<hbm>> -> memref<64xi32, #tpu.memory_space<hbm>>
    tpu.enqueue_dma source(%dma_start3A_21 : memref<64xi32, #tpu.memory_space<hbm>>) target(%arg14 : memref<64xi32, #tpu.memory_space<vmem>>) target_semaphore(%arg15 : memref<!tpu.dma_semaphore, #tpu.memory_space<semaphore_mem>>)
    %dma_start3A_22 = arith.constant 0 : i32
    %dma_start3A_23 = arith.constant 0 : i32
    %dma_start3A_24 = tpu.memref_slice %arg5[%dma_start3A_22, %add3A_4, %dma_start3A_23] : memref<2x4096x128xf32, #tpu.memory_space<hbm>> -> memref<1x64x128xf32, #tpu.memory_space<hbm>>
    %dma_start3A_25 = tpu.memref_squeeze %dma_start3A_24 : memref<1x64x128xf32, #tpu.memory_space<hbm>> -> memref<64x128xf32, #tpu.memory_space<hbm>>
    %dma_start3A_26 = arith.constant 0 : i32
    %dma_start3A_27 = tpu.memref_slice %arg5[%dma_start3A_22, %add3A_4, %dma_start3A_26] : memref<2x4096x128xf32, #tpu.memory_space<hbm>> -> memref<1x64x128xf32, #tpu.memory_space<hbm>>
    %dma_start3A_28 = tpu.memref_squeeze %dma_start3A_27 : memref<1x64x128xf32, #tpu.memory_space<hbm>> -> memref<64x128xf32, #tpu.memory_space<hbm>>
    tpu.enqueue_dma source(%dma_start3A_28 : memref<64x128xf32, #tpu.memory_space<hbm>>) target(%arg11 : memref<64x128xf32, #tpu.memory_space<vmem>>) target_semaphore(%arg15 : memref<!tpu.dma_semaphore, #tpu.memory_space<semaphore_mem>>)
    %dma_start3A_29 = arith.constant 1 : i32
    %dma_start3A_30 = arith.constant 0 : i32
    %dma_start3A_31 = tpu.memref_slice %arg5[%dma_start3A_29, %add3A_4, %dma_start3A_30] : memref<2x4096x128xf32, #tpu.memory_space<hbm>> -> memref<1x64x128xf32, #tpu.memory_space<hbm>>
    %dma_start3A_32 = tpu.memref_squeeze %dma_start3A_31 : memref<1x64x128xf32, #tpu.memory_space<hbm>> -> memref<64x128xf32, #tpu.memory_space<hbm>>
    %dma_start3A_33 = arith.constant 0 : i32
    %dma_start3A_34 = tpu.memref_slice %arg5[%dma_start3A_29, %add3A_4, %dma_start3A_33] : memref<2x4096x128xf32, #tpu.memory_space<hbm>> -> memref<1x64x128xf32, #tpu.memory_space<hbm>>
    %dma_start3A_35 = tpu.memref_squeeze %dma_start3A_34 : memref<1x64x128xf32, #tpu.memory_space<hbm>> -> memref<64x128xf32, #tpu.memory_space<hbm>>
    tpu.enqueue_dma source(%dma_start3A_35 : memref<64x128xf32, #tpu.memory_space<hbm>>) target(%arg12 : memref<64x128xf32, #tpu.memory_space<vmem>>) target_semaphore(%arg15 : memref<!tpu.dma_semaphore, #tpu.memory_space<semaphore_mem>>)
    %dma_wait3A = arith.constant 0 : i32
    %dma_wait3A_36 = tpu.memref_slice %arg2[%add3A_4, %dma_wait3A] : memref<4096x1024xf32, #tpu.memory_space<hbm>> -> memref<64x1024xf32, #tpu.memory_space<hbm>>
    %dma_wait3A_37 = arith.constant 0 : i32
    %dma_wait3A_38 = tpu.memref_slice %arg2[%add3A_4, %dma_wait3A_37] : memref<4096x1024xf32, #tpu.memory_space<hbm>> -> memref<64x1024xf32, #tpu.memory_space<hbm>>
    tpu.wait_dma2 semaphore(%arg15 : memref<!tpu.dma_semaphore, #tpu.memory_space<semaphore_mem>>) src(%dma_wait3A_38 : memref<64x1024xf32, #tpu.memory_space<hbm>>) dst(%arg9 : memref<64x1024xf32, #tpu.memory_space<vmem>>)
    %dma_wait3A_39 = arith.constant 0 : i32
    %dma_wait3A_40 = tpu.memref_slice %arg3[%add3A_4, %dma_wait3A_39] : memref<4096x256xf32, #tpu.memory_space<hbm>> -> memref<64x256xf32, #tpu.memory_space<hbm>>
    %dma_wait3A_41 = arith.constant 0 : i32
    %dma_wait3A_42 = tpu.memref_slice %arg3[%add3A_4, %dma_wait3A_41] : memref<4096x256xf32, #tpu.memory_space<hbm>> -> memref<64x256xf32, #tpu.memory_space<hbm>>
    tpu.wait_dma2 semaphore(%arg15 : memref<!tpu.dma_semaphore, #tpu.memory_space<semaphore_mem>>) src(%dma_wait3A_42 : memref<64x256xf32, #tpu.memory_space<hbm>>) dst(%arg10 : memref<64x256xf32, #tpu.memory_space<vmem>>)
    %dma_wait3A_43 = arith.constant 0 : i32
    %dma_wait3A_44 = tpu.memref_slice %arg4[%dma_wait3A_43, %add3A_4] : memref<2x4096xi32, #tpu.memory_space<hbm>> -> memref<1x64xi32, #tpu.memory_space<hbm>>
    %dma_wait3A_45 = tpu.memref_squeeze %dma_wait3A_44 : memref<1x64xi32, #tpu.memory_space<hbm>> -> memref<64xi32, #tpu.memory_space<hbm>>
    %dma_wait3A_46 = tpu.memref_slice %arg4[%dma_wait3A_43, %add3A_4] : memref<2x4096xi32, #tpu.memory_space<hbm>> -> memref<1x64xi32, #tpu.memory_space<hbm>>
    %dma_wait3A_47 = tpu.memref_squeeze %dma_wait3A_46 : memref<1x64xi32, #tpu.memory_space<hbm>> -> memref<64xi32, #tpu.memory_space<hbm>>
    tpu.wait_dma2 semaphore(%arg15 : memref<!tpu.dma_semaphore, #tpu.memory_space<semaphore_mem>>) src(%dma_wait3A_47 : memref<64xi32, #tpu.memory_space<hbm>>) dst(%arg13 : memref<64xi32, #tpu.memory_space<vmem>>)
    %dma_wait3A_48 = arith.constant 1 : i32
    %dma_wait3A_49 = tpu.memref_slice %arg4[%dma_wait3A_48, %add3A_4] : memref<2x4096xi32, #tpu.memory_space<hbm>> -> memref<1x64xi32, #tpu.memory_space<hbm>>
    %dma_wait3A_50 = tpu.memref_squeeze %dma_wait3A_49 : memref<1x64xi32, #tpu.memory_space<hbm>> -> memref<64xi32, #tpu.memory_space<hbm>>
    %dma_wait3A_51 = tpu.memref_slice %arg4[%dma_wait3A_48, %add3A_4] : memref<2x4096xi32, #tpu.memory_space<hbm>> -> memref<1x64xi32, #tpu.memory_space<hbm>>
    %dma_wait3A_52 = tpu.memref_squeeze %dma_wait3A_51 : memref<1x64xi32, #tpu.memory_space<hbm>> -> memref<64xi32, #tpu.memory_space<hbm>>
    tpu.wait_dma2 semaphore(%arg15 : memref<!tpu.dma_semaphore, #tpu.memory_space<semaphore_mem>>) src(%dma_wait3A_52 : memref<64xi32, #tpu.memory_space<hbm>>) dst(%arg14 : memref<64xi32, #tpu.memory_space<vmem>>)
    %dma_wait3A_53 = arith.constant 0 : i32
    %dma_wait3A_54 = arith.constant 0 : i32
    %dma_wait3A_55 = tpu.memref_slice %arg5[%dma_wait3A_53, %add3A_4, %dma_wait3A_54] : memref<2x4096x128xf32, #tpu.memory_space<hbm>> -> memref<1x64x128xf32, #tpu.memory_space<hbm>>
    %dma_wait3A_56 = tpu.memref_squeeze %dma_wait3A_55 : memref<1x64x128xf32, #tpu.memory_space<hbm>> -> memref<64x128xf32, #tpu.memory_space<hbm>>
    %dma_wait3A_57 = arith.constant 0 : i32
    %dma_wait3A_58 = tpu.memref_slice %arg5[%dma_wait3A_53, %add3A_4, %dma_wait3A_57] : memref<2x4096x128xf32, #tpu.memory_space<hbm>> -> memref<1x64x128xf32, #tpu.memory_space<hbm>>
    %dma_wait3A_59 = tpu.memref_squeeze %dma_wait3A_58 : memref<1x64x128xf32, #tpu.memory_space<hbm>> -> memref<64x128xf32, #tpu.memory_space<hbm>>
    tpu.wait_dma2 semaphore(%arg15 : memref<!tpu.dma_semaphore, #tpu.memory_space<semaphore_mem>>) src(%dma_wait3A_59 : memref<64x128xf32, #tpu.memory_space<hbm>>) dst(%arg11 : memref<64x128xf32, #tpu.memory_space<vmem>>)
    %dma_wait3A_60 = arith.constant 1 : i32
    %dma_wait3A_61 = arith.constant 0 : i32
    %dma_wait3A_62 = tpu.memref_slice %arg5[%dma_wait3A_60, %add3A_4, %dma_wait3A_61] : memref<2x4096x128xf32, #tpu.memory_space<hbm>> -> memref<1x64x128xf32, #tpu.memory_space<hbm>>
    %dma_wait3A_63 = tpu.memref_squeeze %dma_wait3A_62 : memref<1x64x128xf32, #tpu.memory_space<hbm>> -> memref<64x128xf32, #tpu.memory_space<hbm>>
    %dma_wait3A_64 = arith.constant 0 : i32
    %dma_wait3A_65 = tpu.memref_slice %arg5[%dma_wait3A_60, %add3A_4, %dma_wait3A_64] : memref<2x4096x128xf32, #tpu.memory_space<hbm>> -> memref<1x64x128xf32, #tpu.memory_space<hbm>>
    %dma_wait3A_66 = tpu.memref_squeeze %dma_wait3A_65 : memref<1x64x128xf32, #tpu.memory_space<hbm>> -> memref<64x128xf32, #tpu.memory_space<hbm>>
    tpu.wait_dma2 semaphore(%arg15 : memref<!tpu.dma_semaphore, #tpu.memory_space<semaphore_mem>>) src(%dma_wait3A_66 : memref<64x128xf32, #tpu.memory_space<hbm>>) dst(%arg12 : memref<64x128xf32, #tpu.memory_space<vmem>>)
    %dma_start3A_67 = arith.constant 0 : i32
    %dma_start3A_68 = arith.constant 0 : i32
    %dma_start3A_69 = tpu.memref_slice %arg8[%dma_start3A_67, %dma_start3A_68] : memref<12288x128xf32, #tpu.memory_space<hbm>> -> memref<12288x128xf32, #tpu.memory_space<hbm>>
    tpu.enqueue_indirect_dma source(%arg11 : memref<64x128xf32, #tpu.memory_space<vmem>>) target(%dma_start3A_69 : memref<12288x128xf32, #tpu.memory_space<hbm>>) offsets(%arg13 : memref<64xi32, #tpu.memory_space<vmem>>) semaphore(%arg16 : memref<!tpu.dma_semaphore, #tpu.memory_space<semaphore_mem>>)
    %dma_start3A_70 = arith.constant 0 : i32
    %dma_start3A_71 = arith.constant 0 : i32
    %dma_start3A_72 = tpu.memref_slice %arg6[%dma_start3A_70, %dma_start3A_71] : memref<12288x1024xf32, #tpu.memory_space<hbm>> -> memref<12288x1024xf32, #tpu.memory_space<hbm>>
    tpu.enqueue_indirect_dma source(%arg9 : memref<64x1024xf32, #tpu.memory_space<vmem>>) target(%dma_start3A_72 : memref<12288x1024xf32, #tpu.memory_space<hbm>>) offsets(%arg13 : memref<64xi32, #tpu.memory_space<vmem>>) semaphore(%arg16 : memref<!tpu.dma_semaphore, #tpu.memory_space<semaphore_mem>>)
    %dma_start3A_73 = arith.constant 0 : i32
    %dma_start3A_74 = arith.constant 0 : i32
    %dma_start3A_75 = tpu.memref_slice %arg7[%dma_start3A_73, %dma_start3A_74] : memref<12288x256xf32, #tpu.memory_space<hbm>> -> memref<12288x256xf32, #tpu.memory_space<hbm>>
    tpu.enqueue_indirect_dma source(%arg10 : memref<64x256xf32, #tpu.memory_space<vmem>>) target(%dma_start3A_75 : memref<12288x256xf32, #tpu.memory_space<hbm>>) offsets(%arg13 : memref<64xi32, #tpu.memory_space<vmem>>) semaphore(%arg16 : memref<!tpu.dma_semaphore, #tpu.memory_space<semaphore_mem>>)
    %dma_start3A_76 = arith.constant 0 : i32
    %dma_start3A_77 = arith.constant 0 : i32
    %dma_start3A_78 = tpu.memref_slice %arg8[%dma_start3A_76, %dma_start3A_77] : memref<12288x128xf32, #tpu.memory_space<hbm>> -> memref<12288x128xf32, #tpu.memory_space<hbm>>
    tpu.enqueue_indirect_dma source(%arg12 : memref<64x128xf32, #tpu.memory_space<vmem>>) target(%dma_start3A_78 : memref<12288x128xf32, #tpu.memory_space<hbm>>) offsets(%arg14 : memref<64xi32, #tpu.memory_space<vmem>>) semaphore(%arg16 : memref<!tpu.dma_semaphore, #tpu.memory_space<semaphore_mem>>)
    %dma_start3A_79 = arith.constant 0 : i32
    %dma_start3A_80 = arith.constant 0 : i32
    %dma_start3A_81 = tpu.memref_slice %arg6[%dma_start3A_79, %dma_start3A_80] : memref<12288x1024xf32, #tpu.memory_space<hbm>> -> memref<12288x1024xf32, #tpu.memory_space<hbm>>
    tpu.enqueue_indirect_dma source(%arg9 : memref<64x1024xf32, #tpu.memory_space<vmem>>) target(%dma_start3A_81 : memref<12288x1024xf32, #tpu.memory_space<hbm>>) offsets(%arg14 : memref<64xi32, #tpu.memory_space<vmem>>) semaphore(%arg16 : memref<!tpu.dma_semaphore, #tpu.memory_space<semaphore_mem>>)
    %dma_start3A_82 = arith.constant 0 : i32
    %dma_start3A_83 = arith.constant 0 : i32
    %dma_start3A_84 = tpu.memref_slice %arg7[%dma_start3A_82, %dma_start3A_83] : memref<12288x256xf32, #tpu.memory_space<hbm>> -> memref<12288x256xf32, #tpu.memory_space<hbm>>
    tpu.enqueue_indirect_dma source(%arg10 : memref<64x256xf32, #tpu.memory_space<vmem>>) target(%dma_start3A_84 : memref<12288x256xf32, #tpu.memory_space<hbm>>) offsets(%arg14 : memref<64xi32, #tpu.memory_space<vmem>>) semaphore(%arg16 : memref<!tpu.dma_semaphore, #tpu.memory_space<semaphore_mem>>)
    %dma_wait3A_85 = arith.constant 0 : i32
    %dma_wait3A_86 = arith.constant 0 : i32
    %dma_wait3A_87 = tpu.memref_slice %arg8[%dma_wait3A_85, %dma_wait3A_86] : memref<12288x128xf32, #tpu.memory_space<hbm>> -> memref<12288x128xf32, #tpu.memory_space<hbm>>
    tpu.wait_indirect_dma semaphore(%arg16 : memref<!tpu.dma_semaphore, #tpu.memory_space<semaphore_mem>>) src(%arg11 : memref<64x128xf32, #tpu.memory_space<vmem>>) dst(%dma_wait3A_87 : memref<12288x128xf32, #tpu.memory_space<hbm>>)
    %dma_wait3A_88 = arith.constant 0 : i32
    %dma_wait3A_89 = arith.constant 0 : i32
    %dma_wait3A_90 = tpu.memref_slice %arg6[%dma_wait3A_88, %dma_wait3A_89] : memref<12288x1024xf32, #tpu.memory_space<hbm>> -> memref<12288x1024xf32, #tpu.memory_space<hbm>>
    tpu.wait_indirect_dma semaphore(%arg16 : memref<!tpu.dma_semaphore, #tpu.memory_space<semaphore_mem>>) src(%arg9 : memref<64x1024xf32, #tpu.memory_space<vmem>>) dst(%dma_wait3A_90 : memref<12288x1024xf32, #tpu.memory_space<hbm>>)
    %dma_wait3A_91 = arith.constant 0 : i32
    %dma_wait3A_92 = arith.constant 0 : i32
    %dma_wait3A_93 = tpu.memref_slice %arg7[%dma_wait3A_91, %dma_wait3A_92] : memref<12288x256xf32, #tpu.memory_space<hbm>> -> memref<12288x256xf32, #tpu.memory_space<hbm>>
    tpu.wait_indirect_dma semaphore(%arg16 : memref<!tpu.dma_semaphore, #tpu.memory_space<semaphore_mem>>) src(%arg10 : memref<64x256xf32, #tpu.memory_space<vmem>>) dst(%dma_wait3A_93 : memref<12288x256xf32, #tpu.memory_space<hbm>>)
    %dma_wait3A_94 = arith.constant 0 : i32
    %dma_wait3A_95 = arith.constant 0 : i32
    %dma_wait3A_96 = tpu.memref_slice %arg8[%dma_wait3A_94, %dma_wait3A_95] : memref<12288x128xf32, #tpu.memory_space<hbm>> -> memref<12288x128xf32, #tpu.memory_space<hbm>>
    tpu.wait_indirect_dma semaphore(%arg16 : memref<!tpu.dma_semaphore, #tpu.memory_space<semaphore_mem>>) src(%arg12 : memref<64x128xf32, #tpu.memory_space<vmem>>) dst(%dma_wait3A_96 : memref<12288x128xf32, #tpu.memory_space<hbm>>)
    %dma_wait3A_97 = arith.constant 0 : i32
    %dma_wait3A_98 = arith.constant 0 : i32
    %dma_wait3A_99 = tpu.memref_slice %arg6[%dma_wait3A_97, %dma_wait3A_98] : memref<12288x1024xf32, #tpu.memory_space<hbm>> -> memref<12288x1024xf32, #tpu.memory_space<hbm>>
    tpu.wait_indirect_dma semaphore(%arg16 : memref<!tpu.dma_semaphore, #tpu.memory_space<semaphore_mem>>) src(%arg9 : memref<64x1024xf32, #tpu.memory_space<vmem>>) dst(%dma_wait3A_99 : memref<12288x1024xf32, #tpu.memory_space<hbm>>)
    %dma_wait3A_100 = arith.constant 0 : i32
    %dma_wait3A_101 = arith.constant 0 : i32
    %dma_wait3A_102 = tpu.memref_slice %arg7[%dma_wait3A_100, %dma_wait3A_101] : memref<12288x256xf32, #tpu.memory_space<hbm>> -> memref<12288x256xf32, #tpu.memory_space<hbm>>
    tpu.wait_indirect_dma semaphore(%arg16 : memref<!tpu.dma_semaphore, #tpu.memory_space<semaphore_mem>>) src(%arg10 : memref<64x256xf32, #tpu.memory_space<vmem>>) dst(%dma_wait3A_102 : memref<12288x256xf32, #tpu.memory_space<hbm>>)
    %add3A_103 = arith.constant 64 : i32
    %add3A_104 = arith.addi %mul3A_2, %add3A_103 : i32
    %dma_start3A_105 = arith.constant 0 : i32
    %dma_start3A_106 = tpu.memref_slice %arg2[%add3A_104, %dma_start3A_105] : memref<4096x1024xf32, #tpu.memory_space<hbm>> -> memref<64x1024xf32, #tpu.memory_space<hbm>>
    %dma_start3A_107 = arith.constant 0 : i32
    %dma_start3A_108 = tpu.memref_slice %arg2[%add3A_104, %dma_start3A_107] : memref<4096x1024xf32, #tpu.memory_space<hbm>> -> memref<64x1024xf32, #tpu.memory_space<hbm>>
    tpu.enqueue_dma source(%dma_start3A_108 : memref<64x1024xf32, #tpu.memory_space<hbm>>) target(%arg9 : memref<64x1024xf32, #tpu.memory_space<vmem>>) target_semaphore(%arg15 : memref<!tpu.dma_semaphore, #tpu.memory_space<semaphore_mem>>)
    %dma_start3A_109 = arith.constant 0 : i32
    %dma_start3A_110 = tpu.memref_slice %arg3[%add3A_104, %dma_start3A_109] : memref<4096x256xf32, #tpu.memory_space<hbm>> -> memref<64x256xf32, #tpu.memory_space<hbm>>
    %dma_start3A_111 = arith.constant 0 : i32
    %dma_start3A_112 = tpu.memref_slice %arg3[%add3A_104, %dma_start3A_111] : memref<4096x256xf32, #tpu.memory_space<hbm>> -> memref<64x256xf32, #tpu.memory_space<hbm>>
    tpu.enqueue_dma source(%dma_start3A_112 : memref<64x256xf32, #tpu.memory_space<hbm>>) target(%arg10 : memref<64x256xf32, #tpu.memory_space<vmem>>) target_semaphore(%arg15 : memref<!tpu.dma_semaphore, #tpu.memory_space<semaphore_mem>>)
    %dma_start3A_113 = arith.constant 0 : i32
    %dma_start3A_114 = tpu.memref_slice %arg4[%dma_start3A_113, %add3A_104] : memref<2x4096xi32, #tpu.memory_space<hbm>> -> memref<1x64xi32, #tpu.memory_space<hbm>>
    %dma_start3A_115 = tpu.memref_squeeze %dma_start3A_114 : memref<1x64xi32, #tpu.memory_space<hbm>> -> memref<64xi32, #tpu.memory_space<hbm>>
    %dma_start3A_116 = tpu.memref_slice %arg4[%dma_start3A_113, %add3A_104] : memref<2x4096xi32, #tpu.memory_space<hbm>> -> memref<1x64xi32, #tpu.memory_space<hbm>>
    %dma_start3A_117 = tpu.memref_squeeze %dma_start3A_116 : memref<1x64xi32, #tpu.memory_space<hbm>> -> memref<64xi32, #tpu.memory_space<hbm>>
    tpu.enqueue_dma source(%dma_start3A_117 : memref<64xi32, #tpu.memory_space<hbm>>) target(%arg13 : memref<64xi32, #tpu.memory_space<vmem>>) target_semaphore(%arg15 : memref<!tpu.dma_semaphore, #tpu.memory_space<semaphore_mem>>)
    %dma_start3A_118 = arith.constant 1 : i32
    %dma_start3A_119 = tpu.memref_slice %arg4[%dma_start3A_118, %add3A_104] : memref<2x4096xi32, #tpu.memory_space<hbm>> -> memref<1x64xi32, #tpu.memory_space<hbm>>
    %dma_start3A_120 = tpu.memref_squeeze %dma_start3A_119 : memref<1x64xi32, #tpu.memory_space<hbm>> -> memref<64xi32, #tpu.memory_space<hbm>>
    %dma_start3A_121 = tpu.memref_slice %arg4[%dma_start3A_118, %add3A_104] : memref<2x4096xi32, #tpu.memory_space<hbm>> -> memref<1x64xi32, #tpu.memory_space<hbm>>
    %dma_start3A_122 = tpu.memref_squeeze %dma_start3A_121 : memref<1x64xi32, #tpu.memory_space<hbm>> -> memref<64xi32, #tpu.memory_space<hbm>>
    tpu.enqueue_dma source(%dma_start3A_122 : memref<64xi32, #tpu.memory_space<hbm>>) target(%arg14 : memref<64xi32, #tpu.memory_space<vmem>>) target_semaphore(%arg15 : memref<!tpu.dma_semaphore, #tpu.memory_space<semaphore_mem>>)
    %dma_start3A_123 = arith.constant 0 : i32
    %dma_start3A_124 = arith.constant 0 : i32
    %dma_start3A_125 = tpu.memref_slice %arg5[%dma_start3A_123, %add3A_104, %dma_start3A_124] : memref<2x4096x128xf32, #tpu.memory_space<hbm>> -> memref<1x64x128xf32, #tpu.memory_space<hbm>>
    %dma_start3A_126 = tpu.memref_squeeze %dma_start3A_125 : memref<1x64x128xf32, #tpu.memory_space<hbm>> -> memref<64x128xf32, #tpu.memory_space<hbm>>
    %dma_start3A_127 = arith.constant 0 : i32
    %dma_start3A_128 = tpu.memref_slice %arg5[%dma_start3A_123, %add3A_104, %dma_start3A_127] : memref<2x4096x128xf32, #tpu.memory_space<hbm>> -> memref<1x64x128xf32, #tpu.memory_space<hbm>>
    %dma_start3A_129 = tpu.memref_squeeze %dma_start3A_128 : memref<1x64x128xf32, #tpu.memory_space<hbm>> -> memref<64x128xf32, #tpu.memory_space<hbm>>
    tpu.enqueue_dma source(%dma_start3A_129 : memref<64x128xf32, #tpu.memory_space<hbm>>) target(%arg11 : memref<64x128xf32, #tpu.memory_space<vmem>>) target_semaphore(%arg15 : memref<!tpu.dma_semaphore, #tpu.memory_space<semaphore_mem>>)
    %dma_start3A_130 = arith.constant 1 : i32
    %dma_start3A_131 = arith.constant 0 : i32
    %dma_start3A_132 = tpu.memref_slice %arg5[%dma_start3A_130, %add3A_104, %dma_start3A_131] : memref<2x4096x128xf32, #tpu.memory_space<hbm>> -> memref<1x64x128xf32, #tpu.memory_space<hbm>>
    %dma_start3A_133 = tpu.memref_squeeze %dma_start3A_132 : memref<1x64x128xf32, #tpu.memory_space<hbm>> -> memref<64x128xf32, #tpu.memory_space<hbm>>
    %dma_start3A_134 = arith.constant 0 : i32
    %dma_start3A_135 = tpu.memref_slice %arg5[%dma_start3A_130, %add3A_104, %dma_start3A_134] : memref<2x4096x128xf32, #tpu.memory_space<hbm>> -> memref<1x64x128xf32, #tpu.memory_space<hbm>>
    %dma_start3A_136 = tpu.memref_squeeze %dma_start3A_135 : memref<1x64x128xf32, #tpu.memory_space<hbm>> -> memref<64x128xf32, #tpu.memory_space<hbm>>
    tpu.enqueue_dma source(%dma_start3A_136 : memref<64x128xf32, #tpu.memory_space<hbm>>) target(%arg12 : memref<64x128xf32, #tpu.memory_space<vmem>>) target_semaphore(%arg15 : memref<!tpu.dma_semaphore, #tpu.memory_space<semaphore_mem>>)
    %dma_wait3A_137 = arith.constant 0 : i32
    %dma_wait3A_138 = tpu.memref_slice %arg2[%add3A_104, %dma_wait3A_137] : memref<4096x1024xf32, #tpu.memory_space<hbm>> -> memref<64x1024xf32, #tpu.memory_space<hbm>>
    %dma_wait3A_139 = arith.constant 0 : i32
    %dma_wait3A_140 = tpu.memref_slice %arg2[%add3A_104, %dma_wait3A_139] : memref<4096x1024xf32, #tpu.memory_space<hbm>> -> memref<64x1024xf32, #tpu.memory_space<hbm>>
    tpu.wait_dma2 semaphore(%arg15 : memref<!tpu.dma_semaphore, #tpu.memory_space<semaphore_mem>>) src(%dma_wait3A_140 : memref<64x1024xf32, #tpu.memory_space<hbm>>) dst(%arg9 : memref<64x1024xf32, #tpu.memory_space<vmem>>)
    %dma_wait3A_141 = arith.constant 0 : i32
    %dma_wait3A_142 = tpu.memref_slice %arg3[%add3A_104, %dma_wait3A_141] : memref<4096x256xf32, #tpu.memory_space<hbm>> -> memref<64x256xf32, #tpu.memory_space<hbm>>
    %dma_wait3A_143 = arith.constant 0 : i32
    %dma_wait3A_144 = tpu.memref_slice %arg3[%add3A_104, %dma_wait3A_143] : memref<4096x256xf32, #tpu.memory_space<hbm>> -> memref<64x256xf32, #tpu.memory_space<hbm>>
    tpu.wait_dma2 semaphore(%arg15 : memref<!tpu.dma_semaphore, #tpu.memory_space<semaphore_mem>>) src(%dma_wait3A_144 : memref<64x256xf32, #tpu.memory_space<hbm>>) dst(%arg10 : memref<64x256xf32, #tpu.memory_space<vmem>>)
    %dma_wait3A_145 = arith.constant 0 : i32
    %dma_wait3A_146 = tpu.memref_slice %arg4[%dma_wait3A_145, %add3A_104] : memref<2x4096xi32, #tpu.memory_space<hbm>> -> memref<1x64xi32, #tpu.memory_space<hbm>>
    %dma_wait3A_147 = tpu.memref_squeeze %dma_wait3A_146 : memref<1x64xi32, #tpu.memory_space<hbm>> -> memref<64xi32, #tpu.memory_space<hbm>>
    %dma_wait3A_148 = tpu.memref_slice %arg4[%dma_wait3A_145, %add3A_104] : memref<2x4096xi32, #tpu.memory_space<hbm>> -> memref<1x64xi32, #tpu.memory_space<hbm>>
    %dma_wait3A_149 = tpu.memref_squeeze %dma_wait3A_148 : memref<1x64xi32, #tpu.memory_space<hbm>> -> memref<64xi32, #tpu.memory_space<hbm>>
    tpu.wait_dma2 semaphore(%arg15 : memref<!tpu.dma_semaphore, #tpu.memory_space<semaphore_mem>>) src(%dma_wait3A_149 : memref<64xi32, #tpu.memory_space<hbm>>) dst(%arg13 : memref<64xi32, #tpu.memory_space<vmem>>)
    %dma_wait3A_150 = arith.constant 1 : i32
    %dma_wait3A_151 = tpu.memref_slice %arg4[%dma_wait3A_150, %add3A_104] : memref<2x4096xi32, #tpu.memory_space<hbm>> -> memref<1x64xi32, #tpu.memory_space<hbm>>
    %dma_wait3A_152 = tpu.memref_squeeze %dma_wait3A_151 : memref<1x64xi32, #tpu.memory_space<hbm>> -> memref<64xi32, #tpu.memory_space<hbm>>
    %dma_wait3A_153 = tpu.memref_slice %arg4[%dma_wait3A_150, %add3A_104] : memref<2x4096xi32, #tpu.memory_space<hbm>> -> memref<1x64xi32, #tpu.memory_space<hbm>>
    %dma_wait3A_154 = tpu.memref_squeeze %dma_wait3A_153 : memref<1x64xi32, #tpu.memory_space<hbm>> -> memref<64xi32, #tpu.memory_space<hbm>>
    tpu.wait_dma2 semaphore(%arg15 : memref<!tpu.dma_semaphore, #tpu.memory_space<semaphore_mem>>) src(%dma_wait3A_154 : memref<64xi32, #tpu.memory_space<hbm>>) dst(%arg14 : memref<64xi32, #tpu.memory_space<vmem>>)
    %dma_wait3A_155 = arith.constant 0 : i32
    %dma_wait3A_156 = arith.constant 0 : i32
    %dma_wait3A_157 = tpu.memref_slice %arg5[%dma_wait3A_155, %add3A_104, %dma_wait3A_156] : memref<2x4096x128xf32, #tpu.memory_space<hbm>> -> memref<1x64x128xf32, #tpu.memory_space<hbm>>
    %dma_wait3A_158 = tpu.memref_squeeze %dma_wait3A_157 : memref<1x64x128xf32, #tpu.memory_space<hbm>> -> memref<64x128xf32, #tpu.memory_space<hbm>>
    %dma_wait3A_159 = arith.constant 0 : i32
    %dma_wait3A_160 = tpu.memref_slice %arg5[%dma_wait3A_155, %add3A_104, %dma_wait3A_159] : memref<2x4096x128xf32, #tpu.memory_space<hbm>> -> memref<1x64x128xf32, #tpu.memory_space<hbm>>
    %dma_wait3A_161 = tpu.memref_squeeze %dma_wait3A_160 : memref<1x64x128xf32, #tpu.memory_space<hbm>> -> memref<64x128xf32, #tpu.memory_space<hbm>>
    tpu.wait_dma2 semaphore(%arg15 : memref<!tpu.dma_semaphore, #tpu.memory_space<semaphore_mem>>) src(%dma_wait3A_161 : memref<64x128xf32, #tpu.memory_space<hbm>>) dst(%arg11 : memref<64x128xf32, #tpu.memory_space<vmem>>)
    %dma_wait3A_162 = arith.constant 1 : i32
    %dma_wait3A_163 = arith.constant 0 : i32
    %dma_wait3A_164 = tpu.memref_slice %arg5[%dma_wait3A_162, %add3A_104, %dma_wait3A_163] : memref<2x4096x128xf32, #tpu.memory_space<hbm>> -> memref<1x64x128xf32, #tpu.memory_space<hbm>>
    %dma_wait3A_165 = tpu.memref_squeeze %dma_wait3A_164 : memref<1x64x128xf32, #tpu.memory_space<hbm>> -> memref<64x128xf32, #tpu.memory_space<hbm>>
    %dma_wait3A_166 = arith.constant 0 : i32
    %dma_wait3A_167 = tpu.memref_slice %arg5[%dma_wait3A_162, %add3A_104, %dma_wait3A_166] : memref<2x4096x128xf32, #tpu.memory_space<hbm>> -> memref<1x64x128xf32, #tpu.memory_space<hbm>>
    %dma_wait3A_168 = tpu.memref_squeeze %dma_wait3A_167 : memref<1x64x128xf32, #tpu.memory_space<hbm>> -> memref<64x128xf32, #tpu.memory_space<hbm>>
    tpu.wait_dma2 semaphore(%arg15 : memref<!tpu.dma_semaphore, #tpu.memory_space<semaphore_mem>>) src(%dma_wait3A_168 : memref<64x128xf32, #tpu.memory_space<hbm>>) dst(%arg12 : memref<64x128xf32, #tpu.memory_space<vmem>>)
    %dma_start3A_169 = arith.constant 0 : i32
    %dma_start3A_170 = arith.constant 0 : i32
    %dma_start3A_171 = tpu.memref_slice %arg8[%dma_start3A_169, %dma_start3A_170] : memref<12288x128xf32, #tpu.memory_space<hbm>> -> memref<12288x128xf32, #tpu.memory_space<hbm>>
    tpu.enqueue_indirect_dma source(%arg11 : memref<64x128xf32, #tpu.memory_space<vmem>>) target(%dma_start3A_171 : memref<12288x128xf32, #tpu.memory_space<hbm>>) offsets(%arg13 : memref<64xi32, #tpu.memory_space<vmem>>) semaphore(%arg16 : memref<!tpu.dma_semaphore, #tpu.memory_space<semaphore_mem>>)
    %dma_start3A_172 = arith.constant 0 : i32
    %dma_start3A_173 = arith.constant 0 : i32
    %dma_start3A_174 = tpu.memref_slice %arg6[%dma_start3A_172, %dma_start3A_173] : memref<12288x1024xf32, #tpu.memory_space<hbm>> -> memref<12288x1024xf32, #tpu.memory_space<hbm>>
    tpu.enqueue_indirect_dma source(%arg9 : memref<64x1024xf32, #tpu.memory_space<vmem>>) target(%dma_start3A_174 : memref<12288x1024xf32, #tpu.memory_space<hbm>>) offsets(%arg13 : memref<64xi32, #tpu.memory_space<vmem>>) semaphore(%arg16 : memref<!tpu.dma_semaphore, #tpu.memory_space<semaphore_mem>>)
    %dma_start3A_175 = arith.constant 0 : i32
    %dma_start3A_176 = arith.constant 0 : i32
    %dma_start3A_177 = tpu.memref_slice %arg7[%dma_start3A_175, %dma_start3A_176] : memref<12288x256xf32, #tpu.memory_space<hbm>> -> memref<12288x256xf32, #tpu.memory_space<hbm>>
    tpu.enqueue_indirect_dma source(%arg10 : memref<64x256xf32, #tpu.memory_space<vmem>>) target(%dma_start3A_177 : memref<12288x256xf32, #tpu.memory_space<hbm>>) offsets(%arg13 : memref<64xi32, #tpu.memory_space<vmem>>) semaphore(%arg16 : memref<!tpu.dma_semaphore, #tpu.memory_space<semaphore_mem>>)
    %dma_start3A_178 = arith.constant 0 : i32
    %dma_start3A_179 = arith.constant 0 : i32
    %dma_start3A_180 = tpu.memref_slice %arg8[%dma_start3A_178, %dma_start3A_179] : memref<12288x128xf32, #tpu.memory_space<hbm>> -> memref<12288x128xf32, #tpu.memory_space<hbm>>
    tpu.enqueue_indirect_dma source(%arg12 : memref<64x128xf32, #tpu.memory_space<vmem>>) target(%dma_start3A_180 : memref<12288x128xf32, #tpu.memory_space<hbm>>) offsets(%arg14 : memref<64xi32, #tpu.memory_space<vmem>>) semaphore(%arg16 : memref<!tpu.dma_semaphore, #tpu.memory_space<semaphore_mem>>)
    %dma_start3A_181 = arith.constant 0 : i32
    %dma_start3A_182 = arith.constant 0 : i32
    %dma_start3A_183 = tpu.memref_slice %arg6[%dma_start3A_181, %dma_start3A_182] : memref<12288x1024xf32, #tpu.memory_space<hbm>> -> memref<12288x1024xf32, #tpu.memory_space<hbm>>
    tpu.enqueue_indirect_dma source(%arg9 : memref<64x1024xf32, #tpu.memory_space<vmem>>) target(%dma_start3A_183 : memref<12288x1024xf32, #tpu.memory_space<hbm>>) offsets(%arg14 : memref<64xi32, #tpu.memory_space<vmem>>) semaphore(%arg16 : memref<!tpu.dma_semaphore, #tpu.memory_space<semaphore_mem>>)
    %dma_start3A_184 = arith.constant 0 : i32
    %dma_start3A_185 = arith.constant 0 : i32
    %dma_start3A_186 = tpu.memref_slice %arg7[%dma_start3A_184, %dma_start3A_185] : memref<12288x256xf32, #tpu.memory_space<hbm>> -> memref<12288x256xf32, #tpu.memory_space<hbm>>
    tpu.enqueue_indirect_dma source(%arg10 : memref<64x256xf32, #tpu.memory_space<vmem>>) target(%dma_start3A_186 : memref<12288x256xf32, #tpu.memory_space<hbm>>) offsets(%arg14 : memref<64xi32, #tpu.memory_space<vmem>>) semaphore(%arg16 : memref<!tpu.dma_semaphore, #tpu.memory_space<semaphore_mem>>)
    %dma_wait3A_187 = arith.constant 0 : i32
    %dma_wait3A_188 = arith.constant 0 : i32
    %dma_wait3A_189 = tpu.memref_slice %arg8[%dma_wait3A_187, %dma_wait3A_188] : memref<12288x128xf32, #tpu.memory_space<hbm>> -> memref<12288x128xf32, #tpu.memory_space<hbm>>
    tpu.wait_indirect_dma semaphore(%arg16 : memref<!tpu.dma_semaphore, #tpu.memory_space<semaphore_mem>>) src(%arg11 : memref<64x128xf32, #tpu.memory_space<vmem>>) dst(%dma_wait3A_189 : memref<12288x128xf32, #tpu.memory_space<hbm>>)
    %dma_wait3A_190 = arith.constant 0 : i32
    %dma_wait3A_191 = arith.constant 0 : i32
    %dma_wait3A_192 = tpu.memref_slice %arg6[%dma_wait3A_190, %dma_wait3A_191] : memref<12288x1024xf32, #tpu.memory_space<hbm>> -> memref<12288x1024xf32, #tpu.memory_space<hbm>>
    tpu.wait_indirect_dma semaphore(%arg16 : memref<!tpu.dma_semaphore, #tpu.memory_space<semaphore_mem>>) src(%arg9 : memref<64x1024xf32, #tpu.memory_space<vmem>>) dst(%dma_wait3A_192 : memref<12288x1024xf32, #tpu.memory_space<hbm>>)
    %dma_wait3A_193 = arith.constant 0 : i32
    %dma_wait3A_194 = arith.constant 0 : i32
    %dma_wait3A_195 = tpu.memref_slice %arg7[%dma_wait3A_193, %dma_wait3A_194] : memref<12288x256xf32, #tpu.memory_space<hbm>> -> memref<12288x256xf32, #tpu.memory_space<hbm>>
    tpu.wait_indirect_dma semaphore(%arg16 : memref<!tpu.dma_semaphore, #tpu.memory_space<semaphore_mem>>) src(%arg10 : memref<64x256xf32, #tpu.memory_space<vmem>>) dst(%dma_wait3A_195 : memref<12288x256xf32, #tpu.memory_space<hbm>>)
    %dma_wait3A_196 = arith.constant 0 : i32
    %dma_wait3A_197 = arith.constant 0 : i32
    %dma_wait3A_198 = tpu.memref_slice %arg8[%dma_wait3A_196, %dma_wait3A_197] : memref<12288x128xf32, #tpu.memory_space<hbm>> -> memref<12288x128xf32, #tpu.memory_space<hbm>>
    tpu.wait_indirect_dma semaphore(%arg16 : memref<!tpu.dma_semaphore, #tpu.memory_space<semaphore_mem>>) src(%arg12 : memref<64x128xf32, #tpu.memory_space<vmem>>) dst(%dma_wait3A_198 : memref<12288x128xf32, #tpu.memory_space<hbm>>)
    %dma_wait3A_199 = arith.constant 0 : i32
    %dma_wait3A_200 = arith.constant 0 : i32
    %dma_wait3A_201 = tpu.memref_slice %arg6[%dma_wait3A_199, %dma_wait3A_200] : memref<12288x1024xf32, #tpu.memory_space<hbm>> -> memref<12288x1024xf32, #tpu.memory_space<hbm>>
    tpu.wait_indirect_dma semaphore(%arg16 : memref<!tpu.dma_semaphore, #tpu.memory_space<semaphore_mem>>) src(%arg9 : memref<64x1024xf32, #tpu.memory_space<vmem>>) dst(%dma_wait3A_201 : memref<12288x1024xf32, #tpu.memory_space<hbm>>)
    %dma_wait3A_202 = arith.constant 0 : i32
    %dma_wait3A_203 = arith.constant 0 : i32
    %dma_wait3A_204 = tpu.memref_slice %arg7[%dma_wait3A_202, %dma_wait3A_203] : memref<12288x256xf32, #tpu.memory_space<hbm>> -> memref<12288x256xf32, #tpu.memory_space<hbm>>
    tpu.wait_indirect_dma semaphore(%arg16 : memref<!tpu.dma_semaphore, #tpu.memory_space<semaphore_mem>>) src(%arg10 : memref<64x256xf32, #tpu.memory_space<vmem>>) dst(%dma_wait3A_204 : memref<12288x256xf32, #tpu.memory_space<hbm>>)
    return
  }
}

#map = affine_map<(d0, d1) -> (0, 0)>
module attributes {stable_mosaic.version = 14 : i64} {
  func.func @_combine_body(%arg0: i32, %arg1: i32, %arg2: memref<12288x128xf32, #tpu.memory_space<hbm>>, %arg3: memref<2x4096xi32, #tpu.memory_space<hbm>>, %arg4: memref<2x4096xi32, #tpu.memory_space<hbm>>, %arg5: memref<128x128xf32, #tpu.memory_space<hbm>>, %arg6: memref<32768x128xf32, #tpu.memory_space<hbm>>, %arg7: memref<128x128xf32, #tpu.memory_space<vmem>>, %arg8: memref<128x128xf32, #tpu.memory_space<vmem>>, %arg9: memref<2x128xi32, #tpu.memory_space<vmem>>, %arg10: memref<2x128xi32, #tpu.memory_space<vmem>>, %arg11: memref<!tpu.dma_semaphore, #tpu.memory_space<semaphore_mem>>, %arg12: memref<!tpu.dma_semaphore, #tpu.memory_space<semaphore_mem>>) attributes {dimension_semantics = [#tpu.dimension_semantics<core_parallel>, #tpu.dimension_semantics<subcore_parallel>], iteration_bounds = array<i64: 2, 16>, scalar_prefetch = 0 : i64, scratch_operands = 6 : i64, tpu.core_type = #tpu.core_type<sc_vector_subcore>, window_params = [{transform_indices = #map}, {transform_indices = #map}, {transform_indices = #map}, {transform_indices = #map}, {transform_indices = #map}]} {
    %mul3A = arith.constant 2 : i32
    %mul3A_0 = arith.muli %arg1, %mul3A : i32
    %add3A = arith.addi %mul3A_0, %arg0 : i32
    %mul3A_1 = arith.constant 128 : i32
    %mul3A_2 = arith.muli %add3A, %mul3A_1 : i32
    %mul3A_3 = arith.constant 1024 : i32
    %mul3A_4 = arith.muli %add3A, %mul3A_3 : i32
    "tpu.region"() ({
      %run_scoped3A = tpu.sem_alloc : memref<!tpu.dma_semaphore, #tpu.memory_space<semaphore_mem>>
      tpu.enqueue_dma source(%arg5 : memref<128x128xf32, #tpu.memory_space<hbm>>) target(%arg8 : memref<128x128xf32, #tpu.memory_space<vmem>>) target_semaphore(%run_scoped3A : memref<!tpu.dma_semaphore, #tpu.memory_space<semaphore_mem>>)
      tpu.wait_dma2 semaphore(%run_scoped3A : memref<!tpu.dma_semaphore, #tpu.memory_space<semaphore_mem>>) src(%arg5 : memref<128x128xf32, #tpu.memory_space<hbm>>) dst(%arg8 : memref<128x128xf32, #tpu.memory_space<vmem>>)
      tpu.yield
    }) : () -> ()
    %add3A_5 = arith.constant 0 : i32
    %add3A_6 = arith.addi %mul3A_4, %add3A_5 : i32
    %dma_start3A = arith.constant 0 : i32
    %dma_start3A_7 = tpu.memref_slice %arg6[%add3A_6, %dma_start3A] : memref<32768x128xf32, #tpu.memory_space<hbm>> -> memref<128x128xf32, #tpu.memory_space<hbm>>
    %dma_start3A_8 = arith.constant 0 : i32
    %dma_start3A_9 = tpu.memref_slice %arg6[%add3A_6, %dma_start3A_8] : memref<32768x128xf32, #tpu.memory_space<hbm>> -> memref<128x128xf32, #tpu.memory_space<hbm>>
    tpu.enqueue_dma source(%arg8 : memref<128x128xf32, #tpu.memory_space<vmem>>) target(%dma_start3A_9 : memref<128x128xf32, #tpu.memory_space<hbm>>) target_semaphore(%arg12 : memref<!tpu.dma_semaphore, #tpu.memory_space<semaphore_mem>>)
    %add3A_10 = arith.constant 128 : i32
    %add3A_11 = arith.addi %mul3A_4, %add3A_10 : i32
    %dma_start3A_12 = arith.constant 0 : i32
    %dma_start3A_13 = tpu.memref_slice %arg6[%add3A_11, %dma_start3A_12] : memref<32768x128xf32, #tpu.memory_space<hbm>> -> memref<128x128xf32, #tpu.memory_space<hbm>>
    %dma_start3A_14 = arith.constant 0 : i32
    %dma_start3A_15 = tpu.memref_slice %arg6[%add3A_11, %dma_start3A_14] : memref<32768x128xf32, #tpu.memory_space<hbm>> -> memref<128x128xf32, #tpu.memory_space<hbm>>
    tpu.enqueue_dma source(%arg8 : memref<128x128xf32, #tpu.memory_space<vmem>>) target(%dma_start3A_15 : memref<128x128xf32, #tpu.memory_space<hbm>>) target_semaphore(%arg12 : memref<!tpu.dma_semaphore, #tpu.memory_space<semaphore_mem>>)
    %add3A_16 = arith.constant 256 : i32
    %add3A_17 = arith.addi %mul3A_4, %add3A_16 : i32
    %dma_start3A_18 = arith.constant 0 : i32
    %dma_start3A_19 = tpu.memref_slice %arg6[%add3A_17, %dma_start3A_18] : memref<32768x128xf32, #tpu.memory_space<hbm>> -> memref<128x128xf32, #tpu.memory_space<hbm>>
    %dma_start3A_20 = arith.constant 0 : i32
    %dma_start3A_21 = tpu.memref_slice %arg6[%add3A_17, %dma_start3A_20] : memref<32768x128xf32, #tpu.memory_space<hbm>> -> memref<128x128xf32, #tpu.memory_space<hbm>>
    tpu.enqueue_dma source(%arg8 : memref<128x128xf32, #tpu.memory_space<vmem>>) target(%dma_start3A_21 : memref<128x128xf32, #tpu.memory_space<hbm>>) target_semaphore(%arg12 : memref<!tpu.dma_semaphore, #tpu.memory_space<semaphore_mem>>)
    %add3A_22 = arith.constant 384 : i32
    %add3A_23 = arith.addi %mul3A_4, %add3A_22 : i32
    %dma_start3A_24 = arith.constant 0 : i32
    %dma_start3A_25 = tpu.memref_slice %arg6[%add3A_23, %dma_start3A_24] : memref<32768x128xf32, #tpu.memory_space<hbm>> -> memref<128x128xf32, #tpu.memory_space<hbm>>
    %dma_start3A_26 = arith.constant 0 : i32
    %dma_start3A_27 = tpu.memref_slice %arg6[%add3A_23, %dma_start3A_26] : memref<32768x128xf32, #tpu.memory_space<hbm>> -> memref<128x128xf32, #tpu.memory_space<hbm>>
    tpu.enqueue_dma source(%arg8 : memref<128x128xf32, #tpu.memory_space<vmem>>) target(%dma_start3A_27 : memref<128x128xf32, #tpu.memory_space<hbm>>) target_semaphore(%arg12 : memref<!tpu.dma_semaphore, #tpu.memory_space<semaphore_mem>>)
    %add3A_28 = arith.constant 512 : i32
    %add3A_29 = arith.addi %mul3A_4, %add3A_28 : i32
    %dma_start3A_30 = arith.constant 0 : i32
    %dma_start3A_31 = tpu.memref_slice %arg6[%add3A_29, %dma_start3A_30] : memref<32768x128xf32, #tpu.memory_space<hbm>> -> memref<128x128xf32, #tpu.memory_space<hbm>>
    %dma_start3A_32 = arith.constant 0 : i32
    %dma_start3A_33 = tpu.memref_slice %arg6[%add3A_29, %dma_start3A_32] : memref<32768x128xf32, #tpu.memory_space<hbm>> -> memref<128x128xf32, #tpu.memory_space<hbm>>
    tpu.enqueue_dma source(%arg8 : memref<128x128xf32, #tpu.memory_space<vmem>>) target(%dma_start3A_33 : memref<128x128xf32, #tpu.memory_space<hbm>>) target_semaphore(%arg12 : memref<!tpu.dma_semaphore, #tpu.memory_space<semaphore_mem>>)
    %add3A_34 = arith.constant 640 : i32
    %add3A_35 = arith.addi %mul3A_4, %add3A_34 : i32
    %dma_start3A_36 = arith.constant 0 : i32
    %dma_start3A_37 = tpu.memref_slice %arg6[%add3A_35, %dma_start3A_36] : memref<32768x128xf32, #tpu.memory_space<hbm>> -> memref<128x128xf32, #tpu.memory_space<hbm>>
    %dma_start3A_38 = arith.constant 0 : i32
    %dma_start3A_39 = tpu.memref_slice %arg6[%add3A_35, %dma_start3A_38] : memref<32768x128xf32, #tpu.memory_space<hbm>> -> memref<128x128xf32, #tpu.memory_space<hbm>>
    tpu.enqueue_dma source(%arg8 : memref<128x128xf32, #tpu.memory_space<vmem>>) target(%dma_start3A_39 : memref<128x128xf32, #tpu.memory_space<hbm>>) target_semaphore(%arg12 : memref<!tpu.dma_semaphore, #tpu.memory_space<semaphore_mem>>)
    %add3A_40 = arith.constant 768 : i32
    %add3A_41 = arith.addi %mul3A_4, %add3A_40 : i32
    %dma_start3A_42 = arith.constant 0 : i32
    %dma_start3A_43 = tpu.memref_slice %arg6[%add3A_41, %dma_start3A_42] : memref<32768x128xf32, #tpu.memory_space<hbm>> -> memref<128x128xf32, #tpu.memory_space<hbm>>
    %dma_start3A_44 = arith.constant 0 : i32
    %dma_start3A_45 = tpu.memref_slice %arg6[%add3A_41, %dma_start3A_44] : memref<32768x128xf32, #tpu.memory_space<hbm>> -> memref<128x128xf32, #tpu.memory_space<hbm>>
    tpu.enqueue_dma source(%arg8 : memref<128x128xf32, #tpu.memory_space<vmem>>) target(%dma_start3A_45 : memref<128x128xf32, #tpu.memory_space<hbm>>) target_semaphore(%arg12 : memref<!tpu.dma_semaphore, #tpu.memory_space<semaphore_mem>>)
    %add3A_46 = arith.constant 896 : i32
    %add3A_47 = arith.addi %mul3A_4, %add3A_46 : i32
    %dma_start3A_48 = arith.constant 0 : i32
    %dma_start3A_49 = tpu.memref_slice %arg6[%add3A_47, %dma_start3A_48] : memref<32768x128xf32, #tpu.memory_space<hbm>> -> memref<128x128xf32, #tpu.memory_space<hbm>>
    %dma_start3A_50 = arith.constant 0 : i32
    %dma_start3A_51 = tpu.memref_slice %arg6[%add3A_47, %dma_start3A_50] : memref<32768x128xf32, #tpu.memory_space<hbm>> -> memref<128x128xf32, #tpu.memory_space<hbm>>
    tpu.enqueue_dma source(%arg8 : memref<128x128xf32, #tpu.memory_space<vmem>>) target(%dma_start3A_51 : memref<128x128xf32, #tpu.memory_space<hbm>>) target_semaphore(%arg12 : memref<!tpu.dma_semaphore, #tpu.memory_space<semaphore_mem>>)
    %add3A_52 = arith.constant 0 : i32
    %add3A_53 = arith.addi %mul3A_2, %add3A_52 : i32
    %dma_start3A_54 = arith.constant 0 : i32
    %dma_start3A_55 = arith.constant 0 : i32
    %dma_start3A_56 = arith.constant 0 : i32
    %dma_start3A_57 = tpu.memref_slice %arg9[%dma_start3A_55, %dma_start3A_56] : memref<2x128xi32, #tpu.memory_space<vmem>> -> memref<1x64xi32, #tpu.memory_space<vmem>>
    %dma_start3A_58 = tpu.memref_squeeze %dma_start3A_57 : memref<1x64xi32, #tpu.memory_space<vmem>> -> memref<64xi32, #tpu.memory_space<vmem>>
    %dma_start3A_59 = tpu.memref_slice %arg3[%dma_start3A_54, %add3A_53] : memref<2x4096xi32, #tpu.memory_space<hbm>> -> memref<1x64xi32, #tpu.memory_space<hbm>>
    %dma_start3A_60 = tpu.memref_squeeze %dma_start3A_59 : memref<1x64xi32, #tpu.memory_space<hbm>> -> memref<64xi32, #tpu.memory_space<hbm>>
    %dma_start3A_61 = arith.constant 0 : i32
    %dma_start3A_62 = tpu.memref_slice %arg9[%dma_start3A_55, %dma_start3A_61] : memref<2x128xi32, #tpu.memory_space<vmem>> -> memref<1x64xi32, #tpu.memory_space<vmem>>
    %dma_start3A_63 = tpu.memref_squeeze %dma_start3A_62 : memref<1x64xi32, #tpu.memory_space<vmem>> -> memref<64xi32, #tpu.memory_space<vmem>>
    %dma_start3A_64 = tpu.memref_slice %arg3[%dma_start3A_54, %add3A_53] : memref<2x4096xi32, #tpu.memory_space<hbm>> -> memref<1x64xi32, #tpu.memory_space<hbm>>
    %dma_start3A_65 = tpu.memref_squeeze %dma_start3A_64 : memref<1x64xi32, #tpu.memory_space<hbm>> -> memref<64xi32, #tpu.memory_space<hbm>>
    tpu.enqueue_dma source(%dma_start3A_65 : memref<64xi32, #tpu.memory_space<hbm>>) target(%dma_start3A_63 : memref<64xi32, #tpu.memory_space<vmem>>) target_semaphore(%arg11 : memref<!tpu.dma_semaphore, #tpu.memory_space<semaphore_mem>>)
    %dma_start3A_66 = arith.constant 1 : i32
    %dma_start3A_67 = arith.constant 0 : i32
    %dma_start3A_68 = arith.constant 64 : i32
    %dma_start3A_69 = tpu.memref_slice %arg9[%dma_start3A_67, %dma_start3A_68] : memref<2x128xi32, #tpu.memory_space<vmem>> -> memref<1x64xi32, #tpu.memory_space<vmem>>
    %dma_start3A_70 = tpu.memref_squeeze %dma_start3A_69 : memref<1x64xi32, #tpu.memory_space<vmem>> -> memref<64xi32, #tpu.memory_space<vmem>>
    %dma_start3A_71 = tpu.memref_slice %arg3[%dma_start3A_66, %add3A_53] : memref<2x4096xi32, #tpu.memory_space<hbm>> -> memref<1x64xi32, #tpu.memory_space<hbm>>
    %dma_start3A_72 = tpu.memref_squeeze %dma_start3A_71 : memref<1x64xi32, #tpu.memory_space<hbm>> -> memref<64xi32, #tpu.memory_space<hbm>>
    %dma_start3A_73 = arith.constant 64 : i32
    %dma_start3A_74 = tpu.memref_slice %arg9[%dma_start3A_67, %dma_start3A_73] : memref<2x128xi32, #tpu.memory_space<vmem>> -> memref<1x64xi32, #tpu.memory_space<vmem>>
    %dma_start3A_75 = tpu.memref_squeeze %dma_start3A_74 : memref<1x64xi32, #tpu.memory_space<vmem>> -> memref<64xi32, #tpu.memory_space<vmem>>
    %dma_start3A_76 = tpu.memref_slice %arg3[%dma_start3A_66, %add3A_53] : memref<2x4096xi32, #tpu.memory_space<hbm>> -> memref<1x64xi32, #tpu.memory_space<hbm>>
    %dma_start3A_77 = tpu.memref_squeeze %dma_start3A_76 : memref<1x64xi32, #tpu.memory_space<hbm>> -> memref<64xi32, #tpu.memory_space<hbm>>
    tpu.enqueue_dma source(%dma_start3A_77 : memref<64xi32, #tpu.memory_space<hbm>>) target(%dma_start3A_75 : memref<64xi32, #tpu.memory_space<vmem>>) target_semaphore(%arg11 : memref<!tpu.dma_semaphore, #tpu.memory_space<semaphore_mem>>)
    %dma_start3A_78 = arith.constant 0 : i32
    %dma_start3A_79 = arith.constant 0 : i32
    %dma_start3A_80 = arith.constant 0 : i32
    %dma_start3A_81 = tpu.memref_slice %arg10[%dma_start3A_79, %dma_start3A_80] : memref<2x128xi32, #tpu.memory_space<vmem>> -> memref<1x64xi32, #tpu.memory_space<vmem>>
    %dma_start3A_82 = tpu.memref_squeeze %dma_start3A_81 : memref<1x64xi32, #tpu.memory_space<vmem>> -> memref<64xi32, #tpu.memory_space<vmem>>
    %dma_start3A_83 = tpu.memref_slice %arg4[%dma_start3A_78, %add3A_53] : memref<2x4096xi32, #tpu.memory_space<hbm>> -> memref<1x64xi32, #tpu.memory_space<hbm>>
    %dma_start3A_84 = tpu.memref_squeeze %dma_start3A_83 : memref<1x64xi32, #tpu.memory_space<hbm>> -> memref<64xi32, #tpu.memory_space<hbm>>
    %dma_start3A_85 = arith.constant 0 : i32
    %dma_start3A_86 = tpu.memref_slice %arg10[%dma_start3A_79, %dma_start3A_85] : memref<2x128xi32, #tpu.memory_space<vmem>> -> memref<1x64xi32, #tpu.memory_space<vmem>>
    %dma_start3A_87 = tpu.memref_squeeze %dma_start3A_86 : memref<1x64xi32, #tpu.memory_space<vmem>> -> memref<64xi32, #tpu.memory_space<vmem>>
    %dma_start3A_88 = tpu.memref_slice %arg4[%dma_start3A_78, %add3A_53] : memref<2x4096xi32, #tpu.memory_space<hbm>> -> memref<1x64xi32, #tpu.memory_space<hbm>>
    %dma_start3A_89 = tpu.memref_squeeze %dma_start3A_88 : memref<1x64xi32, #tpu.memory_space<hbm>> -> memref<64xi32, #tpu.memory_space<hbm>>
    tpu.enqueue_dma source(%dma_start3A_89 : memref<64xi32, #tpu.memory_space<hbm>>) target(%dma_start3A_87 : memref<64xi32, #tpu.memory_space<vmem>>) target_semaphore(%arg11 : memref<!tpu.dma_semaphore, #tpu.memory_space<semaphore_mem>>)
    %dma_start3A_90 = arith.constant 1 : i32
    %dma_start3A_91 = arith.constant 0 : i32
    %dma_start3A_92 = arith.constant 64 : i32
    %dma_start3A_93 = tpu.memref_slice %arg10[%dma_start3A_91, %dma_start3A_92] : memref<2x128xi32, #tpu.memory_space<vmem>> -> memref<1x64xi32, #tpu.memory_space<vmem>>
    %dma_start3A_94 = tpu.memref_squeeze %dma_start3A_93 : memref<1x64xi32, #tpu.memory_space<vmem>> -> memref<64xi32, #tpu.memory_space<vmem>>
    %dma_start3A_95 = tpu.memref_slice %arg4[%dma_start3A_90, %add3A_53] : memref<2x4096xi32, #tpu.memory_space<hbm>> -> memref<1x64xi32, #tpu.memory_space<hbm>>
    %dma_start3A_96 = tpu.memref_squeeze %dma_start3A_95 : memref<1x64xi32, #tpu.memory_space<hbm>> -> memref<64xi32, #tpu.memory_space<hbm>>
    %dma_start3A_97 = arith.constant 64 : i32
    %dma_start3A_98 = tpu.memref_slice %arg10[%dma_start3A_91, %dma_start3A_97] : memref<2x128xi32, #tpu.memory_space<vmem>> -> memref<1x64xi32, #tpu.memory_space<vmem>>
    %dma_start3A_99 = tpu.memref_squeeze %dma_start3A_98 : memref<1x64xi32, #tpu.memory_space<vmem>> -> memref<64xi32, #tpu.memory_space<vmem>>
    %dma_start3A_100 = tpu.memref_slice %arg4[%dma_start3A_90, %add3A_53] : memref<2x4096xi32, #tpu.memory_space<hbm>> -> memref<1x64xi32, #tpu.memory_space<hbm>>
    %dma_start3A_101 = tpu.memref_squeeze %dma_start3A_100 : memref<1x64xi32, #tpu.memory_space<hbm>> -> memref<64xi32, #tpu.memory_space<hbm>>
    tpu.enqueue_dma source(%dma_start3A_101 : memref<64xi32, #tpu.memory_space<hbm>>) target(%dma_start3A_99 : memref<64xi32, #tpu.memory_space<vmem>>) target_semaphore(%arg11 : memref<!tpu.dma_semaphore, #tpu.memory_space<semaphore_mem>>)
    %add3A_102 = arith.constant 64 : i32
    %add3A_103 = arith.addi %mul3A_2, %add3A_102 : i32
    %dma_start3A_104 = arith.constant 0 : i32
    %dma_start3A_105 = arith.constant 1 : i32
    %dma_start3A_106 = arith.constant 0 : i32
    %dma_start3A_107 = tpu.memref_slice %arg9[%dma_start3A_105, %dma_start3A_106] : memref<2x128xi32, #tpu.memory_space<vmem>> -> memref<1x64xi32, #tpu.memory_space<vmem>>
    %dma_start3A_108 = tpu.memref_squeeze %dma_start3A_107 : memref<1x64xi32, #tpu.memory_space<vmem>> -> memref<64xi32, #tpu.memory_space<vmem>>
    %dma_start3A_109 = tpu.memref_slice %arg3[%dma_start3A_104, %add3A_103] : memref<2x4096xi32, #tpu.memory_space<hbm>> -> memref<1x64xi32, #tpu.memory_space<hbm>>
    %dma_start3A_110 = tpu.memref_squeeze %dma_start3A_109 : memref<1x64xi32, #tpu.memory_space<hbm>> -> memref<64xi32, #tpu.memory_space<hbm>>
    %dma_start3A_111 = arith.constant 0 : i32
    %dma_start3A_112 = tpu.memref_slice %arg9[%dma_start3A_105, %dma_start3A_111] : memref<2x128xi32, #tpu.memory_space<vmem>> -> memref<1x64xi32, #tpu.memory_space<vmem>>
    %dma_start3A_113 = tpu.memref_squeeze %dma_start3A_112 : memref<1x64xi32, #tpu.memory_space<vmem>> -> memref<64xi32, #tpu.memory_space<vmem>>
    %dma_start3A_114 = tpu.memref_slice %arg3[%dma_start3A_104, %add3A_103] : memref<2x4096xi32, #tpu.memory_space<hbm>> -> memref<1x64xi32, #tpu.memory_space<hbm>>
    %dma_start3A_115 = tpu.memref_squeeze %dma_start3A_114 : memref<1x64xi32, #tpu.memory_space<hbm>> -> memref<64xi32, #tpu.memory_space<hbm>>
    tpu.enqueue_dma source(%dma_start3A_115 : memref<64xi32, #tpu.memory_space<hbm>>) target(%dma_start3A_113 : memref<64xi32, #tpu.memory_space<vmem>>) target_semaphore(%arg11 : memref<!tpu.dma_semaphore, #tpu.memory_space<semaphore_mem>>)
    %dma_start3A_116 = arith.constant 1 : i32
    %dma_start3A_117 = arith.constant 1 : i32
    %dma_start3A_118 = arith.constant 64 : i32
    %dma_start3A_119 = tpu.memref_slice %arg9[%dma_start3A_117, %dma_start3A_118] : memref<2x128xi32, #tpu.memory_space<vmem>> -> memref<1x64xi32, #tpu.memory_space<vmem>>
    %dma_start3A_120 = tpu.memref_squeeze %dma_start3A_119 : memref<1x64xi32, #tpu.memory_space<vmem>> -> memref<64xi32, #tpu.memory_space<vmem>>
    %dma_start3A_121 = tpu.memref_slice %arg3[%dma_start3A_116, %add3A_103] : memref<2x4096xi32, #tpu.memory_space<hbm>> -> memref<1x64xi32, #tpu.memory_space<hbm>>
    %dma_start3A_122 = tpu.memref_squeeze %dma_start3A_121 : memref<1x64xi32, #tpu.memory_space<hbm>> -> memref<64xi32, #tpu.memory_space<hbm>>
    %dma_start3A_123 = arith.constant 64 : i32
    %dma_start3A_124 = tpu.memref_slice %arg9[%dma_start3A_117, %dma_start3A_123] : memref<2x128xi32, #tpu.memory_space<vmem>> -> memref<1x64xi32, #tpu.memory_space<vmem>>
    %dma_start3A_125 = tpu.memref_squeeze %dma_start3A_124 : memref<1x64xi32, #tpu.memory_space<vmem>> -> memref<64xi32, #tpu.memory_space<vmem>>
    %dma_start3A_126 = tpu.memref_slice %arg3[%dma_start3A_116, %add3A_103] : memref<2x4096xi32, #tpu.memory_space<hbm>> -> memref<1x64xi32, #tpu.memory_space<hbm>>
    %dma_start3A_127 = tpu.memref_squeeze %dma_start3A_126 : memref<1x64xi32, #tpu.memory_space<hbm>> -> memref<64xi32, #tpu.memory_space<hbm>>
    tpu.enqueue_dma source(%dma_start3A_127 : memref<64xi32, #tpu.memory_space<hbm>>) target(%dma_start3A_125 : memref<64xi32, #tpu.memory_space<vmem>>) target_semaphore(%arg11 : memref<!tpu.dma_semaphore, #tpu.memory_space<semaphore_mem>>)
    %dma_start3A_128 = arith.constant 0 : i32
    %dma_start3A_129 = arith.constant 1 : i32
    %dma_start3A_130 = arith.constant 0 : i32
    %dma_start3A_131 = tpu.memref_slice %arg10[%dma_start3A_129, %dma_start3A_130] : memref<2x128xi32, #tpu.memory_space<vmem>> -> memref<1x64xi32, #tpu.memory_space<vmem>>
    %dma_start3A_132 = tpu.memref_squeeze %dma_start3A_131 : memref<1x64xi32, #tpu.memory_space<vmem>> -> memref<64xi32, #tpu.memory_space<vmem>>
    %dma_start3A_133 = tpu.memref_slice %arg4[%dma_start3A_128, %add3A_103] : memref<2x4096xi32, #tpu.memory_space<hbm>> -> memref<1x64xi32, #tpu.memory_space<hbm>>
    %dma_start3A_134 = tpu.memref_squeeze %dma_start3A_133 : memref<1x64xi32, #tpu.memory_space<hbm>> -> memref<64xi32, #tpu.memory_space<hbm>>
    %dma_start3A_135 = arith.constant 0 : i32
    %dma_start3A_136 = tpu.memref_slice %arg10[%dma_start3A_129, %dma_start3A_135] : memref<2x128xi32, #tpu.memory_space<vmem>> -> memref<1x64xi32, #tpu.memory_space<vmem>>
    %dma_start3A_137 = tpu.memref_squeeze %dma_start3A_136 : memref<1x64xi32, #tpu.memory_space<vmem>> -> memref<64xi32, #tpu.memory_space<vmem>>
    %dma_start3A_138 = tpu.memref_slice %arg4[%dma_start3A_128, %add3A_103] : memref<2x4096xi32, #tpu.memory_space<hbm>> -> memref<1x64xi32, #tpu.memory_space<hbm>>
    %dma_start3A_139 = tpu.memref_squeeze %dma_start3A_138 : memref<1x64xi32, #tpu.memory_space<hbm>> -> memref<64xi32, #tpu.memory_space<hbm>>
    tpu.enqueue_dma source(%dma_start3A_139 : memref<64xi32, #tpu.memory_space<hbm>>) target(%dma_start3A_137 : memref<64xi32, #tpu.memory_space<vmem>>) target_semaphore(%arg11 : memref<!tpu.dma_semaphore, #tpu.memory_space<semaphore_mem>>)
    %dma_start3A_140 = arith.constant 1 : i32
    %dma_start3A_141 = arith.constant 1 : i32
    %dma_start3A_142 = arith.constant 64 : i32
    %dma_start3A_143 = tpu.memref_slice %arg10[%dma_start3A_141, %dma_start3A_142] : memref<2x128xi32, #tpu.memory_space<vmem>> -> memref<1x64xi32, #tpu.memory_space<vmem>>
    %dma_start3A_144 = tpu.memref_squeeze %dma_start3A_143 : memref<1x64xi32, #tpu.memory_space<vmem>> -> memref<64xi32, #tpu.memory_space<vmem>>
    %dma_start3A_145 = tpu.memref_slice %arg4[%dma_start3A_140, %add3A_103] : memref<2x4096xi32, #tpu.memory_space<hbm>> -> memref<1x64xi32, #tpu.memory_space<hbm>>
    %dma_start3A_146 = tpu.memref_squeeze %dma_start3A_145 : memref<1x64xi32, #tpu.memory_space<hbm>> -> memref<64xi32, #tpu.memory_space<hbm>>
    %dma_start3A_147 = arith.constant 64 : i32
    %dma_start3A_148 = tpu.memref_slice %arg10[%dma_start3A_141, %dma_start3A_147] : memref<2x128xi32, #tpu.memory_space<vmem>> -> memref<1x64xi32, #tpu.memory_space<vmem>>
    %dma_start3A_149 = tpu.memref_squeeze %dma_start3A_148 : memref<1x64xi32, #tpu.memory_space<vmem>> -> memref<64xi32, #tpu.memory_space<vmem>>
    %dma_start3A_150 = tpu.memref_slice %arg4[%dma_start3A_140, %add3A_103] : memref<2x4096xi32, #tpu.memory_space<hbm>> -> memref<1x64xi32, #tpu.memory_space<hbm>>
    %dma_start3A_151 = tpu.memref_squeeze %dma_start3A_150 : memref<1x64xi32, #tpu.memory_space<hbm>> -> memref<64xi32, #tpu.memory_space<hbm>>
    tpu.enqueue_dma source(%dma_start3A_151 : memref<64xi32, #tpu.memory_space<hbm>>) target(%dma_start3A_149 : memref<64xi32, #tpu.memory_space<vmem>>) target_semaphore(%arg11 : memref<!tpu.dma_semaphore, #tpu.memory_space<semaphore_mem>>)
    %dma_wait3A = arith.constant 0 : i32
    %dma_wait3A_152 = arith.constant 0 : i32
    %dma_wait3A_153 = arith.constant 0 : i32
    %dma_wait3A_154 = tpu.memref_slice %arg9[%dma_wait3A_152, %dma_wait3A_153] : memref<2x128xi32, #tpu.memory_space<vmem>> -> memref<1x64xi32, #tpu.memory_space<vmem>>
    %dma_wait3A_155 = tpu.memref_squeeze %dma_wait3A_154 : memref<1x64xi32, #tpu.memory_space<vmem>> -> memref<64xi32, #tpu.memory_space<vmem>>
    %dma_wait3A_156 = tpu.memref_slice %arg3[%dma_wait3A, %add3A_53] : memref<2x4096xi32, #tpu.memory_space<hbm>> -> memref<1x64xi32, #tpu.memory_space<hbm>>
    %dma_wait3A_157 = tpu.memref_squeeze %dma_wait3A_156 : memref<1x64xi32, #tpu.memory_space<hbm>> -> memref<64xi32, #tpu.memory_space<hbm>>
    %dma_wait3A_158 = arith.constant 0 : i32
    %dma_wait3A_159 = tpu.memref_slice %arg9[%dma_wait3A_152, %dma_wait3A_158] : memref<2x128xi32, #tpu.memory_space<vmem>> -> memref<1x64xi32, #tpu.memory_space<vmem>>
    %dma_wait3A_160 = tpu.memref_squeeze %dma_wait3A_159 : memref<1x64xi32, #tpu.memory_space<vmem>> -> memref<64xi32, #tpu.memory_space<vmem>>
    %dma_wait3A_161 = tpu.memref_slice %arg3[%dma_wait3A, %add3A_53] : memref<2x4096xi32, #tpu.memory_space<hbm>> -> memref<1x64xi32, #tpu.memory_space<hbm>>
    %dma_wait3A_162 = tpu.memref_squeeze %dma_wait3A_161 : memref<1x64xi32, #tpu.memory_space<hbm>> -> memref<64xi32, #tpu.memory_space<hbm>>
    tpu.wait_dma2 semaphore(%arg11 : memref<!tpu.dma_semaphore, #tpu.memory_space<semaphore_mem>>) src(%dma_wait3A_162 : memref<64xi32, #tpu.memory_space<hbm>>) dst(%dma_wait3A_160 : memref<64xi32, #tpu.memory_space<vmem>>)
    %dma_wait3A_163 = arith.constant 1 : i32
    %dma_wait3A_164 = arith.constant 0 : i32
    %dma_wait3A_165 = arith.constant 64 : i32
    %dma_wait3A_166 = tpu.memref_slice %arg9[%dma_wait3A_164, %dma_wait3A_165] : memref<2x128xi32, #tpu.memory_space<vmem>> -> memref<1x64xi32, #tpu.memory_space<vmem>>
    %dma_wait3A_167 = tpu.memref_squeeze %dma_wait3A_166 : memref<1x64xi32, #tpu.memory_space<vmem>> -> memref<64xi32, #tpu.memory_space<vmem>>
    %dma_wait3A_168 = tpu.memref_slice %arg3[%dma_wait3A_163, %add3A_53] : memref<2x4096xi32, #tpu.memory_space<hbm>> -> memref<1x64xi32, #tpu.memory_space<hbm>>
    %dma_wait3A_169 = tpu.memref_squeeze %dma_wait3A_168 : memref<1x64xi32, #tpu.memory_space<hbm>> -> memref<64xi32, #tpu.memory_space<hbm>>
    %dma_wait3A_170 = arith.constant 64 : i32
    %dma_wait3A_171 = tpu.memref_slice %arg9[%dma_wait3A_164, %dma_wait3A_170] : memref<2x128xi32, #tpu.memory_space<vmem>> -> memref<1x64xi32, #tpu.memory_space<vmem>>
    %dma_wait3A_172 = tpu.memref_squeeze %dma_wait3A_171 : memref<1x64xi32, #tpu.memory_space<vmem>> -> memref<64xi32, #tpu.memory_space<vmem>>
    %dma_wait3A_173 = tpu.memref_slice %arg3[%dma_wait3A_163, %add3A_53] : memref<2x4096xi32, #tpu.memory_space<hbm>> -> memref<1x64xi32, #tpu.memory_space<hbm>>
    %dma_wait3A_174 = tpu.memref_squeeze %dma_wait3A_173 : memref<1x64xi32, #tpu.memory_space<hbm>> -> memref<64xi32, #tpu.memory_space<hbm>>
    tpu.wait_dma2 semaphore(%arg11 : memref<!tpu.dma_semaphore, #tpu.memory_space<semaphore_mem>>) src(%dma_wait3A_174 : memref<64xi32, #tpu.memory_space<hbm>>) dst(%dma_wait3A_172 : memref<64xi32, #tpu.memory_space<vmem>>)
    %dma_wait3A_175 = arith.constant 0 : i32
    %dma_wait3A_176 = arith.constant 0 : i32
    %dma_wait3A_177 = arith.constant 0 : i32
    %dma_wait3A_178 = tpu.memref_slice %arg10[%dma_wait3A_176, %dma_wait3A_177] : memref<2x128xi32, #tpu.memory_space<vmem>> -> memref<1x64xi32, #tpu.memory_space<vmem>>
    %dma_wait3A_179 = tpu.memref_squeeze %dma_wait3A_178 : memref<1x64xi32, #tpu.memory_space<vmem>> -> memref<64xi32, #tpu.memory_space<vmem>>
    %dma_wait3A_180 = tpu.memref_slice %arg4[%dma_wait3A_175, %add3A_53] : memref<2x4096xi32, #tpu.memory_space<hbm>> -> memref<1x64xi32, #tpu.memory_space<hbm>>
    %dma_wait3A_181 = tpu.memref_squeeze %dma_wait3A_180 : memref<1x64xi32, #tpu.memory_space<hbm>> -> memref<64xi32, #tpu.memory_space<hbm>>
    %dma_wait3A_182 = arith.constant 0 : i32
    %dma_wait3A_183 = tpu.memref_slice %arg10[%dma_wait3A_176, %dma_wait3A_182] : memref<2x128xi32, #tpu.memory_space<vmem>> -> memref<1x64xi32, #tpu.memory_space<vmem>>
    %dma_wait3A_184 = tpu.memref_squeeze %dma_wait3A_183 : memref<1x64xi32, #tpu.memory_space<vmem>> -> memref<64xi32, #tpu.memory_space<vmem>>
    %dma_wait3A_185 = tpu.memref_slice %arg4[%dma_wait3A_175, %add3A_53] : memref<2x4096xi32, #tpu.memory_space<hbm>> -> memref<1x64xi32, #tpu.memory_space<hbm>>
    %dma_wait3A_186 = tpu.memref_squeeze %dma_wait3A_185 : memref<1x64xi32, #tpu.memory_space<hbm>> -> memref<64xi32, #tpu.memory_space<hbm>>
    tpu.wait_dma2 semaphore(%arg11 : memref<!tpu.dma_semaphore, #tpu.memory_space<semaphore_mem>>) src(%dma_wait3A_186 : memref<64xi32, #tpu.memory_space<hbm>>) dst(%dma_wait3A_184 : memref<64xi32, #tpu.memory_space<vmem>>)
    %dma_wait3A_187 = arith.constant 1 : i32
    %dma_wait3A_188 = arith.constant 0 : i32
    %dma_wait3A_189 = arith.constant 64 : i32
    %dma_wait3A_190 = tpu.memref_slice %arg10[%dma_wait3A_188, %dma_wait3A_189] : memref<2x128xi32, #tpu.memory_space<vmem>> -> memref<1x64xi32, #tpu.memory_space<vmem>>
    %dma_wait3A_191 = tpu.memref_squeeze %dma_wait3A_190 : memref<1x64xi32, #tpu.memory_space<vmem>> -> memref<64xi32, #tpu.memory_space<vmem>>
    %dma_wait3A_192 = tpu.memref_slice %arg4[%dma_wait3A_187, %add3A_53] : memref<2x4096xi32, #tpu.memory_space<hbm>> -> memref<1x64xi32, #tpu.memory_space<hbm>>
    %dma_wait3A_193 = tpu.memref_squeeze %dma_wait3A_192 : memref<1x64xi32, #tpu.memory_space<hbm>> -> memref<64xi32, #tpu.memory_space<hbm>>
    %dma_wait3A_194 = arith.constant 64 : i32
    %dma_wait3A_195 = tpu.memref_slice %arg10[%dma_wait3A_188, %dma_wait3A_194] : memref<2x128xi32, #tpu.memory_space<vmem>> -> memref<1x64xi32, #tpu.memory_space<vmem>>
    %dma_wait3A_196 = tpu.memref_squeeze %dma_wait3A_195 : memref<1x64xi32, #tpu.memory_space<vmem>> -> memref<64xi32, #tpu.memory_space<vmem>>
    %dma_wait3A_197 = tpu.memref_slice %arg4[%dma_wait3A_187, %add3A_53] : memref<2x4096xi32, #tpu.memory_space<hbm>> -> memref<1x64xi32, #tpu.memory_space<hbm>>
    %dma_wait3A_198 = tpu.memref_squeeze %dma_wait3A_197 : memref<1x64xi32, #tpu.memory_space<hbm>> -> memref<64xi32, #tpu.memory_space<hbm>>
    tpu.wait_dma2 semaphore(%arg11 : memref<!tpu.dma_semaphore, #tpu.memory_space<semaphore_mem>>) src(%dma_wait3A_198 : memref<64xi32, #tpu.memory_space<hbm>>) dst(%dma_wait3A_196 : memref<64xi32, #tpu.memory_space<vmem>>)
    %dma_wait3A_199 = arith.constant 0 : i32
    %dma_wait3A_200 = arith.constant 1 : i32
    %dma_wait3A_201 = arith.constant 0 : i32
    %dma_wait3A_202 = tpu.memref_slice %arg9[%dma_wait3A_200, %dma_wait3A_201] : memref<2x128xi32, #tpu.memory_space<vmem>> -> memref<1x64xi32, #tpu.memory_space<vmem>>
    %dma_wait3A_203 = tpu.memref_squeeze %dma_wait3A_202 : memref<1x64xi32, #tpu.memory_space<vmem>> -> memref<64xi32, #tpu.memory_space<vmem>>
    %dma_wait3A_204 = tpu.memref_slice %arg3[%dma_wait3A_199, %add3A_103] : memref<2x4096xi32, #tpu.memory_space<hbm>> -> memref<1x64xi32, #tpu.memory_space<hbm>>
    %dma_wait3A_205 = tpu.memref_squeeze %dma_wait3A_204 : memref<1x64xi32, #tpu.memory_space<hbm>> -> memref<64xi32, #tpu.memory_space<hbm>>
    %dma_wait3A_206 = arith.constant 0 : i32
    %dma_wait3A_207 = tpu.memref_slice %arg9[%dma_wait3A_200, %dma_wait3A_206] : memref<2x128xi32, #tpu.memory_space<vmem>> -> memref<1x64xi32, #tpu.memory_space<vmem>>
    %dma_wait3A_208 = tpu.memref_squeeze %dma_wait3A_207 : memref<1x64xi32, #tpu.memory_space<vmem>> -> memref<64xi32, #tpu.memory_space<vmem>>
    %dma_wait3A_209 = tpu.memref_slice %arg3[%dma_wait3A_199, %add3A_103] : memref<2x4096xi32, #tpu.memory_space<hbm>> -> memref<1x64xi32, #tpu.memory_space<hbm>>
    %dma_wait3A_210 = tpu.memref_squeeze %dma_wait3A_209 : memref<1x64xi32, #tpu.memory_space<hbm>> -> memref<64xi32, #tpu.memory_space<hbm>>
    tpu.wait_dma2 semaphore(%arg11 : memref<!tpu.dma_semaphore, #tpu.memory_space<semaphore_mem>>) src(%dma_wait3A_210 : memref<64xi32, #tpu.memory_space<hbm>>) dst(%dma_wait3A_208 : memref<64xi32, #tpu.memory_space<vmem>>)
    %dma_wait3A_211 = arith.constant 1 : i32
    %dma_wait3A_212 = arith.constant 1 : i32
    %dma_wait3A_213 = arith.constant 64 : i32
    %dma_wait3A_214 = tpu.memref_slice %arg9[%dma_wait3A_212, %dma_wait3A_213] : memref<2x128xi32, #tpu.memory_space<vmem>> -> memref<1x64xi32, #tpu.memory_space<vmem>>
    %dma_wait3A_215 = tpu.memref_squeeze %dma_wait3A_214 : memref<1x64xi32, #tpu.memory_space<vmem>> -> memref<64xi32, #tpu.memory_space<vmem>>
    %dma_wait3A_216 = tpu.memref_slice %arg3[%dma_wait3A_211, %add3A_103] : memref<2x4096xi32, #tpu.memory_space<hbm>> -> memref<1x64xi32, #tpu.memory_space<hbm>>
    %dma_wait3A_217 = tpu.memref_squeeze %dma_wait3A_216 : memref<1x64xi32, #tpu.memory_space<hbm>> -> memref<64xi32, #tpu.memory_space<hbm>>
    %dma_wait3A_218 = arith.constant 64 : i32
    %dma_wait3A_219 = tpu.memref_slice %arg9[%dma_wait3A_212, %dma_wait3A_218] : memref<2x128xi32, #tpu.memory_space<vmem>> -> memref<1x64xi32, #tpu.memory_space<vmem>>
    %dma_wait3A_220 = tpu.memref_squeeze %dma_wait3A_219 : memref<1x64xi32, #tpu.memory_space<vmem>> -> memref<64xi32, #tpu.memory_space<vmem>>
    %dma_wait3A_221 = tpu.memref_slice %arg3[%dma_wait3A_211, %add3A_103] : memref<2x4096xi32, #tpu.memory_space<hbm>> -> memref<1x64xi32, #tpu.memory_space<hbm>>
    %dma_wait3A_222 = tpu.memref_squeeze %dma_wait3A_221 : memref<1x64xi32, #tpu.memory_space<hbm>> -> memref<64xi32, #tpu.memory_space<hbm>>
    tpu.wait_dma2 semaphore(%arg11 : memref<!tpu.dma_semaphore, #tpu.memory_space<semaphore_mem>>) src(%dma_wait3A_222 : memref<64xi32, #tpu.memory_space<hbm>>) dst(%dma_wait3A_220 : memref<64xi32, #tpu.memory_space<vmem>>)
    %dma_wait3A_223 = arith.constant 0 : i32
    %dma_wait3A_224 = arith.constant 1 : i32
    %dma_wait3A_225 = arith.constant 0 : i32
    %dma_wait3A_226 = tpu.memref_slice %arg10[%dma_wait3A_224, %dma_wait3A_225] : memref<2x128xi32, #tpu.memory_space<vmem>> -> memref<1x64xi32, #tpu.memory_space<vmem>>
    %dma_wait3A_227 = tpu.memref_squeeze %dma_wait3A_226 : memref<1x64xi32, #tpu.memory_space<vmem>> -> memref<64xi32, #tpu.memory_space<vmem>>
    %dma_wait3A_228 = tpu.memref_slice %arg4[%dma_wait3A_223, %add3A_103] : memref<2x4096xi32, #tpu.memory_space<hbm>> -> memref<1x64xi32, #tpu.memory_space<hbm>>
    %dma_wait3A_229 = tpu.memref_squeeze %dma_wait3A_228 : memref<1x64xi32, #tpu.memory_space<hbm>> -> memref<64xi32, #tpu.memory_space<hbm>>
    %dma_wait3A_230 = arith.constant 0 : i32
    %dma_wait3A_231 = tpu.memref_slice %arg10[%dma_wait3A_224, %dma_wait3A_230] : memref<2x128xi32, #tpu.memory_space<vmem>> -> memref<1x64xi32, #tpu.memory_space<vmem>>
    %dma_wait3A_232 = tpu.memref_squeeze %dma_wait3A_231 : memref<1x64xi32, #tpu.memory_space<vmem>> -> memref<64xi32, #tpu.memory_space<vmem>>
    %dma_wait3A_233 = tpu.memref_slice %arg4[%dma_wait3A_223, %add3A_103] : memref<2x4096xi32, #tpu.memory_space<hbm>> -> memref<1x64xi32, #tpu.memory_space<hbm>>
    %dma_wait3A_234 = tpu.memref_squeeze %dma_wait3A_233 : memref<1x64xi32, #tpu.memory_space<hbm>> -> memref<64xi32, #tpu.memory_space<hbm>>
    tpu.wait_dma2 semaphore(%arg11 : memref<!tpu.dma_semaphore, #tpu.memory_space<semaphore_mem>>) src(%dma_wait3A_234 : memref<64xi32, #tpu.memory_space<hbm>>) dst(%dma_wait3A_232 : memref<64xi32, #tpu.memory_space<vmem>>)
    %dma_wait3A_235 = arith.constant 1 : i32
    %dma_wait3A_236 = arith.constant 1 : i32
    %dma_wait3A_237 = arith.constant 64 : i32
    %dma_wait3A_238 = tpu.memref_slice %arg10[%dma_wait3A_236, %dma_wait3A_237] : memref<2x128xi32, #tpu.memory_space<vmem>> -> memref<1x64xi32, #tpu.memory_space<vmem>>
    %dma_wait3A_239 = tpu.memref_squeeze %dma_wait3A_238 : memref<1x64xi32, #tpu.memory_space<vmem>> -> memref<64xi32, #tpu.memory_space<vmem>>
    %dma_wait3A_240 = tpu.memref_slice %arg4[%dma_wait3A_235, %add3A_103] : memref<2x4096xi32, #tpu.memory_space<hbm>> -> memref<1x64xi32, #tpu.memory_space<hbm>>
    %dma_wait3A_241 = tpu.memref_squeeze %dma_wait3A_240 : memref<1x64xi32, #tpu.memory_space<hbm>> -> memref<64xi32, #tpu.memory_space<hbm>>
    %dma_wait3A_242 = arith.constant 64 : i32
    %dma_wait3A_243 = tpu.memref_slice %arg10[%dma_wait3A_236, %dma_wait3A_242] : memref<2x128xi32, #tpu.memory_space<vmem>> -> memref<1x64xi32, #tpu.memory_space<vmem>>
    %dma_wait3A_244 = tpu.memref_squeeze %dma_wait3A_243 : memref<1x64xi32, #tpu.memory_space<vmem>> -> memref<64xi32, #tpu.memory_space<vmem>>
    %dma_wait3A_245 = tpu.memref_slice %arg4[%dma_wait3A_235, %add3A_103] : memref<2x4096xi32, #tpu.memory_space<hbm>> -> memref<1x64xi32, #tpu.memory_space<hbm>>
    %dma_wait3A_246 = tpu.memref_squeeze %dma_wait3A_245 : memref<1x64xi32, #tpu.memory_space<hbm>> -> memref<64xi32, #tpu.memory_space<hbm>>
    tpu.wait_dma2 semaphore(%arg11 : memref<!tpu.dma_semaphore, #tpu.memory_space<semaphore_mem>>) src(%dma_wait3A_246 : memref<64xi32, #tpu.memory_space<hbm>>) dst(%dma_wait3A_244 : memref<64xi32, #tpu.memory_space<vmem>>)
    %dma_wait3A_247 = arith.constant 0 : i32
    %dma_wait3A_248 = tpu.memref_slice %arg6[%add3A_6, %dma_wait3A_247] : memref<32768x128xf32, #tpu.memory_space<hbm>> -> memref<128x128xf32, #tpu.memory_space<hbm>>
    %dma_wait3A_249 = arith.constant 0 : i32
    %dma_wait3A_250 = tpu.memref_slice %arg6[%add3A_6, %dma_wait3A_249] : memref<32768x128xf32, #tpu.memory_space<hbm>> -> memref<128x128xf32, #tpu.memory_space<hbm>>
    tpu.wait_dma2 semaphore(%arg12 : memref<!tpu.dma_semaphore, #tpu.memory_space<semaphore_mem>>) src(%arg8 : memref<128x128xf32, #tpu.memory_space<vmem>>) dst(%dma_wait3A_250 : memref<128x128xf32, #tpu.memory_space<hbm>>)
    %dma_wait3A_251 = arith.constant 0 : i32
    %dma_wait3A_252 = tpu.memref_slice %arg6[%add3A_11, %dma_wait3A_251] : memref<32768x128xf32, #tpu.memory_space<hbm>> -> memref<128x128xf32, #tpu.memory_space<hbm>>
    %dma_wait3A_253 = arith.constant 0 : i32
    %dma_wait3A_254 = tpu.memref_slice %arg6[%add3A_11, %dma_wait3A_253] : memref<32768x128xf32, #tpu.memory_space<hbm>> -> memref<128x128xf32, #tpu.memory_space<hbm>>
    tpu.wait_dma2 semaphore(%arg12 : memref<!tpu.dma_semaphore, #tpu.memory_space<semaphore_mem>>) src(%arg8 : memref<128x128xf32, #tpu.memory_space<vmem>>) dst(%dma_wait3A_254 : memref<128x128xf32, #tpu.memory_space<hbm>>)
    %dma_wait3A_255 = arith.constant 0 : i32
    %dma_wait3A_256 = tpu.memref_slice %arg6[%add3A_17, %dma_wait3A_255] : memref<32768x128xf32, #tpu.memory_space<hbm>> -> memref<128x128xf32, #tpu.memory_space<hbm>>
    %dma_wait3A_257 = arith.constant 0 : i32
    %dma_wait3A_258 = tpu.memref_slice %arg6[%add3A_17, %dma_wait3A_257] : memref<32768x128xf32, #tpu.memory_space<hbm>> -> memref<128x128xf32, #tpu.memory_space<hbm>>
    tpu.wait_dma2 semaphore(%arg12 : memref<!tpu.dma_semaphore, #tpu.memory_space<semaphore_mem>>) src(%arg8 : memref<128x128xf32, #tpu.memory_space<vmem>>) dst(%dma_wait3A_258 : memref<128x128xf32, #tpu.memory_space<hbm>>)
    %dma_wait3A_259 = arith.constant 0 : i32
    %dma_wait3A_260 = tpu.memref_slice %arg6[%add3A_23, %dma_wait3A_259] : memref<32768x128xf32, #tpu.memory_space<hbm>> -> memref<128x128xf32, #tpu.memory_space<hbm>>
    %dma_wait3A_261 = arith.constant 0 : i32
    %dma_wait3A_262 = tpu.memref_slice %arg6[%add3A_23, %dma_wait3A_261] : memref<32768x128xf32, #tpu.memory_space<hbm>> -> memref<128x128xf32, #tpu.memory_space<hbm>>
    tpu.wait_dma2 semaphore(%arg12 : memref<!tpu.dma_semaphore, #tpu.memory_space<semaphore_mem>>) src(%arg8 : memref<128x128xf32, #tpu.memory_space<vmem>>) dst(%dma_wait3A_262 : memref<128x128xf32, #tpu.memory_space<hbm>>)
    %dma_wait3A_263 = arith.constant 0 : i32
    %dma_wait3A_264 = tpu.memref_slice %arg6[%add3A_29, %dma_wait3A_263] : memref<32768x128xf32, #tpu.memory_space<hbm>> -> memref<128x128xf32, #tpu.memory_space<hbm>>
    %dma_wait3A_265 = arith.constant 0 : i32
    %dma_wait3A_266 = tpu.memref_slice %arg6[%add3A_29, %dma_wait3A_265] : memref<32768x128xf32, #tpu.memory_space<hbm>> -> memref<128x128xf32, #tpu.memory_space<hbm>>
    tpu.wait_dma2 semaphore(%arg12 : memref<!tpu.dma_semaphore, #tpu.memory_space<semaphore_mem>>) src(%arg8 : memref<128x128xf32, #tpu.memory_space<vmem>>) dst(%dma_wait3A_266 : memref<128x128xf32, #tpu.memory_space<hbm>>)
    %dma_wait3A_267 = arith.constant 0 : i32
    %dma_wait3A_268 = tpu.memref_slice %arg6[%add3A_35, %dma_wait3A_267] : memref<32768x128xf32, #tpu.memory_space<hbm>> -> memref<128x128xf32, #tpu.memory_space<hbm>>
    %dma_wait3A_269 = arith.constant 0 : i32
    %dma_wait3A_270 = tpu.memref_slice %arg6[%add3A_35, %dma_wait3A_269] : memref<32768x128xf32, #tpu.memory_space<hbm>> -> memref<128x128xf32, #tpu.memory_space<hbm>>
    tpu.wait_dma2 semaphore(%arg12 : memref<!tpu.dma_semaphore, #tpu.memory_space<semaphore_mem>>) src(%arg8 : memref<128x128xf32, #tpu.memory_space<vmem>>) dst(%dma_wait3A_270 : memref<128x128xf32, #tpu.memory_space<hbm>>)
    %dma_wait3A_271 = arith.constant 0 : i32
    %dma_wait3A_272 = tpu.memref_slice %arg6[%add3A_41, %dma_wait3A_271] : memref<32768x128xf32, #tpu.memory_space<hbm>> -> memref<128x128xf32, #tpu.memory_space<hbm>>
    %dma_wait3A_273 = arith.constant 0 : i32
    %dma_wait3A_274 = tpu.memref_slice %arg6[%add3A_41, %dma_wait3A_273] : memref<32768x128xf32, #tpu.memory_space<hbm>> -> memref<128x128xf32, #tpu.memory_space<hbm>>
    tpu.wait_dma2 semaphore(%arg12 : memref<!tpu.dma_semaphore, #tpu.memory_space<semaphore_mem>>) src(%arg8 : memref<128x128xf32, #tpu.memory_space<vmem>>) dst(%dma_wait3A_274 : memref<128x128xf32, #tpu.memory_space<hbm>>)
    %dma_wait3A_275 = arith.constant 0 : i32
    %dma_wait3A_276 = tpu.memref_slice %arg6[%add3A_47, %dma_wait3A_275] : memref<32768x128xf32, #tpu.memory_space<hbm>> -> memref<128x128xf32, #tpu.memory_space<hbm>>
    %dma_wait3A_277 = arith.constant 0 : i32
    %dma_wait3A_278 = tpu.memref_slice %arg6[%add3A_47, %dma_wait3A_277] : memref<32768x128xf32, #tpu.memory_space<hbm>> -> memref<128x128xf32, #tpu.memory_space<hbm>>
    tpu.wait_dma2 semaphore(%arg12 : memref<!tpu.dma_semaphore, #tpu.memory_space<semaphore_mem>>) src(%arg8 : memref<128x128xf32, #tpu.memory_space<vmem>>) dst(%dma_wait3A_278 : memref<128x128xf32, #tpu.memory_space<hbm>>)
    %dma_start3A_279 = arith.constant 0 : i32
    %dma_start3A_280 = arith.constant 0 : i32
    %dma_start3A_281 = tpu.memref_slice %arg9[%dma_start3A_279, %dma_start3A_280] : memref<2x128xi32, #tpu.memory_space<vmem>> -> memref<1x128xi32, #tpu.memory_space<vmem>>
    %dma_start3A_282 = tpu.memref_squeeze %dma_start3A_281 : memref<1x128xi32, #tpu.memory_space<vmem>> -> memref<128xi32, #tpu.memory_space<vmem>>
    %dma_start3A_283 = arith.constant 0 : i32
    %dma_start3A_284 = arith.constant 0 : i32
    %dma_start3A_285 = tpu.memref_slice %arg2[%dma_start3A_283, %dma_start3A_284] : memref<12288x128xf32, #tpu.memory_space<hbm>> -> memref<12288x128xf32, #tpu.memory_space<hbm>>
    tpu.enqueue_indirect_dma source(%dma_start3A_285 : memref<12288x128xf32, #tpu.memory_space<hbm>>) target(%arg7 : memref<128x128xf32, #tpu.memory_space<vmem>>) offsets(%dma_start3A_282 : memref<128xi32, #tpu.memory_space<vmem>>) semaphore(%arg11 : memref<!tpu.dma_semaphore, #tpu.memory_space<semaphore_mem>>)
    %dma_wait3A_286 = arith.constant 0 : i32
    %dma_wait3A_287 = arith.constant 0 : i32
    %dma_wait3A_288 = tpu.memref_slice %arg9[%dma_wait3A_286, %dma_wait3A_287] : memref<2x128xi32, #tpu.memory_space<vmem>> -> memref<1x128xi32, #tpu.memory_space<vmem>>
    %dma_wait3A_289 = tpu.memref_squeeze %dma_wait3A_288 : memref<1x128xi32, #tpu.memory_space<vmem>> -> memref<128xi32, #tpu.memory_space<vmem>>
    %dma_wait3A_290 = arith.constant 0 : i32
    %dma_wait3A_291 = arith.constant 0 : i32
    %dma_wait3A_292 = tpu.memref_slice %arg2[%dma_wait3A_290, %dma_wait3A_291] : memref<12288x128xf32, #tpu.memory_space<hbm>> -> memref<12288x128xf32, #tpu.memory_space<hbm>>
    tpu.wait_indirect_dma semaphore(%arg11 : memref<!tpu.dma_semaphore, #tpu.memory_space<semaphore_mem>>) src(%dma_wait3A_292 : memref<12288x128xf32, #tpu.memory_space<hbm>>) dst(%arg7 : memref<128x128xf32, #tpu.memory_space<vmem>>)
    %dma_start3A_293 = arith.constant 0 : i32
    %dma_start3A_294 = arith.constant 0 : i32
    %dma_start3A_295 = tpu.memref_slice %arg10[%dma_start3A_293, %dma_start3A_294] : memref<2x128xi32, #tpu.memory_space<vmem>> -> memref<1x128xi32, #tpu.memory_space<vmem>>
    %dma_start3A_296 = tpu.memref_squeeze %dma_start3A_295 : memref<1x128xi32, #tpu.memory_space<vmem>> -> memref<128xi32, #tpu.memory_space<vmem>>
    %dma_start3A_297 = arith.constant 0 : i32
    %dma_start3A_298 = arith.constant 0 : i32
    %dma_start3A_299 = tpu.memref_slice %arg6[%dma_start3A_297, %dma_start3A_298] : memref<32768x128xf32, #tpu.memory_space<hbm>> -> memref<32768x128xf32, #tpu.memory_space<hbm>>
    tpu.enqueue_indirect_dma source(%arg7 : memref<128x128xf32, #tpu.memory_space<vmem>>) target(%dma_start3A_299 : memref<32768x128xf32, #tpu.memory_space<hbm>>) offsets(%dma_start3A_296 : memref<128xi32, #tpu.memory_space<vmem>>) semaphore(%arg11 : memref<!tpu.dma_semaphore, #tpu.memory_space<semaphore_mem>>)
    %dma_wait3A_300 = arith.constant 0 : i32
    %dma_wait3A_301 = arith.constant 0 : i32
    %dma_wait3A_302 = tpu.memref_slice %arg10[%dma_wait3A_300, %dma_wait3A_301] : memref<2x128xi32, #tpu.memory_space<vmem>> -> memref<1x128xi32, #tpu.memory_space<vmem>>
    %dma_wait3A_303 = tpu.memref_squeeze %dma_wait3A_302 : memref<1x128xi32, #tpu.memory_space<vmem>> -> memref<128xi32, #tpu.memory_space<vmem>>
    %dma_wait3A_304 = arith.constant 0 : i32
    %dma_wait3A_305 = arith.constant 0 : i32
    %dma_wait3A_306 = tpu.memref_slice %arg6[%dma_wait3A_304, %dma_wait3A_305] : memref<32768x128xf32, #tpu.memory_space<hbm>> -> memref<32768x128xf32, #tpu.memory_space<hbm>>
    tpu.wait_indirect_dma semaphore(%arg11 : memref<!tpu.dma_semaphore, #tpu.memory_space<semaphore_mem>>) src(%arg7 : memref<128x128xf32, #tpu.memory_space<vmem>>) dst(%dma_wait3A_306 : memref<32768x128xf32, #tpu.memory_space<hbm>>)
    %dma_start3A_307 = arith.constant 1 : i32
    %dma_start3A_308 = arith.constant 0 : i32
    %dma_start3A_309 = tpu.memref_slice %arg9[%dma_start3A_307, %dma_start3A_308] : memref<2x128xi32, #tpu.memory_space<vmem>> -> memref<1x128xi32, #tpu.memory_space<vmem>>
    %dma_start3A_310 = tpu.memref_squeeze %dma_start3A_309 : memref<1x128xi32, #tpu.memory_space<vmem>> -> memref<128xi32, #tpu.memory_space<vmem>>
    %dma_start3A_311 = arith.constant 0 : i32
    %dma_start3A_312 = arith.constant 0 : i32
    %dma_start3A_313 = tpu.memref_slice %arg2[%dma_start3A_311, %dma_start3A_312] : memref<12288x128xf32, #tpu.memory_space<hbm>> -> memref<12288x128xf32, #tpu.memory_space<hbm>>
    tpu.enqueue_indirect_dma source(%dma_start3A_313 : memref<12288x128xf32, #tpu.memory_space<hbm>>) target(%arg7 : memref<128x128xf32, #tpu.memory_space<vmem>>) offsets(%dma_start3A_310 : memref<128xi32, #tpu.memory_space<vmem>>) semaphore(%arg11 : memref<!tpu.dma_semaphore, #tpu.memory_space<semaphore_mem>>)
    %dma_wait3A_314 = arith.constant 1 : i32
    %dma_wait3A_315 = arith.constant 0 : i32
    %dma_wait3A_316 = tpu.memref_slice %arg9[%dma_wait3A_314, %dma_wait3A_315] : memref<2x128xi32, #tpu.memory_space<vmem>> -> memref<1x128xi32, #tpu.memory_space<vmem>>
    %dma_wait3A_317 = tpu.memref_squeeze %dma_wait3A_316 : memref<1x128xi32, #tpu.memory_space<vmem>> -> memref<128xi32, #tpu.memory_space<vmem>>
    %dma_wait3A_318 = arith.constant 0 : i32
    %dma_wait3A_319 = arith.constant 0 : i32
    %dma_wait3A_320 = tpu.memref_slice %arg2[%dma_wait3A_318, %dma_wait3A_319] : memref<12288x128xf32, #tpu.memory_space<hbm>> -> memref<12288x128xf32, #tpu.memory_space<hbm>>
    tpu.wait_indirect_dma semaphore(%arg11 : memref<!tpu.dma_semaphore, #tpu.memory_space<semaphore_mem>>) src(%dma_wait3A_320 : memref<12288x128xf32, #tpu.memory_space<hbm>>) dst(%arg7 : memref<128x128xf32, #tpu.memory_space<vmem>>)
    %dma_start3A_321 = arith.constant 1 : i32
    %dma_start3A_322 = arith.constant 0 : i32
    %dma_start3A_323 = tpu.memref_slice %arg10[%dma_start3A_321, %dma_start3A_322] : memref<2x128xi32, #tpu.memory_space<vmem>> -> memref<1x128xi32, #tpu.memory_space<vmem>>
    %dma_start3A_324 = tpu.memref_squeeze %dma_start3A_323 : memref<1x128xi32, #tpu.memory_space<vmem>> -> memref<128xi32, #tpu.memory_space<vmem>>
    %dma_start3A_325 = arith.constant 0 : i32
    %dma_start3A_326 = arith.constant 0 : i32
    %dma_start3A_327 = tpu.memref_slice %arg6[%dma_start3A_325, %dma_start3A_326] : memref<32768x128xf32, #tpu.memory_space<hbm>> -> memref<32768x128xf32, #tpu.memory_space<hbm>>
    tpu.enqueue_indirect_dma source(%arg7 : memref<128x128xf32, #tpu.memory_space<vmem>>) target(%dma_start3A_327 : memref<32768x128xf32, #tpu.memory_space<hbm>>) offsets(%dma_start3A_324 : memref<128xi32, #tpu.memory_space<vmem>>) semaphore(%arg11 : memref<!tpu.dma_semaphore, #tpu.memory_space<semaphore_mem>>)
    %dma_wait3A_328 = arith.constant 1 : i32
    %dma_wait3A_329 = arith.constant 0 : i32
    %dma_wait3A_330 = tpu.memref_slice %arg10[%dma_wait3A_328, %dma_wait3A_329] : memref<2x128xi32, #tpu.memory_space<vmem>> -> memref<1x128xi32, #tpu.memory_space<vmem>>
    %dma_wait3A_331 = tpu.memref_squeeze %dma_wait3A_330 : memref<1x128xi32, #tpu.memory_space<vmem>> -> memref<128xi32, #tpu.memory_space<vmem>>
    %dma_wait3A_332 = arith.constant 0 : i32
    %dma_wait3A_333 = arith.constant 0 : i32
    %dma_wait3A_334 = tpu.memref_slice %arg6[%dma_wait3A_332, %dma_wait3A_333] : memref<32768x128xf32, #tpu.memory_space<hbm>> -> memref<32768x128xf32, #tpu.memory_space<hbm>>
    tpu.wait_indirect_dma semaphore(%arg11 : memref<!tpu.dma_semaphore, #tpu.memory_space<semaphore_mem>>) src(%arg7 : memref<128x128xf32, #tpu.memory_space<vmem>>) dst(%dma_wait3A_334 : memref<32768x128xf32, #tpu.memory_space<hbm>>)
    return
  }
}

module attributes {stable_mosaic.version = 14 : i64} {
  func.func @_router_body(%arg0: memref<4096x256xf32, #tpu.memory_space<vmem>>, %arg1: memref<8x256xf32, #tpu.memory_space<vmem>>, %arg2: memref<4096x8xf32, #tpu.memory_space<vmem>>, %arg3: memref<8x1024xf32, #tpu.memory_space<vmem>>, %arg4: memref<1x1xf32, #tpu.memory_space<vmem>>, %arg5: memref<4096x4xi32, #tpu.memory_space<vmem>>, %arg6: memref<2x4096x128xf32, #tpu.memory_space<vmem>>, %arg7: memref<1x128xi32, #tpu.memory_space<vmem>>, %arg8: memref<8x1024xf32, #tpu.memory_space<vmem>>, %arg9: memref<1x1xf32, #tpu.memory_space<vmem>>) attributes {dimension_semantics = [], scalar_prefetch = 0 : i64, scratch_operands = 0 : i64, tpu.core_type = #tpu.core_type<tc>} {
    %get3A = arith.constant 0 : index
    %get3A_0 = arith.constant 0 : index
    %get3A_1 = vector.load %arg0[%get3A, %get3A_0] : memref<4096x256xf32, #tpu.memory_space<vmem>>, vector<4096x256xf32>
    %get3A_2 = arith.constant 0 : index
    %get3A_3 = arith.constant 0 : index
    %get3A_4 = vector.load %arg1[%get3A_2, %get3A_3] : memref<8x256xf32, #tpu.memory_space<vmem>>, vector<8x256xf32>
    %mul3A = arith.mulf %get3A_4, %get3A_4 : vector<8x256xf32>
    %reduce_sum3A = arith.constant dense<0.000000e+00> : vector<8xf32>
    %reduce_sum3A_5 = vector.multi_reduction <add>, %mul3A, %reduce_sum3A [1] : vector<8x256xf32> to vector<8xf32>
    %broadcast_in_dim3A = vector.shape_cast %reduce_sum3A_5 : vector<8xf32> to vector<8x1xf32>
    %sqrt3A = math.sqrt %broadcast_in_dim3A : vector<8x1xf32>
    %max3A = arith.constant 9.99999996E-13 : f32
    %max3A_6 = vector.broadcast %max3A : f32 to vector<8x1xf32>
    %max3A_7 = arith.maximumf %sqrt3A, %max3A_6 : vector<8x1xf32>
    %div3A = vector.broadcast %max3A_7 : vector<8x1xf32> to vector<8x256xf32>
    %div3A_8 = arith.divf %get3A_4, %div3A : vector<8x256xf32>
    %mul3A_9 = arith.mulf %get3A_1, %get3A_1 : vector<4096x256xf32>
    %reduce_sum3A_10 = arith.constant dense<0.000000e+00> : vector<4096xf32>
    %reduce_sum3A_11 = vector.multi_reduction <add>, %mul3A_9, %reduce_sum3A_10 [1] : vector<4096x256xf32> to vector<4096xf32>
    %broadcast_in_dim3A_12 = vector.shape_cast %reduce_sum3A_11 : vector<4096xf32> to vector<4096x1xf32>
    %sqrt3A_13 = math.sqrt %broadcast_in_dim3A_12 : vector<4096x1xf32>
    %max3A_14 = arith.constant 9.99999996E-13 : f32
    %max3A_15 = vector.broadcast %max3A_14 : f32 to vector<4096x1xf32>
    %max3A_16 = arith.maximumf %sqrt3A_13, %max3A_15 : vector<4096x1xf32>
    %div3A_17 = vector.broadcast %max3A_16 : vector<4096x1xf32> to vector<4096x256xf32>
    %div3A_18 = arith.divf %get3A_1, %div3A_17 : vector<4096x256xf32>
    %transpose3A = tpu.transpose %div3A_8, [1, 0] : vector<8x256xf32> -> vector<256x8xf32>
    %dot_general3A = arith.constant dense<0.000000e+00> : vector<4096x8xf32>
    %dot_general3A_19 = tpu.matmul %div3A_18, %transpose3A, %dot_general3A {dimension_numbers = #tpu.dot_dimension_numbers<[1], [0], [0], [1], [0, 0, 1, 1], [], []>, transpose_lhs_hint = false} : vector<4096x256xf32>, vector<256x8xf32>, vector<4096x8xf32> -> vector<4096x8xf32>
    %mul3A_20 = arith.constant 1.250000e-01 : f32
    %mul3A_21 = vector.broadcast %mul3A_20 : f32 to vector<4096x8xf32>
    %mul3A_22 = arith.mulf %dot_general3A_19, %mul3A_21 : vector<4096x8xf32>
    %get3A_23 = arith.constant 0 : index
    %get3A_24 = arith.constant 0 : index
    %get3A_25 = vector.load %arg2[%get3A_23, %get3A_24] : memref<4096x8xf32, #tpu.memory_space<vmem>>, vector<4096x8xf32>
    %add3A = arith.addf %mul3A_22, %get3A_25 : vector<4096x8xf32>
    %div3A_26 = arith.constant 1.000000e-01 : f32
    %div3A_27 = vector.broadcast %div3A_26 : f32 to vector<4096x8xf32>
    %div3A_28 = arith.divf %add3A, %div3A_27 : vector<4096x8xf32>
    %reduce_max3A = arith.constant dense<0xFF800000> : vector<4096xf32>
    %reduce_max3A_29 = vector.multi_reduction <maximumf>, %div3A_28, %reduce_max3A [1] : vector<4096x8xf32> to vector<4096xf32>
    %broadcast_in_dim3A_30 = vector.shape_cast %reduce_max3A_29 : vector<4096xf32> to vector<4096x1xf32>
    %sub3A = vector.broadcast %broadcast_in_dim3A_30 : vector<4096x1xf32> to vector<4096x8xf32>
    %sub3A_31 = arith.subf %div3A_28, %sub3A : vector<4096x8xf32>
    %exp3A = math.exp %sub3A_31 : vector<4096x8xf32>
    %reduce_sum3A_32 = arith.constant dense<0.000000e+00> : vector<4096xf32>
    %reduce_sum3A_33 = vector.multi_reduction <add>, %exp3A, %reduce_sum3A_32 [1] : vector<4096x8xf32> to vector<4096xf32>
    %broadcast_in_dim3A_34 = vector.shape_cast %reduce_sum3A_33 : vector<4096xf32> to vector<4096x1xf32>
    %div3A_35 = vector.broadcast %broadcast_in_dim3A_34 : vector<4096x1xf32> to vector<4096x8xf32>
    %div3A_36 = arith.divf %exp3A, %div3A_35 : vector<4096x8xf32>
    %iota3A = tpu.iota {dimensions = array<i32: 1>} : vector<4096x8xi32>
    %reduce_max3A_37 = arith.constant dense<0xFF800000> : vector<4096xf32>
    %reduce_max3A_38 = vector.multi_reduction <maximumf>, %div3A_36, %reduce_max3A_37 [1] : vector<4096x8xf32> to vector<4096xf32>
    %broadcast_in_dim3A_39 = vector.shape_cast %reduce_max3A_38 : vector<4096xf32> to vector<4096x1xf32>
    %eq3A = vector.broadcast %broadcast_in_dim3A_39 : vector<4096x1xf32> to vector<4096x8xf32>
    %eq3A_40 = arith.cmpf oeq, %div3A_36, %eq3A : vector<4096x8xf32>
    %jit3A = arith.constant 8 : i32
    %broadcast_in_dim3A_41 = vector.broadcast %jit3A : i32 to vector<4096x8xi32>
    %select_n3A = arith.select %eq3A_40, %iota3A, %broadcast_in_dim3A_41 : vector<4096x8xi1>, vector<4096x8xi32>
    %reduce_min3A = arith.constant dense<2147483647> : vector<4096xi32>
    %reduce_min3A_42 = vector.multi_reduction <minsi>, %select_n3A, %reduce_min3A [1] : vector<4096x8xi32> to vector<4096xi32>
    %broadcast_in_dim3A_43 = vector.shape_cast %reduce_min3A_42 : vector<4096xi32> to vector<4096x1xi32>
    %eq3A_44 = vector.broadcast %broadcast_in_dim3A_43 : vector<4096x1xi32> to vector<4096x8xi32>
    %eq3A_45 = arith.cmpi eq, %iota3A, %eq3A_44 : vector<4096x8xi32>
    %convert_element_type3A = arith.extui %eq3A_45 : vector<4096x8xi1> to vector<4096x8xi32>
    %convert_element_type3A_46 = arith.sitofp %convert_element_type3A : vector<4096x8xi32> to vector<4096x8xf32>
    %eq3A_47 = vector.broadcast %broadcast_in_dim3A_43 : vector<4096x1xi32> to vector<4096x8xi32>
    %eq3A_48 = arith.cmpi eq, %iota3A, %eq3A_47 : vector<4096x8xi32>
    %jit3A_49 = arith.constant 0xFF800000 : f32
    %broadcast_in_dim3A_50 = vector.broadcast %jit3A_49 : f32 to vector<4096x8xf32>
    %select_n3A_51 = arith.select %eq3A_48, %broadcast_in_dim3A_50, %div3A_36 : vector<4096x8xi1>, vector<4096x8xf32>
    %reduce_max3A_52 = arith.constant dense<0xFF800000> : vector<4096xf32>
    %reduce_max3A_53 = vector.multi_reduction <maximumf>, %select_n3A_51, %reduce_max3A_52 [1] : vector<4096x8xf32> to vector<4096xf32>
    %broadcast_in_dim3A_54 = vector.shape_cast %reduce_max3A_53 : vector<4096xf32> to vector<4096x1xf32>
    %eq3A_55 = vector.broadcast %broadcast_in_dim3A_54 : vector<4096x1xf32> to vector<4096x8xf32>
    %eq3A_56 = arith.cmpf oeq, %select_n3A_51, %eq3A_55 : vector<4096x8xf32>
    %jit3A_57 = arith.constant 8 : i32
    %broadcast_in_dim3A_58 = vector.broadcast %jit3A_57 : i32 to vector<4096x8xi32>
    %select_n3A_59 = arith.select %eq3A_56, %iota3A, %broadcast_in_dim3A_58 : vector<4096x8xi1>, vector<4096x8xi32>
    %reduce_min3A_60 = arith.constant dense<2147483647> : vector<4096xi32>
    %reduce_min3A_61 = vector.multi_reduction <minsi>, %select_n3A_59, %reduce_min3A_60 [1] : vector<4096x8xi32> to vector<4096xi32>
    %broadcast_in_dim3A_62 = vector.shape_cast %reduce_min3A_61 : vector<4096xi32> to vector<4096x1xi32>
    %eq3A_63 = vector.broadcast %broadcast_in_dim3A_62 : vector<4096x1xi32> to vector<4096x8xi32>
    %eq3A_64 = arith.cmpi eq, %iota3A, %eq3A_63 : vector<4096x8xi32>
    %convert_element_type3A_65 = arith.extui %eq3A_64 : vector<4096x8xi1> to vector<4096x8xi32>
    %convert_element_type3A_66 = arith.sitofp %convert_element_type3A_65 : vector<4096x8xi32> to vector<4096x8xf32>
    %add3A_67 = arith.addf %convert_element_type3A_46, %convert_element_type3A_66 : vector<4096x8xf32>
    %mul3A_68 = arith.mulf %div3A_36, %add3A_67 : vector<4096x8xf32>
    %slice3A = vector.extract_strided_slice %mul3A_68 {offsets = [0, 0], sizes = [2048, 8], strides = [1, 1]} : vector<4096x8xf32> to vector<2048x8xf32>
    %slice3A_69 = vector.extract_strided_slice %mul3A_68 {offsets = [2048, 0], sizes = [2048, 8], strides = [1, 1]} : vector<4096x8xf32> to vector<2048x8xf32>
    %add3A_70 = arith.addf %slice3A, %slice3A_69 : vector<2048x8xf32>
    %reduce_sum3A_71 = vector.shape_cast %add3A_70 : vector<2048x8xf32> to vector<1x2048x8xf32>
    %reduce_sum3A_72 = arith.constant dense<0.000000e+00> : vector<1xf32>
    %reduce_sum3A_73 = vector.multi_reduction <add>, %reduce_sum3A_71, %reduce_sum3A_72 [1, 2] : vector<1x2048x8xf32> to vector<1xf32>
    %reduce_sum3A_74 = vector.shape_cast %reduce_sum3A_73 : vector<1xf32> to vector<1x1x1xf32>
    %reduce_sum3A_75 = vector.extract %reduce_sum3A_74[0, 0, 0] : f32 from vector<1x1x1xf32>
    %div3A_76 = arith.constant 1.638400e+04 : f32
    %div3A_77 = arith.divf %reduce_sum3A_75, %div3A_76 : f32
    %sub3A_78 = vector.broadcast %div3A_77 : f32 to vector<2048x8xf32>
    %sub3A_79 = arith.subf %add3A_70, %sub3A_78 : vector<2048x8xf32>
    %integer_pow3A = arith.mulf %sub3A_79, %sub3A_79 : vector<2048x8xf32>
    %reduce_sum3A_80 = vector.shape_cast %integer_pow3A : vector<2048x8xf32> to vector<1x2048x8xf32>
    %reduce_sum3A_81 = arith.constant dense<0.000000e+00> : vector<1xf32>
    %reduce_sum3A_82 = vector.multi_reduction <add>, %reduce_sum3A_80, %reduce_sum3A_81 [1, 2] : vector<1x2048x8xf32> to vector<1xf32>
    %reduce_sum3A_83 = vector.shape_cast %reduce_sum3A_82 : vector<1xf32> to vector<1x1x1xf32>
    %reduce_sum3A_84 = vector.extract %reduce_sum3A_83[0, 0, 0] : f32 from vector<1x1x1xf32>
    %div3A_85 = arith.constant 1.638300e+04 : f32
    %div3A_86 = arith.divf %reduce_sum3A_84, %div3A_85 : f32
    %sqrt3A_87 = math.sqrt %div3A_86 : f32
    %reduce_sum3A_88 = vector.shape_cast %add3A_70 : vector<2048x8xf32> to vector<1x2048x8xf32>
    %reduce_sum3A_89 = arith.constant dense<0.000000e+00> : vector<1xf32>
    %reduce_sum3A_90 = vector.multi_reduction <add>, %reduce_sum3A_88, %reduce_sum3A_89 [1, 2] : vector<1x2048x8xf32> to vector<1xf32>
    %reduce_sum3A_91 = vector.shape_cast %reduce_sum3A_90 : vector<1xf32> to vector<1x1x1xf32>
    %reduce_sum3A_92 = vector.extract %reduce_sum3A_91[0, 0, 0] : f32 from vector<1x1x1xf32>
    %add3A_93 = arith.constant 9.99999993E-9 : f32
    %add3A_94 = arith.addf %reduce_sum3A_92, %add3A_93 : f32
    %div3A_95 = vector.broadcast %add3A_94 : f32 to vector<2048x8xf32>
    %div3A_96 = arith.divf %add3A_70, %div3A_95 : vector<2048x8xf32>
    %add3A_97 = arith.constant 9.99999993E-9 : f32
    %add3A_98 = vector.broadcast %add3A_97 : f32 to vector<2048x8xf32>
    %add3A_99 = arith.addf %div3A_96, %add3A_98 : vector<2048x8xf32>
    %log3A = math.log %add3A_99 : vector<2048x8xf32>
    %mul3A_100 = arith.mulf %div3A_96, %log3A : vector<2048x8xf32>
    %reduce_sum3A_101 = vector.shape_cast %mul3A_100 : vector<2048x8xf32> to vector<1x2048x8xf32>
    %reduce_sum3A_102 = arith.constant dense<0.000000e+00> : vector<1xf32>
    %reduce_sum3A_103 = vector.multi_reduction <add>, %reduce_sum3A_101, %reduce_sum3A_102 [1, 2] : vector<1x2048x8xf32> to vector<1xf32>
    %reduce_sum3A_104 = vector.shape_cast %reduce_sum3A_103 : vector<1xf32> to vector<1x1x1xf32>
    %reduce_sum3A_105 = vector.extract %reduce_sum3A_104[0, 0, 0] : f32 from vector<1x1x1xf32>
    %neg3A = arith.constant 0.000000e+00 : f32
    %neg3A_106 = arith.subf %neg3A, %reduce_sum3A_105 : f32
    %add3A_107 = arith.addf %sqrt3A_87, %neg3A_106 : f32
    %mul3A_108 = arith.constant 5.000000e-01 : f32
    %mul3A_109 = arith.mulf %mul3A_108, %add3A_107 : f32
    %get3A_110 = arith.constant 0 : index
    %get3A_111 = arith.constant 0 : index
    %get3A_112 = vector.load %arg4[%get3A_110, %get3A_111] : memref<1x1xf32, #tpu.memory_space<vmem>>, vector<1x1xf32>
    %get3A_113 = vector.extract %get3A_112[0, 0] : f32 from vector<1x1xf32>
    %jit3A_114 = arith.constant 1.000000e-01 : f32
    %jit3A_115 = arith.constant 5.000000e+00 : f32
    %max3A_116 = arith.maximumf %jit3A_114, %get3A_113 : f32
    %min3A = arith.minimumf %jit3A_115, %max3A_116 : f32
    %get3A_117 = arith.constant 0 : index
    %get3A_118 = arith.constant 0 : index
    %get3A_119 = vector.load %arg3[%get3A_117, %get3A_118] : memref<8x1024xf32, #tpu.memory_space<vmem>>, vector<8x1024xf32>
    %div3A_120 = vector.broadcast %min3A : f32 to vector<8x1024xf32>
    %div3A_121 = arith.divf %get3A_119, %div3A_120 : vector<8x1024xf32>
    %reduce_max3A_122 = arith.constant dense<0xFF800000> : vector<8xf32>
    %reduce_max3A_123 = vector.multi_reduction <maximumf>, %div3A_121, %reduce_max3A_122 [1] : vector<8x1024xf32> to vector<8xf32>
    %broadcast_in_dim3A_124 = vector.shape_cast %reduce_max3A_123 : vector<8xf32> to vector<8x1xf32>
    %sub3A_125 = vector.broadcast %broadcast_in_dim3A_124 : vector<8x1xf32> to vector<8x1024xf32>
    %sub3A_126 = arith.subf %div3A_121, %sub3A_125 : vector<8x1024xf32>
    %exp3A_127 = math.exp %sub3A_126 : vector<8x1024xf32>
    %reduce_sum3A_128 = arith.constant dense<0.000000e+00> : vector<8xf32>
    %reduce_sum3A_129 = vector.multi_reduction <add>, %exp3A_127, %reduce_sum3A_128 [1] : vector<8x1024xf32> to vector<8xf32>
    %broadcast_in_dim3A_130 = vector.shape_cast %reduce_sum3A_129 : vector<8xf32> to vector<8x1xf32>
    %div3A_131 = vector.broadcast %broadcast_in_dim3A_130 : vector<8x1xf32> to vector<8x1024xf32>
    %div3A_132 = arith.divf %exp3A_127, %div3A_131 : vector<8x1024xf32>
    %swap3A = arith.constant 0 : index
    %swap3A_133 = arith.constant 0 : index
    %swap3A_134 = vector.load %arg8[%swap3A, %swap3A_133] : memref<8x1024xf32, #tpu.memory_space<vmem>>, vector<8x1024xf32>
    tpu.vector_store %arg8[%swap3A, %swap3A_133], %div3A_132 {strides = array<i32>} : memref<8x1024xf32, #tpu.memory_space<vmem>>, vector<8x1024xf32>,
    %add3A_135 = arith.constant 9.99999993E-9 : f32
    %add3A_136 = vector.broadcast %add3A_135 : f32 to vector<8x1024xf32>
    %add3A_137 = arith.addf %div3A_132, %add3A_136 : vector<8x1024xf32>
    %log3A_138 = math.log %add3A_137 : vector<8x1024xf32>
    %mul3A_139 = arith.mulf %div3A_132, %log3A_138 : vector<8x1024xf32>
    %reduce_sum3A_140 = vector.shape_cast %mul3A_139 : vector<8x1024xf32> to vector<1x8x1024xf32>
    %reduce_sum3A_141 = arith.constant dense<0.000000e+00> : vector<1xf32>
    %reduce_sum3A_142 = vector.multi_reduction <add>, %reduce_sum3A_140, %reduce_sum3A_141 [1, 2] : vector<1x8x1024xf32> to vector<1xf32>
    %reduce_sum3A_143 = vector.shape_cast %reduce_sum3A_142 : vector<1xf32> to vector<1x1x1xf32>
    %reduce_sum3A_144 = vector.extract %reduce_sum3A_143[0, 0, 0] : f32 from vector<1x1x1xf32>
    %neg3A_145 = arith.constant 0.000000e+00 : f32
    %neg3A_146 = arith.subf %neg3A_145, %reduce_sum3A_144 : f32
    %div3A_147 = arith.constant 8.000000e+00 : f32
    %div3A_148 = arith.divf %neg3A_146, %div3A_147 : f32
    %mul3A_149 = arith.constant 0.00999999977 : f32
    %mul3A_150 = arith.mulf %mul3A_149, %div3A_148 : f32
    %sub3A_151 = arith.subf %mul3A_109, %mul3A_150 : f32
    %broadcast_in_dim3A_152 = vector.broadcast %sub3A_151 : f32 to vector<1x1xf32>
    %swap3A_153 = arith.constant 0 : index
    %swap3A_154 = arith.constant 0 : index
    %swap3A_155 = vector.load %arg9[%swap3A_153, %swap3A_154] : memref<1x1xf32, #tpu.memory_space<vmem>>, vector<1x1xf32>
    tpu.vector_store %arg9[%swap3A_153, %swap3A_154], %broadcast_in_dim3A_152 {strides = array<i32>} : memref<1x1xf32, #tpu.memory_space<vmem>>, vector<1x1xf32>,
    %broadcast_in_dim3A_156 = arith.constant 0.000000e+00 : f32
    %broadcast_in_dim3A_157 = vector.broadcast %broadcast_in_dim3A_156 : f32 to vector<1x8xf32>
    %slice3A_158 = vector.extract_strided_slice %convert_element_type3A_46 {offsets = [0, 0], sizes = [4095, 8], strides = [1, 1]} : vector<4096x8xf32> to vector<4095x8xf32>
    %concatenate3A = tpu.concatenate %broadcast_in_dim3A_157, %slice3A_158 in 0 : vector<1x8xf32>, vector<4095x8xf32> -> vector<4096x8xf32>
    %add3A_159 = arith.addf %convert_element_type3A_46, %concatenate3A : vector<4096x8xf32>
    %broadcast_in_dim3A_160 = arith.constant 0.000000e+00 : f32
    %broadcast_in_dim3A_161 = vector.broadcast %broadcast_in_dim3A_160 : f32 to vector<2x8xf32>
    %slice3A_162 = vector.extract_strided_slice %add3A_159 {offsets = [0, 0], sizes = [4094, 8], strides = [1, 1]} : vector<4096x8xf32> to vector<4094x8xf32>
    %concatenate3A_163 = tpu.concatenate %broadcast_in_dim3A_161, %slice3A_162 in 0 : vector<2x8xf32>, vector<4094x8xf32> -> vector<4096x8xf32>
    %add3A_164 = arith.addf %add3A_159, %concatenate3A_163 : vector<4096x8xf32>
    %broadcast_in_dim3A_165 = arith.constant 0.000000e+00 : f32
    %broadcast_in_dim3A_166 = vector.broadcast %broadcast_in_dim3A_165 : f32 to vector<4x8xf32>
    %slice3A_167 = vector.extract_strided_slice %add3A_164 {offsets = [0, 0], sizes = [4092, 8], strides = [1, 1]} : vector<4096x8xf32> to vector<4092x8xf32>
    %concatenate3A_168 = tpu.concatenate %broadcast_in_dim3A_166, %slice3A_167 in 0 : vector<4x8xf32>, vector<4092x8xf32> -> vector<4096x8xf32>
    %add3A_169 = arith.addf %add3A_164, %concatenate3A_168 : vector<4096x8xf32>
    %broadcast_in_dim3A_170 = arith.constant 0.000000e+00 : f32
    %broadcast_in_dim3A_171 = vector.broadcast %broadcast_in_dim3A_170 : f32 to vector<8x8xf32>
    %slice3A_172 = vector.extract_strided_slice %add3A_169 {offsets = [0, 0], sizes = [4088, 8], strides = [1, 1]} : vector<4096x8xf32> to vector<4088x8xf32>
    %concatenate3A_173 = tpu.concatenate %broadcast_in_dim3A_171, %slice3A_172 in 0 : vector<8x8xf32>, vector<4088x8xf32> -> vector<4096x8xf32>
    %add3A_174 = arith.addf %add3A_169, %concatenate3A_173 : vector<4096x8xf32>
    %broadcast_in_dim3A_175 = arith.constant 0.000000e+00 : f32
    %broadcast_in_dim3A_176 = vector.broadcast %broadcast_in_dim3A_175 : f32 to vector<16x8xf32>
    %slice3A_177 = vector.extract_strided_slice %add3A_174 {offsets = [0, 0], sizes = [4080, 8], strides = [1, 1]} : vector<4096x8xf32> to vector<4080x8xf32>
    %concatenate3A_178 = tpu.concatenate %broadcast_in_dim3A_176, %slice3A_177 in 0 : vector<16x8xf32>, vector<4080x8xf32> -> vector<4096x8xf32>
    %add3A_179 = arith.addf %add3A_174, %concatenate3A_178 : vector<4096x8xf32>
    %broadcast_in_dim3A_180 = arith.constant 0.000000e+00 : f32
    %broadcast_in_dim3A_181 = vector.broadcast %broadcast_in_dim3A_180 : f32 to vector<32x8xf32>
    %slice3A_182 = vector.extract_strided_slice %add3A_179 {offsets = [0, 0], sizes = [4064, 8], strides = [1, 1]} : vector<4096x8xf32> to vector<4064x8xf32>
    %concatenate3A_183 = tpu.concatenate %broadcast_in_dim3A_181, %slice3A_182 in 0 : vector<32x8xf32>, vector<4064x8xf32> -> vector<4096x8xf32>
    %add3A_184 = arith.addf %add3A_179, %concatenate3A_183 : vector<4096x8xf32>
    %broadcast_in_dim3A_185 = arith.constant 0.000000e+00 : f32
    %broadcast_in_dim3A_186 = vector.broadcast %broadcast_in_dim3A_185 : f32 to vector<64x8xf32>
    %slice3A_187 = vector.extract_strided_slice %add3A_184 {offsets = [0, 0], sizes = [4032, 8], strides = [1, 1]} : vector<4096x8xf32> to vector<4032x8xf32>
    %concatenate3A_188 = tpu.concatenate %broadcast_in_dim3A_186, %slice3A_187 in 0 : vector<64x8xf32>, vector<4032x8xf32> -> vector<4096x8xf32>
    %add3A_189 = arith.addf %add3A_184, %concatenate3A_188 : vector<4096x8xf32>
    %broadcast_in_dim3A_190 = arith.constant 0.000000e+00 : f32
    %broadcast_in_dim3A_191 = vector.broadcast %broadcast_in_dim3A_190 : f32 to vector<128x8xf32>
    %slice3A_192 = vector.extract_strided_slice %add3A_189 {offsets = [0, 0], sizes = [3968, 8], strides = [1, 1]} : vector<4096x8xf32> to vector<3968x8xf32>
    %concatenate3A_193 = tpu.concatenate %broadcast_in_dim3A_191, %slice3A_192 in 0 : vector<128x8xf32>, vector<3968x8xf32> -> vector<4096x8xf32>
    %add3A_194 = arith.addf %add3A_189, %concatenate3A_193 : vector<4096x8xf32>
    %broadcast_in_dim3A_195 = arith.constant 0.000000e+00 : f32
    %broadcast_in_dim3A_196 = vector.broadcast %broadcast_in_dim3A_195 : f32 to vector<256x8xf32>
    %slice3A_197 = vector.extract_strided_slice %add3A_194 {offsets = [0, 0], sizes = [3840, 8], strides = [1, 1]} : vector<4096x8xf32> to vector<3840x8xf32>
    %concatenate3A_198 = tpu.concatenate %broadcast_in_dim3A_196, %slice3A_197 in 0 : vector<256x8xf32>, vector<3840x8xf32> -> vector<4096x8xf32>
    %add3A_199 = arith.addf %add3A_194, %concatenate3A_198 : vector<4096x8xf32>
    %broadcast_in_dim3A_200 = arith.constant 0.000000e+00 : f32
    %broadcast_in_dim3A_201 = vector.broadcast %broadcast_in_dim3A_200 : f32 to vector<512x8xf32>
    %slice3A_202 = vector.extract_strided_slice %add3A_199 {offsets = [0, 0], sizes = [3584, 8], strides = [1, 1]} : vector<4096x8xf32> to vector<3584x8xf32>
    %concatenate3A_203 = tpu.concatenate %broadcast_in_dim3A_201, %slice3A_202 in 0 : vector<512x8xf32>, vector<3584x8xf32> -> vector<4096x8xf32>
    %add3A_204 = arith.addf %add3A_199, %concatenate3A_203 : vector<4096x8xf32>
    %broadcast_in_dim3A_205 = arith.constant 0.000000e+00 : f32
    %broadcast_in_dim3A_206 = vector.broadcast %broadcast_in_dim3A_205 : f32 to vector<1024x8xf32>
    %slice3A_207 = vector.extract_strided_slice %add3A_204 {offsets = [0, 0], sizes = [3072, 8], strides = [1, 1]} : vector<4096x8xf32> to vector<3072x8xf32>
    %concatenate3A_208 = tpu.concatenate %broadcast_in_dim3A_206, %slice3A_207 in 0 : vector<1024x8xf32>, vector<3072x8xf32> -> vector<4096x8xf32>
    %add3A_209 = arith.addf %add3A_204, %concatenate3A_208 : vector<4096x8xf32>
    %broadcast_in_dim3A_210 = arith.constant 0.000000e+00 : f32
    %broadcast_in_dim3A_211 = vector.broadcast %broadcast_in_dim3A_210 : f32 to vector<2048x8xf32>
    %slice3A_212 = vector.extract_strided_slice %add3A_209 {offsets = [0, 0], sizes = [2048, 8], strides = [1, 1]} : vector<4096x8xf32> to vector<2048x8xf32>
    %concatenate3A_213 = tpu.concatenate %broadcast_in_dim3A_211, %slice3A_212 in 0 : vector<2048x8xf32>, vector<2048x8xf32> -> vector<4096x8xf32>
    %add3A_214 = arith.addf %add3A_209, %concatenate3A_213 : vector<4096x8xf32>
    %broadcast_in_dim3A_215 = arith.constant 0.000000e+00 : f32
    %broadcast_in_dim3A_216 = vector.broadcast %broadcast_in_dim3A_215 : f32 to vector<1x8xf32>
    %slice3A_217 = vector.extract_strided_slice %convert_element_type3A_66 {offsets = [0, 0], sizes = [4095, 8], strides = [1, 1]} : vector<4096x8xf32> to vector<4095x8xf32>
    %concatenate3A_218 = tpu.concatenate %broadcast_in_dim3A_216, %slice3A_217 in 0 : vector<1x8xf32>, vector<4095x8xf32> -> vector<4096x8xf32>
    %add3A_219 = arith.addf %convert_element_type3A_66, %concatenate3A_218 : vector<4096x8xf32>
    %broadcast_in_dim3A_220 = arith.constant 0.000000e+00 : f32
    %broadcast_in_dim3A_221 = vector.broadcast %broadcast_in_dim3A_220 : f32 to vector<2x8xf32>
    %slice3A_222 = vector.extract_strided_slice %add3A_219 {offsets = [0, 0], sizes = [4094, 8], strides = [1, 1]} : vector<4096x8xf32> to vector<4094x8xf32>
    %concatenate3A_223 = tpu.concatenate %broadcast_in_dim3A_221, %slice3A_222 in 0 : vector<2x8xf32>, vector<4094x8xf32> -> vector<4096x8xf32>
    %add3A_224 = arith.addf %add3A_219, %concatenate3A_223 : vector<4096x8xf32>
    %broadcast_in_dim3A_225 = arith.constant 0.000000e+00 : f32
    %broadcast_in_dim3A_226 = vector.broadcast %broadcast_in_dim3A_225 : f32 to vector<4x8xf32>
    %slice3A_227 = vector.extract_strided_slice %add3A_224 {offsets = [0, 0], sizes = [4092, 8], strides = [1, 1]} : vector<4096x8xf32> to vector<4092x8xf32>
    %concatenate3A_228 = tpu.concatenate %broadcast_in_dim3A_226, %slice3A_227 in 0 : vector<4x8xf32>, vector<4092x8xf32> -> vector<4096x8xf32>
    %add3A_229 = arith.addf %add3A_224, %concatenate3A_228 : vector<4096x8xf32>
    %broadcast_in_dim3A_230 = arith.constant 0.000000e+00 : f32
    %broadcast_in_dim3A_231 = vector.broadcast %broadcast_in_dim3A_230 : f32 to vector<8x8xf32>
    %slice3A_232 = vector.extract_strided_slice %add3A_229 {offsets = [0, 0], sizes = [4088, 8], strides = [1, 1]} : vector<4096x8xf32> to vector<4088x8xf32>
    %concatenate3A_233 = tpu.concatenate %broadcast_in_dim3A_231, %slice3A_232 in 0 : vector<8x8xf32>, vector<4088x8xf32> -> vector<4096x8xf32>
    %add3A_234 = arith.addf %add3A_229, %concatenate3A_233 : vector<4096x8xf32>
    %broadcast_in_dim3A_235 = arith.constant 0.000000e+00 : f32
    %broadcast_in_dim3A_236 = vector.broadcast %broadcast_in_dim3A_235 : f32 to vector<16x8xf32>
    %slice3A_237 = vector.extract_strided_slice %add3A_234 {offsets = [0, 0], sizes = [4080, 8], strides = [1, 1]} : vector<4096x8xf32> to vector<4080x8xf32>
    %concatenate3A_238 = tpu.concatenate %broadcast_in_dim3A_236, %slice3A_237 in 0 : vector<16x8xf32>, vector<4080x8xf32> -> vector<4096x8xf32>
    %add3A_239 = arith.addf %add3A_234, %concatenate3A_238 : vector<4096x8xf32>
    %broadcast_in_dim3A_240 = arith.constant 0.000000e+00 : f32
    %broadcast_in_dim3A_241 = vector.broadcast %broadcast_in_dim3A_240 : f32 to vector<32x8xf32>
    %slice3A_242 = vector.extract_strided_slice %add3A_239 {offsets = [0, 0], sizes = [4064, 8], strides = [1, 1]} : vector<4096x8xf32> to vector<4064x8xf32>
    %concatenate3A_243 = tpu.concatenate %broadcast_in_dim3A_241, %slice3A_242 in 0 : vector<32x8xf32>, vector<4064x8xf32> -> vector<4096x8xf32>
    %add3A_244 = arith.addf %add3A_239, %concatenate3A_243 : vector<4096x8xf32>
    %broadcast_in_dim3A_245 = arith.constant 0.000000e+00 : f32
    %broadcast_in_dim3A_246 = vector.broadcast %broadcast_in_dim3A_245 : f32 to vector<64x8xf32>
    %slice3A_247 = vector.extract_strided_slice %add3A_244 {offsets = [0, 0], sizes = [4032, 8], strides = [1, 1]} : vector<4096x8xf32> to vector<4032x8xf32>
    %concatenate3A_248 = tpu.concatenate %broadcast_in_dim3A_246, %slice3A_247 in 0 : vector<64x8xf32>, vector<4032x8xf32> -> vector<4096x8xf32>
    %add3A_249 = arith.addf %add3A_244, %concatenate3A_248 : vector<4096x8xf32>
    %broadcast_in_dim3A_250 = arith.constant 0.000000e+00 : f32
    %broadcast_in_dim3A_251 = vector.broadcast %broadcast_in_dim3A_250 : f32 to vector<128x8xf32>
    %slice3A_252 = vector.extract_strided_slice %add3A_249 {offsets = [0, 0], sizes = [3968, 8], strides = [1, 1]} : vector<4096x8xf32> to vector<3968x8xf32>
    %concatenate3A_253 = tpu.concatenate %broadcast_in_dim3A_251, %slice3A_252 in 0 : vector<128x8xf32>, vector<3968x8xf32> -> vector<4096x8xf32>
    %add3A_254 = arith.addf %add3A_249, %concatenate3A_253 : vector<4096x8xf32>
    %broadcast_in_dim3A_255 = arith.constant 0.000000e+00 : f32
    %broadcast_in_dim3A_256 = vector.broadcast %broadcast_in_dim3A_255 : f32 to vector<256x8xf32>
    %slice3A_257 = vector.extract_strided_slice %add3A_254 {offsets = [0, 0], sizes = [3840, 8], strides = [1, 1]} : vector<4096x8xf32> to vector<3840x8xf32>
    %concatenate3A_258 = tpu.concatenate %broadcast_in_dim3A_256, %slice3A_257 in 0 : vector<256x8xf32>, vector<3840x8xf32> -> vector<4096x8xf32>
    %add3A_259 = arith.addf %add3A_254, %concatenate3A_258 : vector<4096x8xf32>
    %broadcast_in_dim3A_260 = arith.constant 0.000000e+00 : f32
    %broadcast_in_dim3A_261 = vector.broadcast %broadcast_in_dim3A_260 : f32 to vector<512x8xf32>
    %slice3A_262 = vector.extract_strided_slice %add3A_259 {offsets = [0, 0], sizes = [3584, 8], strides = [1, 1]} : vector<4096x8xf32> to vector<3584x8xf32>
    %concatenate3A_263 = tpu.concatenate %broadcast_in_dim3A_261, %slice3A_262 in 0 : vector<512x8xf32>, vector<3584x8xf32> -> vector<4096x8xf32>
    %add3A_264 = arith.addf %add3A_259, %concatenate3A_263 : vector<4096x8xf32>
    %broadcast_in_dim3A_265 = arith.constant 0.000000e+00 : f32
    %broadcast_in_dim3A_266 = vector.broadcast %broadcast_in_dim3A_265 : f32 to vector<1024x8xf32>
    %slice3A_267 = vector.extract_strided_slice %add3A_264 {offsets = [0, 0], sizes = [3072, 8], strides = [1, 1]} : vector<4096x8xf32> to vector<3072x8xf32>
    %concatenate3A_268 = tpu.concatenate %broadcast_in_dim3A_266, %slice3A_267 in 0 : vector<1024x8xf32>, vector<3072x8xf32> -> vector<4096x8xf32>
    %add3A_269 = arith.addf %add3A_264, %concatenate3A_268 : vector<4096x8xf32>
    %broadcast_in_dim3A_270 = arith.constant 0.000000e+00 : f32
    %broadcast_in_dim3A_271 = vector.broadcast %broadcast_in_dim3A_270 : f32 to vector<2048x8xf32>
    %slice3A_272 = vector.extract_strided_slice %add3A_269 {offsets = [0, 0], sizes = [2048, 8], strides = [1, 1]} : vector<4096x8xf32> to vector<2048x8xf32>
    %concatenate3A_273 = tpu.concatenate %broadcast_in_dim3A_271, %slice3A_272 in 0 : vector<2048x8xf32>, vector<2048x8xf32> -> vector<4096x8xf32>
    %add3A_274 = arith.addf %add3A_269, %concatenate3A_273 : vector<4096x8xf32>
    %slice3A_275 = vector.extract_strided_slice %add3A_214 {offsets = [4095, 0], sizes = [1, 8], strides = [1, 1]} : vector<4096x8xf32> to vector<1x8xf32>
    %slice3A_276 = vector.extract_strided_slice %add3A_274 {offsets = [4095, 0], sizes = [1, 8], strides = [1, 1]} : vector<4096x8xf32> to vector<1x8xf32>
    %add3A_277 = arith.addf %slice3A_275, %slice3A_276 : vector<1x8xf32>
    %add3A_278 = arith.constant 5.110000e+02 : f32
    %add3A_279 = vector.broadcast %add3A_278 : f32 to vector<1x8xf32>
    %add3A_280 = arith.addf %add3A_277, %add3A_279 : vector<1x8xf32>
    %mul3A_281 = arith.constant 0.001953125 : f32
    %mul3A_282 = vector.broadcast %mul3A_281 : f32 to vector<1x8xf32>
    %mul3A_283 = arith.mulf %add3A_280, %mul3A_282 : vector<1x8xf32>
    %floor3A = math.floor %mul3A_283 : vector<1x8xf32>
    %mul3A_284 = arith.constant 5.120000e+02 : f32
    %mul3A_285 = vector.broadcast %mul3A_284 : f32 to vector<1x8xf32>
    %mul3A_286 = arith.mulf %floor3A, %mul3A_285 : vector<1x8xf32>
    %broadcast_in_dim3A_287 = arith.constant 0.000000e+00 : f32
    %broadcast_in_dim3A_288 = vector.broadcast %broadcast_in_dim3A_287 : f32 to vector<1x1xf32>
    %slice3A_289 = vector.extract_strided_slice %mul3A_286 {offsets = [0, 0], sizes = [1, 7], strides = [1, 1]} : vector<1x8xf32> to vector<1x7xf32>
    %concatenate3A_290 = tpu.concatenate %broadcast_in_dim3A_288, %slice3A_289 in 1 : vector<1x1xf32>, vector<1x7xf32> -> vector<1x8xf32>
    %add3A_291 = arith.addf %mul3A_286, %concatenate3A_290 : vector<1x8xf32>
    %broadcast_in_dim3A_292 = arith.constant 0.000000e+00 : f32
    %broadcast_in_dim3A_293 = vector.broadcast %broadcast_in_dim3A_292 : f32 to vector<1x2xf32>
    %slice3A_294 = vector.extract_strided_slice %add3A_291 {offsets = [0, 0], sizes = [1, 6], strides = [1, 1]} : vector<1x8xf32> to vector<1x6xf32>
    %concatenate3A_295 = tpu.concatenate %broadcast_in_dim3A_293, %slice3A_294 in 1 : vector<1x2xf32>, vector<1x6xf32> -> vector<1x8xf32>
    %add3A_296 = arith.addf %add3A_291, %concatenate3A_295 : vector<1x8xf32>
    %broadcast_in_dim3A_297 = arith.constant 0.000000e+00 : f32
    %broadcast_in_dim3A_298 = vector.broadcast %broadcast_in_dim3A_297 : f32 to vector<1x4xf32>
    %slice3A_299 = vector.extract_strided_slice %add3A_296 {offsets = [0, 0], sizes = [1, 4], strides = [1, 1]} : vector<1x8xf32> to vector<1x4xf32>
    %concatenate3A_300 = tpu.concatenate %broadcast_in_dim3A_298, %slice3A_299 in 1 : vector<1x4xf32>, vector<1x4xf32> -> vector<1x8xf32>
    %add3A_301 = arith.addf %add3A_296, %concatenate3A_300 : vector<1x8xf32>
    %sub3A_302 = arith.subf %add3A_301, %mul3A_286 : vector<1x8xf32>
    %sub3A_303 = arith.subf %add3A_214, %convert_element_type3A_46 : vector<4096x8xf32>
    %mul3A_304 = arith.mulf %sub3A_303, %convert_element_type3A_46 : vector<4096x8xf32>
    %reduce_sum3A_305 = arith.constant dense<0.000000e+00> : vector<4096xf32>
    %reduce_sum3A_306 = vector.multi_reduction <add>, %mul3A_304, %reduce_sum3A_305 [1] : vector<4096x8xf32> to vector<4096xf32>
    %broadcast_in_dim3A_307 = vector.shape_cast %reduce_sum3A_306 : vector<4096xf32> to vector<4096x1xf32>
    %sub3A_308 = arith.subf %add3A_274, %convert_element_type3A_66 : vector<4096x8xf32>
    %add3A_309 = vector.broadcast %slice3A_275 : vector<1x8xf32> to vector<4096x8xf32>
    %add3A_310 = arith.addf %sub3A_308, %add3A_309 : vector<4096x8xf32>
    %mul3A_311 = arith.mulf %add3A_310, %convert_element_type3A_66 : vector<4096x8xf32>
    %reduce_sum3A_312 = arith.constant dense<0.000000e+00> : vector<4096xf32>
    %reduce_sum3A_313 = vector.multi_reduction <add>, %mul3A_311, %reduce_sum3A_312 [1] : vector<4096x8xf32> to vector<4096xf32>
    %broadcast_in_dim3A_314 = vector.shape_cast %reduce_sum3A_313 : vector<4096xf32> to vector<4096x1xf32>
    %mul3A_315 = vector.broadcast %sub3A_302 : vector<1x8xf32> to vector<4096x8xf32>
    %mul3A_316 = arith.mulf %mul3A_315, %convert_element_type3A_46 : vector<4096x8xf32>
    %reduce_sum3A_317 = arith.constant dense<0.000000e+00> : vector<4096xf32>
    %reduce_sum3A_318 = vector.multi_reduction <add>, %mul3A_316, %reduce_sum3A_317 [1] : vector<4096x8xf32> to vector<4096xf32>
    %broadcast_in_dim3A_319 = vector.shape_cast %reduce_sum3A_318 : vector<4096xf32> to vector<4096x1xf32>
    %add3A_320 = arith.addf %broadcast_in_dim3A_319, %broadcast_in_dim3A_307 : vector<4096x1xf32>
    %mul3A_321 = vector.broadcast %sub3A_302 : vector<1x8xf32> to vector<4096x8xf32>
    %mul3A_322 = arith.mulf %mul3A_321, %convert_element_type3A_66 : vector<4096x8xf32>
    %reduce_sum3A_323 = arith.constant dense<0.000000e+00> : vector<4096xf32>
    %reduce_sum3A_324 = vector.multi_reduction <add>, %mul3A_322, %reduce_sum3A_323 [1] : vector<4096x8xf32> to vector<4096xf32>
    %broadcast_in_dim3A_325 = vector.shape_cast %reduce_sum3A_324 : vector<4096xf32> to vector<4096x1xf32>
    %add3A_326 = arith.addf %broadcast_in_dim3A_325, %broadcast_in_dim3A_314 : vector<4096x1xf32>
    %iota3A_327 = tpu.iota {dimensions = array<i32: 0>} : vector<4096x1xi32>
    %mul3A_328 = arith.constant 8 : i32
    %mul3A_329 = vector.broadcast %mul3A_328 : i32 to vector<4096x1xi32>
    %mul3A_330 = arith.muli %iota3A_327, %mul3A_329 : vector<4096x1xi32>
    %add3A_331 = arith.addi %mul3A_330, %broadcast_in_dim3A_43 : vector<4096x1xi32>
    %mul3A_332 = arith.constant 8 : i32
    %mul3A_333 = vector.broadcast %mul3A_332 : i32 to vector<4096x1xi32>
    %mul3A_334 = arith.muli %iota3A_327, %mul3A_333 : vector<4096x1xi32>
    %add3A_335 = arith.addi %mul3A_334, %broadcast_in_dim3A_62 : vector<4096x1xi32>
    %convert_element_type3A_336 = arith.fptosi %add3A_320 : vector<4096x1xf32> to vector<4096x1xi32>
    %convert_element_type3A_337 = arith.fptosi %add3A_326 : vector<4096x1xf32> to vector<4096x1xi32>
    %concatenate3A_338 = tpu.concatenate %convert_element_type3A_336, %convert_element_type3A_337, %add3A_331, %add3A_335 in 1 : vector<4096x1xi32>, vector<4096x1xi32>, vector<4096x1xi32>, vector<4096x1xi32> -> vector<4096x4xi32>
    %swap3A_339 = arith.constant 0 : index
    %swap3A_340 = arith.constant 0 : index
    %swap3A_341 = vector.load %arg5[%swap3A_339, %swap3A_340] : memref<4096x4xi32, #tpu.memory_space<vmem>>, vector<4096x4xi32>
    tpu.vector_store %arg5[%swap3A_339, %swap3A_340], %concatenate3A_338 {strides = array<i32>} : memref<4096x4xi32, #tpu.memory_space<vmem>>, vector<4096x4xi32>,
    %broadcast_in_dim3A_342 = vector.shape_cast %broadcast_in_dim3A_39 : vector<4096x1xf32> to vector<4096x1xf32>
    %broadcast_in_dim3A_343 = vector.broadcast %broadcast_in_dim3A_342 : vector<4096x1xf32> to vector<4096x128xf32>
    %swap3A_344 = arith.constant 0 : index
    %swap3A_345 = arith.constant 0 : index
    %swap3A_346 = arith.constant 0 : index
    %swap3A_347 = vector.load %arg6[%swap3A_344, %swap3A_345, %swap3A_346] : memref<2x4096x128xf32, #tpu.memory_space<vmem>>, vector<1x4096x128xf32>
    %swap3A_348 = vector.shape_cast %swap3A_347 : vector<1x4096x128xf32> to vector<4096x128xf32>
    %swap3A_349 = vector.shape_cast %broadcast_in_dim3A_343 : vector<4096x128xf32> to vector<1x4096x128xf32>
    tpu.vector_store %arg6[%swap3A_344, %swap3A_345, %swap3A_346], %swap3A_349 {strides = array<i32>} : memref<2x4096x128xf32, #tpu.memory_space<vmem>>, vector<1x4096x128xf32>,
    %broadcast_in_dim3A_350 = vector.shape_cast %broadcast_in_dim3A_54 : vector<4096x1xf32> to vector<4096x1xf32>
    %broadcast_in_dim3A_351 = vector.broadcast %broadcast_in_dim3A_350 : vector<4096x1xf32> to vector<4096x128xf32>
    %swap3A_352 = arith.constant 1 : index
    %swap3A_353 = arith.constant 0 : index
    %swap3A_354 = arith.constant 0 : index
    %swap3A_355 = vector.load %arg6[%swap3A_352, %swap3A_353, %swap3A_354] : memref<2x4096x128xf32, #tpu.memory_space<vmem>>, vector<1x4096x128xf32>
    %swap3A_356 = vector.shape_cast %swap3A_355 : vector<1x4096x128xf32> to vector<4096x128xf32>
    %swap3A_357 = vector.shape_cast %broadcast_in_dim3A_351 : vector<4096x128xf32> to vector<1x4096x128xf32>
    tpu.vector_store %arg6[%swap3A_352, %swap3A_353, %swap3A_354], %swap3A_357 {strides = array<i32>} : memref<2x4096x128xf32, #tpu.memory_space<vmem>>, vector<1x4096x128xf32>,
    %iota3A_358 = tpu.iota {dimensions = array<i32: 1>} : vector<1x128xi32>
    %mul3A_359 = arith.constant 512 : i32
    %mul3A_360 = vector.broadcast %mul3A_359 : i32 to vector<1x128xi32>
    %mul3A_361 = arith.muli %iota3A_358, %mul3A_360 : vector<1x128xi32>
    %convert_element_type3A_362 = arith.sitofp %mul3A_361 : vector<1x128xi32> to vector<1x128xf32>
    %reshape3A = vector.shape_cast %sub3A_302 : vector<1x8xf32> to vector<8x1xf32>
    %broadcast_in_dim3A_363 = vector.shape_cast %reshape3A : vector<8x1xf32> to vector<8x1xf32>
    %broadcast_in_dim3A_364 = vector.broadcast %broadcast_in_dim3A_363 : vector<8x1xf32> to vector<8x128xf32>
    %le3A = vector.broadcast %convert_element_type3A_362 : vector<1x128xf32> to vector<8x128xf32>
    %le3A_365 = arith.cmpf ole, %broadcast_in_dim3A_364, %le3A : vector<8x128xf32>
    %convert_element_type3A_366 = arith.extui %le3A_365 : vector<8x128xi1> to vector<8x128xi32>
    %convert_element_type3A_367 = arith.sitofp %convert_element_type3A_366 : vector<8x128xi32> to vector<8x128xf32>
    %reduce_sum3A_368 = arith.constant dense<0.000000e+00> : vector<128xf32>
    %reduce_sum3A_369 = vector.multi_reduction <add>, %convert_element_type3A_367, %reduce_sum3A_368 [0] : vector<8x128xf32> to vector<128xf32>
    %broadcast_in_dim3A_370 = vector.shape_cast %reduce_sum3A_369 : vector<128xf32> to vector<1x128xf32>
    %sub3A_371 = arith.constant 1.000000e+00 : f32
    %sub3A_372 = vector.broadcast %sub3A_371 : f32 to vector<1x128xf32>
    %sub3A_373 = arith.subf %broadcast_in_dim3A_370, %sub3A_372 : vector<1x128xf32>
    %convert_element_type3A_374 = arith.fptosi %sub3A_373 : vector<1x128xf32> to vector<1x128xi32>
    %swap3A_375 = arith.constant 0 : index
    %swap3A_376 = arith.constant 0 : index
    %swap3A_377 = vector.load %arg7[%swap3A_375, %swap3A_376] : memref<1x128xi32, #tpu.memory_space<vmem>>, vector<1x128xi32>
    tpu.vector_store %arg7[%swap3A_375, %swap3A_376], %convert_element_type3A_374 {strides = array<i32>} : memref<1x128xi32, #tpu.memory_space<vmem>>, vector<1x128xi32>,
    return
  }
}

module attributes {stable_mosaic.version = 14 : i64} {
  func.func @_mlp_body(%arg0: i32, %arg1: memref<128xi32, #tpu.memory_space<smem>>, %arg2: memref<1x1x1024xf32, #tpu.memory_space<vmem>>, %arg3: memref<512x1024xf32, #tpu.memory_space<vmem>>, %arg4: memref<512x256xf32, #tpu.memory_space<vmem>>, %arg5: memref<1x1280x2048xf32, #tpu.memory_space<vmem>>, %arg6: memref<1x1x2048xf32, #tpu.memory_space<vmem>>, %arg7: memref<1x2048x128xf32, #tpu.memory_space<vmem>>, %arg8: memref<1x1x128xf32, #tpu.memory_space<vmem>>, %arg9: memref<512x128xf32, #tpu.memory_space<vmem>>, %arg10: memref<512x128xf32, #tpu.memory_space<vmem>>) attributes {dimension_semantics = [#tpu.dimension_semantics<arbitrary>], iteration_bounds = array<i64: 24>, scalar_prefetch = 1 : i64, scratch_operands = 0 : i64, tpu.core_type = #tpu.core_type<tc>, window_params = [{transform_indices = @transform_0, window_bounds = array<i64: 1, 1, 1024>}, {transform_indices = @transform_1, window_bounds = array<i64: 512, 1024>}, {transform_indices = @transform_2, window_bounds = array<i64: 512, 256>}, {transform_indices = @transform_3, window_bounds = array<i64: 1, 1280, 2048>}, {transform_indices = @transform_4, window_bounds = array<i64: 1, 1, 2048>}, {transform_indices = @transform_5, window_bounds = array<i64: 1, 2048, 128>}, {transform_indices = @transform_6, window_bounds = array<i64: 1, 1, 128>}, {transform_indices = @transform_7, window_bounds = array<i64: 512, 128>}, {transform_indices = @transform_8, window_bounds = array<i64: 512, 128>}]} {
    %get3A = arith.constant 0 : index
    %get3A_0 = arith.constant 0 : index
    %get3A_1 = vector.load %arg3[%get3A, %get3A_0] : memref<512x1024xf32, #tpu.memory_space<vmem>>, vector<512x1024xf32>
    %get3A_2 = arith.constant 0 : index
    %get3A_3 = arith.constant 0 : index
    %get3A_4 = arith.constant 0 : index
    %get3A_5 = vector.load %arg2[%get3A_2, %get3A_3, %get3A_4] : memref<1x1x1024xf32, #tpu.memory_space<vmem>>, vector<1x1x1024xf32>
    %get3A_6 = vector.shape_cast %get3A_5 : vector<1x1x1024xf32> to vector<1x1024xf32>
    %mul3A = vector.broadcast %get3A_6 : vector<1x1024xf32> to vector<512x1024xf32>
    %mul3A_7 = arith.mulf %get3A_1, %mul3A : vector<512x1024xf32>
    %get3A_8 = arith.constant 0 : index
    %get3A_9 = arith.constant 0 : index
    %get3A_10 = arith.constant 0 : index
    %get3A_11 = vector.load %arg5[%get3A_8, %get3A_9, %get3A_10] : memref<1x1280x2048xf32, #tpu.memory_space<vmem>>, vector<1x1024x2048xf32>
    %get3A_12 = vector.shape_cast %get3A_11 : vector<1x1024x2048xf32> to vector<1024x2048xf32>
    %dot_general3A = arith.constant dense<0.000000e+00> : vector<512x2048xf32>
    %dot_general3A_13 = tpu.matmul %mul3A_7, %get3A_12, %dot_general3A {dimension_numbers = #tpu.dot_dimension_numbers<[1], [0], [0], [1], [0, 0, 1, 1], [], []>, transpose_lhs_hint = false} : vector<512x1024xf32>, vector<1024x2048xf32>, vector<512x2048xf32> -> vector<512x2048xf32>
    %get3A_14 = arith.constant 0 : index
    %get3A_15 = arith.constant 0 : index
    %get3A_16 = vector.load %arg4[%get3A_14, %get3A_15] : memref<512x256xf32, #tpu.memory_space<vmem>>, vector<512x256xf32>
    %get3A_17 = arith.constant 0 : index
    %get3A_18 = arith.constant 1024 : index
    %get3A_19 = arith.constant 0 : index
    %get3A_20 = vector.load %arg5[%get3A_17, %get3A_18, %get3A_19] : memref<1x1280x2048xf32, #tpu.memory_space<vmem>>, vector<1x256x2048xf32>
    %get3A_21 = vector.shape_cast %get3A_20 : vector<1x256x2048xf32> to vector<256x2048xf32>
    %dot_general3A_22 = arith.constant dense<0.000000e+00> : vector<512x2048xf32>
    %dot_general3A_23 = tpu.matmul %get3A_16, %get3A_21, %dot_general3A_22 {dimension_numbers = #tpu.dot_dimension_numbers<[1], [0], [0], [1], [0, 0, 1, 1], [], []>, transpose_lhs_hint = false} : vector<512x256xf32>, vector<256x2048xf32>, vector<512x2048xf32> -> vector<512x2048xf32>
    %add3A = arith.addf %dot_general3A_13, %dot_general3A_23 : vector<512x2048xf32>
    %get3A_24 = arith.constant 0 : index
    %get3A_25 = arith.constant 0 : index
    %get3A_26 = arith.constant 0 : index
    %get3A_27 = vector.load %arg6[%get3A_24, %get3A_25, %get3A_26] : memref<1x1x2048xf32, #tpu.memory_space<vmem>>, vector<1x1x2048xf32>
    %get3A_28 = vector.shape_cast %get3A_27 : vector<1x1x2048xf32> to vector<1x2048xf32>
    %add3A_29 = vector.broadcast %get3A_28 : vector<1x2048xf32> to vector<512x2048xf32>
    %add3A_30 = arith.addf %add3A, %add3A_29 : vector<512x2048xf32>
    %mul3A_31 = arith.constant 5.000000e-01 : f32
    %mul3A_32 = vector.broadcast %mul3A_31 : f32 to vector<512x2048xf32>
    %mul3A_33 = arith.mulf %mul3A_32, %add3A_30 : vector<512x2048xf32>
    %mul3A_34 = arith.constant 0.707106769 : f32
    %mul3A_35 = vector.broadcast %mul3A_34 : f32 to vector<512x2048xf32>
    %mul3A_36 = arith.mulf %add3A_30, %mul3A_35 : vector<512x2048xf32>
    %erf3A = math.erf %mul3A_36 : vector<512x2048xf32>
    %add3A_37 = arith.constant 1.000000e+00 : f32
    %add3A_38 = vector.broadcast %add3A_37 : f32 to vector<512x2048xf32>
    %add3A_39 = arith.addf %add3A_38, %erf3A : vector<512x2048xf32>
    %mul3A_40 = arith.mulf %mul3A_33, %add3A_39 : vector<512x2048xf32>
    %get3A_41 = arith.constant 0 : index
    %get3A_42 = arith.constant 0 : index
    %get3A_43 = arith.constant 0 : index
    %get3A_44 = vector.load %arg7[%get3A_41, %get3A_42, %get3A_43] : memref<1x2048x128xf32, #tpu.memory_space<vmem>>, vector<1x2048x128xf32>
    %get3A_45 = vector.shape_cast %get3A_44 : vector<1x2048x128xf32> to vector<2048x128xf32>
    %dot_general3A_46 = arith.constant dense<0.000000e+00> : vector<512x128xf32>
    %dot_general3A_47 = tpu.matmul %mul3A_40, %get3A_45, %dot_general3A_46 {dimension_numbers = #tpu.dot_dimension_numbers<[1], [0], [0], [1], [0, 0, 1, 1], [], []>, transpose_lhs_hint = false} : vector<512x2048xf32>, vector<2048x128xf32>, vector<512x128xf32> -> vector<512x128xf32>
    %get3A_48 = arith.constant 0 : index
    %get3A_49 = arith.constant 0 : index
    %get3A_50 = arith.constant 0 : index
    %get3A_51 = vector.load %arg8[%get3A_48, %get3A_49, %get3A_50] : memref<1x1x128xf32, #tpu.memory_space<vmem>>, vector<1x1x128xf32>
    %get3A_52 = vector.shape_cast %get3A_51 : vector<1x1x128xf32> to vector<1x128xf32>
    %add3A_53 = vector.broadcast %get3A_52 : vector<1x128xf32> to vector<512x128xf32>
    %add3A_54 = arith.addf %dot_general3A_47, %add3A_53 : vector<512x128xf32>
    %get3A_55 = arith.constant 0 : index
    %get3A_56 = arith.constant 0 : index
    %get3A_57 = vector.load %arg9[%get3A_55, %get3A_56] : memref<512x128xf32, #tpu.memory_space<vmem>>, vector<512x1xf32>
    %mul3A_58 = vector.broadcast %get3A_57 : vector<512x1xf32> to vector<512x128xf32>
    %mul3A_59 = arith.mulf %add3A_54, %mul3A_58 : vector<512x128xf32>
    %swap3A = arith.constant 0 : index
    %swap3A_60 = arith.constant 0 : index
    %swap3A_61 = vector.load %arg10[%swap3A, %swap3A_60] : memref<512x128xf32, #tpu.memory_space<vmem>>, vector<512x128xf32>
    tpu.vector_store %arg10[%swap3A, %swap3A_60], %mul3A_59 {strides = array<i32>} : memref<512x128xf32, #tpu.memory_space<vmem>>, vector<512x128xf32>,
    return
  }
  func.func @transform_0(%arg0: i32, %arg1: memref<128xi32, #tpu.memory_space<smem>>) -> (i32, i32, i32) {
    %get3A = arith.index_cast %arg0 : i32 to index
    %get3A_0 = memref.load %arg1[%get3A] : memref<128xi32, #tpu.memory_space<smem>>
    %c0_i32 = arith.constant 0 : i32
    %c0_i32_1 = arith.constant 0 : i32
    %c0_i32_2 = arith.constant 0 : i32
    return %get3A_0, %c0_i32, %c0_i32_1 : i32, i32, i32
  }
  func.func @transform_1(%arg0: i32, %arg1: memref<128xi32, #tpu.memory_space<smem>>) -> (i32, i32) {
    %c0_i32 = arith.constant 0 : i32
    %c0_i32_0 = arith.constant 0 : i32
    return %arg0, %c0_i32 : i32, i32
  }
  func.func @transform_2(%arg0: i32, %arg1: memref<128xi32, #tpu.memory_space<smem>>) -> (i32, i32) {
    %c0_i32 = arith.constant 0 : i32
    %c0_i32_0 = arith.constant 0 : i32
    return %arg0, %c0_i32 : i32, i32
  }
  func.func @transform_3(%arg0: i32, %arg1: memref<128xi32, #tpu.memory_space<smem>>) -> (i32, i32, i32) {
    %get3A = arith.index_cast %arg0 : i32 to index
    %get3A_0 = memref.load %arg1[%get3A] : memref<128xi32, #tpu.memory_space<smem>>
    %c0_i32 = arith.constant 0 : i32
    %c0_i32_1 = arith.constant 0 : i32
    %c0_i32_2 = arith.constant 0 : i32
    return %get3A_0, %c0_i32, %c0_i32_1 : i32, i32, i32
  }
  func.func @transform_4(%arg0: i32, %arg1: memref<128xi32, #tpu.memory_space<smem>>) -> (i32, i32, i32) {
    %get3A = arith.index_cast %arg0 : i32 to index
    %get3A_0 = memref.load %arg1[%get3A] : memref<128xi32, #tpu.memory_space<smem>>
    %c0_i32 = arith.constant 0 : i32
    %c0_i32_1 = arith.constant 0 : i32
    %c0_i32_2 = arith.constant 0 : i32
    return %get3A_0, %c0_i32, %c0_i32_1 : i32, i32, i32
  }
  func.func @transform_5(%arg0: i32, %arg1: memref<128xi32, #tpu.memory_space<smem>>) -> (i32, i32, i32) {
    %get3A = arith.index_cast %arg0 : i32 to index
    %get3A_0 = memref.load %arg1[%get3A] : memref<128xi32, #tpu.memory_space<smem>>
    %c0_i32 = arith.constant 0 : i32
    %c0_i32_1 = arith.constant 0 : i32
    %c0_i32_2 = arith.constant 0 : i32
    return %get3A_0, %c0_i32, %c0_i32_1 : i32, i32, i32
  }
  func.func @transform_6(%arg0: i32, %arg1: memref<128xi32, #tpu.memory_space<smem>>) -> (i32, i32, i32) {
    %get3A = arith.index_cast %arg0 : i32 to index
    %get3A_0 = memref.load %arg1[%get3A] : memref<128xi32, #tpu.memory_space<smem>>
    %c0_i32 = arith.constant 0 : i32
    %c0_i32_1 = arith.constant 0 : i32
    %c0_i32_2 = arith.constant 0 : i32
    return %get3A_0, %c0_i32, %c0_i32_1 : i32, i32, i32
  }
  func.func @transform_7(%arg0: i32, %arg1: memref<128xi32, #tpu.memory_space<smem>>) -> (i32, i32) {
    %c0_i32 = arith.constant 0 : i32
    %c0_i32_0 = arith.constant 0 : i32
    return %arg0, %c0_i32 : i32, i32
  }
  func.func @transform_8(%arg0: i32, %arg1: memref<128xi32, #tpu.memory_space<smem>>) -> (i32, i32) {
    %c0_i32 = arith.constant 0 : i32
    %c0_i32_0 = arith.constant 0 : i32
    return %arg0, %c0_i32 : i32, i32
  }
}

</mosaic_0001>

<sc_bundles>
// kernel: kernel.6.cloned.1.call-start
scs
__scs_entry_jumppad:
0x0: {  	(pc) =	sbr.rel $0x88, $3  }
0x1: {  	(tag) =	ssettag $0x0;
	lr =	simm.s32 $0x1  }
0x2: {  	[smem:$0x3F98] =	sst lr;
	_ =	strace $0xD0000000  }
0x3: {  	_ = 	snop  }
0x4: {  	_ = 	snop  }
0x5: {  	_ = 	snop  }
0x6: {  	_ = 	snop  }
0x7: {  	_ = 	snop  }
__scs_overlays_trampoline_lowered:
0x8: {  	[smem:$0x3FA7] =	sst s0  }
0x9: {  	[smem:$0x3FA8] =	sst s1  }
0xa: {  	[smem:$0x3FA9] =	sst s2  }
0xb: {  	[smem:$0x3FAA] =	sst s3  }
0xc: {  	[smem:$0x3FAB] =	sst s4  }
0xd: {  	[smem:$0x3FAC] =	sst s5  }
0xe: {  	[smem:$0x3FAD] =	sst s6  }
0xf: {  	[smem:$0x3FAE] =	sst s7  }
0x10: {  	[smem:$0x3FAF] =	sst s8  }
0x11: {  	[smem:$0x3FB0] =	sst s9;
	s0 =	simm.s32 @!p0 $0x0  }
0x12: {  	s1 =	sld [smem:$0x3F96];
	s0 =	simm.s32 @p0 $0x1  }
0x13: {  	[smem:$0x3FB1] =	sst s0;
	s0 =	simm.s32 @!p1 $0x0  }
0x14: {  	s2 =	sld [smem:$0x3F95];
	s0 =	simm.s32 @p1 $0x1  }
0x15: {  	[smem:$0x3FB2] =	sst s0;
	s0 =	simm.s32 @!p2 $0x0  }
0x16: {  	s3 =	sld [smem:$0x3FDB];
	s0 =	simm.s32 @p2 $0x1  }
0x17: {  	s4 =	simm.s32 $0x1BF5;
	[smem:$0x3FB4] =	sst s0  }
0x18: {  	s0 =	sld [smem:$0x3F97];
	_ =	swait.ge [sflag:s4], $0x0  }
0x19: {  	s7 =	sld [smem:$0x3F98]  }
0x1a: {  	s8 =	sadd.s32 $0xFFFFE003, lr  }
0x1b: {  	s9 =	sadd.s32 $0xFFFFFEF7, lr;
	s5 =	simm.s32 $0xFFFFFFFF;
	p2 =	slt.u32 s8, $0xFFFFF086  }
0x1c: {  	p1 =	slt.u32 s9, $0xF7A;
	s5 =	simm.s32 @!p2 $0x0  }
0x1d: {  	s5 =	simm.s32 @p1 $0x1;
	p0 =	seq.s32 s7, s2  }
0x1e: {  	s7 =	smul.u32 @!p0 $0xF7A, s2;
	p2 =	seq.s32 @!p0 s5, $0x0  }
0x1f: {  	s9 =	smul.u32 $0xF7A, s1;
	s8 =	simm.s32 @!p0 $0x1BF5;
	p2 =	por !p2, p0  }
0x20: {  	[sflag:s8] =	ssyncset.s32 @!p0 $0xFFFFF086;
	s6 =	sadd.s32 @!p0 s3, s7;
	s7 =	simm.s32 @!p0 $0x108  }
0x21: {  	s3 =	sadd.s32 s3, s9;
	s6 =	sadd.s32 @!p0 $0x88, s6;
	s7 =	simm.s32 @p2 $0x1082  }
0x22: {  	[simem:s7], [sflag:s8] =	dma.local @!p0 [hbm:s6], $0xF7A  }
0x23: {  	s9 =	sor.u32 $0xD0000000, s2;
	s6 =	simm.s32 $0x108;
	_ =	swait.ge @!p0 [sflag:s8], $0x0  }
0x24: {  	s3 =	sadd.s32 $0x88, s3;
	s6 =	simm.s32 @!p1 $0x1082;
	[sflag:s4] =	ssyncset.s32 $0xFFFFF086  }
0x25: {  	[simem:s6], [sflag:s4] =	dma.local [hbm:s3], $0xF7A  }
0x26: {  	[smem:$0x3F98] =	sst s1;
	(tag) =	ssettag s2;
	_ =	strace s9  }
0x27: {  	s1 =	sld [smem:$0x3FA8]  }
0x28: {  	s2 =	sld [smem:$0x3FA9]  }
0x29: {  	s4 =	sld [smem:$0x3FAB]  }
0x2a: {  	p0 =	seq.s32 s5, $0x0;
	s5 =	sld [smem:$0x3FAC]  }
0x2b: {  	s6 =	sld [smem:$0x3FAD]  }
0x2c: {  	s7 =	sld [smem:$0x3FAE]  }
0x2d: {  	s3 =	simm.s32 $0x108;
	s8 =	sld [smem:$0x3FAF]  }
0x2e: {  	s3 =	simm.s32 @!p0 $0x1082;
	s9 =	sld [smem:$0x3FB0]  }
0x2f: {  	lr =	sadd.s32 s0, s3;
	s0 =	sld [smem:$0x3FA7]  }
0x30: {  	s3 =	sld [smem:$0x3FAA]  }
0x31: {  	[smem:$0x3FB3] =	sst s10  }
0x32: {  	s10 =	sld [smem:$0x3FB1];
	_ =	sdelay $0x3  }
0x33: {  	p0 =	seq.s32 s10, $0x1;
	s10 =	sld [smem:$0x3FB3];
	_ =	sdelay $0x3  }
0x34: {  	[smem:$0x3FB3] =	sst s10  }
0x35: {  	s10 =	sld [smem:$0x3FB2];
	_ =	sdelay $0x3  }
0x36: {  	p1 =	seq.s32 s10, $0x1;
	s10 =	sld [smem:$0x3FB3];
	_ =	sdelay $0x3  }
0x37: {  	[smem:$0x3FB3] =	sst s10  }
0x38: {  	s10 =	sld [smem:$0x3FB4]  }
0x39: {  	_ = 	snop;
	(pc) =	sbr.ind lr, $3  }
0x3a: {  	_ = 	snop  }
0x3b: {  	_ = 	snop  }
0x3c: {  	p2 =	seq.s32 s10, $0x1;
	s10 =	sld [smem:$0x3FB3]  }
0x3d: {  	_ =	shalt  }
0x3e: {  	_ =	shalt  }
0x3f: {  	_ =	shalt  }
0x40: {  	_ =	shalt  }
0x41: {  	_ =	shalt  }
0x42: {  	_ =	shalt  }
0x43: {  	_ =	shalt  }
0x44: {  	_ =	shalt  }
0x45: {  	_ =	shalt  }
0x46: {  	_ =	shalt  }
0x47: {  	_ =	shalt  }
0x48: {  	_ =	shalt  }
0x49: {  	_ =	shalt  }
0x4a: {  	_ =	shalt  }
0x4b: {  	_ =	shalt  }
0x4c: {  	_ =	shalt  }
0x4d: {  	_ =	shalt  }
0x4e: {  	_ =	shalt  }
0x4f: {  	_ =	shalt  }
0x50: {  	_ =	shalt  }
0x51: {  	_ =	shalt  }
0x52: {  	_ =	shalt  }
0x53: {  	_ =	shalt  }
0x54: {  	_ =	shalt  }
0x55: {  	_ =	shalt  }
0x56: {  	_ =	shalt  }
0x57: {  	_ =	shalt  }
0x58: {  	_ =	shalt  }
0x59: {  	_ =	shalt  }
0x5a: {  	_ =	shalt  }
0x5b: {  	_ =	shalt  }
0x5c: {  	_ =	shalt  }
0x5d: {  	_ =	shalt  }
0x5e: {  	_ =	shalt  }
0x5f: {  	_ =	shalt  }
0x60: {  	_ =	shalt  }
0x61: {  	_ =	shalt  }
0x62: {  	_ =	shalt  }
0x63: {  	_ =	shalt  }
0x64: {  	_ =	shalt  }
0x65: {  	_ =	shalt  }
0x66: {  	_ =	shalt  }
0x67: {  	_ =	shalt  }
0x68: {  	_ =	shalt  }
0x69: {  	_ =	shalt  }
0x6a: {  	_ =	shalt  }
0x6b: {  	_ =	shalt  }
0x6c: {  	_ =	shalt  }
0x6d: {  	_ =	shalt  }
0x6e: {  	_ =	shalt  }
0x6f: {  	_ =	shalt  }
0x70: {  	_ =	shalt  }
0x71: {  	_ =	shalt  }
0x72: {  	_ =	shalt  }
0x73: {  	_ =	shalt  }
0x74: {  	_ =	shalt  }
0x75: {  	_ =	shalt  }
0x76: {  	_ =	shalt  }
0x77: {  	_ =	shalt  }
0x78: {  	_ =	shalt  }
0x79: {  	_ =	shalt  }
0x7a: {  	_ =	shalt  }
0x7b: {  	_ =	shalt  }
0x7c: {  	_ =	shalt  }
0x7d: {  	_ =	shalt  }
0x7e: {  	_ =	shalt  }
0x7f: {  	_ =	shalt  }
0x80: {  	_ =	shalt  }
0x81: {  	_ =	shalt  }
0x82: {  	_ =	shalt  }
0x83: {  	_ =	shalt  }
0x84: {  	_ =	shalt  }
0x85: {  	_ =	shalt  }
0x86: {  	_ =	shalt  }
0x87: {  	_ =	shalt  }
.Lfunc_end0:
.L_simem_size_0:
called_computation_lowered:
.L_overlay_start_0:
0x88: {  	s2 =	sld [smem:$0x3FD9]  }
0x89: {  	s3 =	sld [smem:$0x3FFE];
	_ =	sdelay $0x1  }
0x8a: {  	s1 =	srdreg.scid  }
0x8b: {  	s0 =	sand.u32 $0x1, s1  }
0x8c: {  	s14 =	sshll.u32 s0, $0xA;
	s2 =	sadd.s32 s3, s2  }
0x8d: {  	s2 =	sadd.s32 s2, s14  }
0x8e: {  	[smem:$0x3FBF] =	sst s2  }
0x8f: {  	_ = 	snop  }
0x90: {  	s2 =	sld [smem:$0x3FD0];
	_ =	sdelay $0x1  }
0x91: {  	s15 =	sld [smem:$0x3FC9]  }
0x92: {  	s5 =	simm.s32 $0xA;
	s6 =	simm.s32 $0x10;
	s4 =	sld [smem:$0x3FC8]  }
0x93: {  	[smem:s6], [sflag:s5] =	dma.local [hbm:s2], $0x1  }
0x94: {  	_ =	swait.eq [sflag:s5], $0x1  }
0x95: {  	[sflag:s5] =	ssyncset.done $0x0  }
0x96: {  	[sflag:s5] =	ssyncadd.s32 $0xFFFFFFFF  }
0x97: {  	s16 =	sld [smem:$0x10];
	(tm) =	ssettm $0x1  }
0x98: {  	s17 =	sld [smem:$0x3FFB];
	_ =	sdelay $0x3  }
0x99: {  	_ =	strace s17  }
0x9a: {  	s5 =	sld [smem:$0x3FFC];
	_ =	sdelay $0x3  }
0x9b: {  	_ =	strace s5  }
0x9c: {  	s5 =	sld [smem:$0x3FFD];
	_ =	sdelay $0x3  }
0x9d: {  	_ =	strace s5  }
0x9e: {  	_ =	strace $0x8FFFFFFF  }
0x9f: {  	s18 =	sld [smem:$0x3FDB];
	_ =	sdelay $0x1  }
0xa0: {  	s19 =	simm.s32 $_scs_section_size  }
0xa1: {  	s7 =	simm.s32 $_size__tile_overlayer_lowered;
	s8 =	simm.s32 $_tile_overlayer_lowered  }
0xa2: {  	s22 =	simm.s32 $0x1BFF;
	s21 =	sshll.u32 s8, $0x1;
	s5 =	sadd.s32 s19, s18  }
0xa3: {  	s9 =	simm.s32 $0x0;
	s20 =	sshll.u32 s7, $0x1;
	s7 =	sadd.s32 s21, s5  }
0xa4: {  	[timem:s9], [sflag:s22] =	dma.local [hbm:s7], s20  }
0xa5: {  	_ =	swait.ge [sflag:s22], s20  }
0xa6: {  	s6 =	ssub.s32 $0x0, s20;
	[sflag:s22] =	ssyncset.done $0x0  }
0xa7: {  	[sflag:s22] =	ssyncadd.s32 s6;
	_ =	sdelay $0x1  }
0xa8: {  	s23 =	simm.s32 $0x1B8B  }
0xa9: {  	_ =	swait.ge [sflag:s23], $0x1  }
0xaa: {  	[sflag:s23] =	ssyncset.done $0x0  }
0xab: {  	s25 =	simm.s32 $0x1B8E;
	s24 =	sld [smem:$0x3FFE];
	[sflag:s23] =	ssyncadd.s32 $0xFFFFFFFF  }
0xac: {  	s26 =	simm.s32 $execute0_lowered;
	[smem:$0x3FD2] =	sst s25  }
0xad: {  	s7 =	sshll.u32 s26, $0x1;
	_ =	strace $0x80000046;
	[dreg:$0x1] =	wrdreg $0xFFFFFFFF  }
0xae: {  	s28 =	simm.s32 $_size_execute0_lowered;
	s5 =	sadd.s32 s5, s7;
	[dreg:$0x0] =	wrdreg $0x0  }
0xaf: {  	s7 =	sshll.u32 s28, $0x1;
	[dreg:$0x2] =	wrdreg s5  }
0xb0: {  	[dreg:$0x3] =	wrdreg s7  }
0xb1: {  	[dreg:$0x4] =	wrdreg $0xC0  }
0xb2: {  	_ =	task [dreg:s9], $0x5FFFF  }
0xb3: {  	[dreg:$0x1] =	wrdreg $0xFFFFFFFF  }
0xb4: {  	[dreg:$0x0] =	wrdreg $0x60  }
0xb5: {  	[dreg:$0x2] =	wrdreg s15  }
0xb6: {  	[dreg:$0x3] =	wrdreg s4  }
0xb7: {  	[dreg:$0x4] =	wrdreg s24  }
0xb8: {  	[dreg:$0x5] =	wrdreg s16  }
0xb9: {  	[dreg:$0x6] =	wrdreg $0x9  }
0xba: {  	_ =	task.clear_ibuf [dreg:s9], $0x7FFFF;
	_ =	strace $0x90000046  }
0xbb: {  	s29 =	simm.s32 $0x9;
	_ =	strace $0x80000048  }
0xbc: {  	_ =	swait.ge [sflag:s29], $0x1  }
0xbd: {  	[sflag:s29] =	ssyncadd.s32 $0xFFFFFFFF  }
0xbe: {  	_ =	strace $0x90000048  }
0xbf: {  	_ =	sfence  }
0xc0: {  	s30 =	sld [smem:$0x0];
	_ =	sdelay $0x2  }
0xc1: {  	s31 =	sshll.u32 s1, $0xD;
	s1 =	sshrl.u32 s1, $0x2  }
0xc2: {  	s3 =	sand.u32 $0x4000, s31;
	s1 =	sadd.s32 s1, s30  }
0xc3: {  	s0 =	sor.u32 s3, s0;
	s1 =	sshll.u32 s1, $0x11  }
0xc4: {  	s0 =	sor.u32 s1, s0  }
0xc5: {  	s0 =	sadd.s32 $0x8F2B, s0  }
0xc6: {  	[sflag:s0] =	ssyncadd.remote.s32 $0x1  }
0xc7: {  	_ =	sfence.sel $0xFFFF  }
0xc8: {  	[dreg:$0x0] =	wrdreg $0xFFFFFFFF;
	(pc) =	sbr.abs _section_cstart, $3  }
0xc9: {  	[dreg:$0x1] =	wrdreg $0xFFFFFFFF  }
0xca: {  	_ =	task.clear_ibuf [dreg:s9], $0x2FFFF;
	_ =	strace $0x9FFFFFFF  }
0xcb: {  	(tm) =	ssettm $0x7FFFFFFF  }
tec
execute0_lowered:
.L_overlay_start_1:
0x0: {  	(tag) =	ssettag $0x1  }
0x1: {  	s0 =	rddreg [dreg:$0x0]  }
0x2: {  	s1 =	rddreg [dreg:$0x1];
	s2 =	srdreg.scid  }
0x3: {  	s8 =	rddreg [dreg:$0x2];
	s3 =	stileid.u32;
	s15 =	simm.s32 $0x1  }
0x4: {  	s6 =	sand.u32 $0x1, s2;
	s2 =	rddreg [dreg:$0x3];
	s4 =	sshll.u32 s3, $0x8  }
0x5: {  	s3 =	simm.s32 $0x0;
	s10 =	sadd.s32 $0x2A00, s8;
	s19 =	sadd.s32 $0x23200, s8  }
0x6: {  	s14 =	sadd.s32 $0x12A00, s8;
	s5 =	sshll.u32 s6, $0x7;
	[smem:$0x7FF] =	sst s3  }
0x7: {  	s6 =	ssub.s32 $0x2, s6;
	s7 =	sor.u32 s5, s4;
	_ =	strace $0x80000047  }
0x8: {  	[dreg:$0x11] =	wrdreg s19;
	s12 =	sshrl.u32 s6, $0x1;
	s16 =	sshll.u32 s7, $0x7  }
0x9: {  	s4 =	sshrl.u32 s7, $0x2;
	s11 =	sshll.u32 s7, $0x5;
	s17 =	sadd.s32 s0, s16  }
0xa: {  	s22 =	sshll.u32 s7, $0x4;
	s18 =	sadd.s32 s1, s11;
	[dreg:$0x5] =	wrdreg s17  }
0xb: {  	s7 =	sor.u32 $0x40, s7;
	s13 =	sadd.s32 s10, s22;
	[dreg:$0x6] =	wrdreg s18  }
0xc: {  	s9 =	sadd.s32 s4, s8;
	s5 =	sadd.s32 s22, s14;
	[dreg:$0x9] =	wrdreg s13  }
0xd: {  	s12 =	ssub.s32 s6, s12;
	s20 =	sadd.s32 $0x22E00, s9;
	[dreg:$0xa] =	wrdreg s5  }
0xe: {  	s23 =	sshll.u32 s7, $0x7;
	s21 =	sadd.s32 $0x22E10, s9;
	[dreg:$0x7] =	wrdreg s20  }
0xf: {  	s24 =	sshll.u32 s7, $0x5;
	s0 =	sadd.s32 s0, s23;
	[dreg:$0x8] =	wrdreg s21  }
0x10: {  	s6 =	sadd.s32 $0x53300, s8;
	s25 =	sadd.s32 s1, s24;
	[dreg:$0xb] =	wrdreg s0  }
0x11: {  	s4 =	sadd.s32 $0x53200, s8;
	s26 =	sadd.s32 $0x22E08, s9;
	[dreg:$0xc] =	wrdreg s25  }
0x12: {  	s29 =	sshll.u32 s7, $0x4;
	s28 =	sadd.s32 $0x22E18, s9;
	[dreg:$0xd] =	wrdreg s26  }
0x13: {  	v2 =	vlaneseq.u32;
	s7 =	sadd.s32 $0x53400, s8;
	s30 =	sadd.s32 s10, s29;
	[dreg:$0xe] =	wrdreg s28  }
0x14: {  	vm0 =	vmmov $0xffff;
	v1 =	vshrl.u32 v2, $0x3;
	s8 =	sadd.s32 $0x53500, s8;
	s31 =	sadd.s32 s29, s14;
	[dreg:$0xf] =	wrdreg s30  }
0x15: {  	v0 =	vand.u32 $0x7, v2;
	v2 =	vor.u32 $0x8, v2;
	v1 =	vmul.u32 $0x8, v1;
	s9 =	smax.u32 s12, $0x1;
	s12 =	simm.s32 $0x2;
	[dreg:$0x10] =	wrdreg s31  }
.LBB2_1:
0x16: {  	s13 =	rddreg [dreg:$0x5]  }
0x17: {  	[tilespmem:s3], [sflag:$0x1] =	stream.linear.gather [hbm4b:s13+s3], $0x10000, $0x38;
	[tilespmem:$0x18100] =	vst v63  }
0x18: {  	s14 =	rddreg [dreg:$0x6];
	s0 =	simm.s32 $0x10000  }
0x19: {  	[tilespmem:s0], [sflag:$0x1] =	stream.linear.gather [hbm4b:s14+s3], $0x4000, $0x38;
	[tilespmem:$0x18100] =	vst v63  }
0x1a: {  	s5 =	rddreg [dreg:$0x7];
	s16 =	simm.s32 $0x18000  }
0x1b: {  	[tilespmem:s16], [sflag:$0x1] =	stream.linear.gather [hbm4b:s5+s3], $0x40, $0x38;
	[tilespmem:$0x18100] =	vst v63  }
0x1c: {  	s10 =	rddreg [dreg:$0x8];
	s1 =	simm.s32 $0x18080  }
0x1d: {  	[tilespmem:s1], [sflag:$0x1] =	stream.linear.gather [hbm4b:s10+s3], $0x40, $0x38;
	[tilespmem:$0x18100] =	vst v63  }
0x1e: {  	s11 =	rddreg [dreg:$0x9];
	s17 =	simm.s32 $0x14000  }
0x1f: {  	[tilespmem:s17], [sflag:$0x1] =	stream.linear.gather [hbm4b:s11+s3], $0x2000, $0x38;
	[tilespmem:$0x18100] =	vst v63  }
0x20: {  	s18 =	rddreg [dreg:$0xa];
	s10 =	simm.s32 $0x16000  }
0x21: {  	[tilespmem:s10], [sflag:$0x1] =	stream.linear.gather [hbm4b:s18+s3], $0x2000, $0x38;
	[tilespmem:$0x18100] =	vst v63  }
0x22: {  	_ =	swait.ge [sflag:s15], $0x10000  }
0x23: {  	[sflag:s15] =	ssyncset.done $0x0  }
0x24: {  	[sflag:s15] =	ssyncadd.s32 $0xFFFF0000  }
0x25: {  	_ =	swait.ge [sflag:s15], $0x4000  }
0x26: {  	[sflag:s15] =	ssyncset.done $0x0  }
0x27: {  	[sflag:s15] =	ssyncadd.s32 $0xFFFFC000  }
0x28: {  	_ =	swait.ge [sflag:s15], $0x40  }
0x29: {  	[sflag:s15] =	ssyncset.done $0x0  }
0x2a: {  	[sflag:s15] =	ssyncadd.s32 $0xFFFFFFC0  }
0x2b: {  	_ =	swait.ge [sflag:s15], $0x40  }
0x2c: {  	[sflag:s15] =	ssyncset.done $0x0  }
0x2d: {  	[sflag:s15] =	ssyncadd.s32 $0xFFFFFFC0  }
0x2e: {  	_ =	swait.ge [sflag:s15], $0x2000  }
0x2f: {  	[sflag:s15] =	ssyncset.done $0x0  }
0x30: {  	[sflag:s15] =	ssyncadd.s32 $0xFFFFE000  }
0x31: {  	_ =	swait.ge [sflag:s15], $0x2000  }
0x32: {  	[sflag:s15] =	ssyncset.done $0x0  }
0x33: {  	s19 =	simm.s32 $0x40;
	s0 =	rddreg [dreg:$0x11];
	[sflag:s15] =	ssyncadd.s32 $0xFFFFE000  }
0x34: {  	[hbm4b:s0+s19] =	stream.indirect.scatter [tilespmem:s17], [sflag:$0x2], $0x80, s16, s19, $0xb8;
	[tilespmem:$0x18100] =	vst v63  }
0x35: {  	v3 =	vld [tilespmem:$0x18000];
	_ =	sdelay $0x4  }
0x36: {  	v4 =	vshll.u32 v3, $0x3  }
0x37: {  	v3 =	vand.u32 $0x7, v3;
	v4 =	vand.u32 $0xFFFFFFC0, v4  }
0x38: {  	v3 =	vor.u32 v3, v4  }
0x39: {  	v4 =	vperm.xlane v3, v0;
	_ =	sdelay $0x1  }
0x3a: {  	v4 =	vadd.s32 v1, v4;
	_ =	sdelay $0x4  }
0x3b: {  	[hbm4b:s4+s3] =	stream.indirect_vreg.scatter [tilespmem:s3], [sflag:$0x2], $0x80, v4, vm0, $0xb8;
	[tilespmem:$0x18100] =	vst v63  }
0x3c: {  	s20 =	simm.s32 $0x800;
	v3 =	vperm.xlane v3, v2  }
0x3d: {  	[hbm4b:s6+s3] =	stream.indirect_vreg.scatter [tilespmem:s20], [sflag:$0x2], $0x80, v4, vm0, $0xb8;
	[tilespmem:$0x18100] =	vst v63  }
0x3e: {  	s21 =	simm.s32 $0x1000;
	v3 =	vadd.s32 v1, v3  }
0x3f: {  	[hbm4b:s7+s3] =	stream.indirect_vreg.scatter [tilespmem:s21], [sflag:$0x2], $0x80, v4, vm0, $0xb8;
	[tilespmem:$0x18100] =	vst v63  }
0x40: {  	s22 =	simm.s32 $0x1800  }
0x41: {  	[hbm4b:s8+s3] =	stream.indirect_vreg.scatter [tilespmem:s22], [sflag:$0x2], $0x80, v4, vm0, $0xb8;
	[tilespmem:$0x18100] =	vst v63  }
0x42: {  	s23 =	simm.s32 $0x2000  }
0x43: {  	[hbm4b:s4+s3] =	stream.indirect_vreg.scatter [tilespmem:s23], [sflag:$0x2], $0x80, v3, vm0, $0xb8;
	[tilespmem:$0x18100] =	vst v63  }
0x44: {  	s24 =	simm.s32 $0x2800  }
0x45: {  	[hbm4b:s6+s3] =	stream.indirect_vreg.scatter [tilespmem:s24], [sflag:$0x2], $0x80, v3, vm0, $0xb8;
	[tilespmem:$0x18100] =	vst v63  }
0x46: {  	s25 =	simm.s32 $0x3000  }
0x47: {  	[hbm4b:s7+s3] =	stream.indirect_vreg.scatter [tilespmem:s25], [sflag:$0x2], $0x80, v3, vm0, $0xb8;
	[tilespmem:$0x18100] =	vst v63  }
0x48: {  	s26 =	simm.s32 $0x3800  }
0x49: {  	[hbm4b:s8+s3] =	stream.indirect_vreg.scatter [tilespmem:s26], [sflag:$0x2], $0x80, v3, vm0, $0xb8;
	[tilespmem:$0x18100] =	vst v63  }
0x4a: {  	v3 =	vld [tilespmem:$0x18010];
	_ =	sdelay $0x4  }
0x4b: {  	v33 =	vshll.u32 v3, $0x3  }
0x4c: {  	v3 =	vand.u32 $0x7, v3;
	v4 =	vand.u32 $0xFFFFFFC0, v33  }
0x4d: {  	v3 =	vor.u32 v3, v4  }
0x4e: {  	v4 =	vperm.xlane v3, v0;
	_ =	sdelay $0x1  }
0x4f: {  	v4 =	vadd.s32 v1, v4;
	_ =	sdelay $0x3  }
0x50: {  	s28 =	simm.s32 $0x4000  }
0x51: {  	[hbm4b:s4+s3] =	stream.indirect_vreg.scatter [tilespmem:s28], [sflag:$0x2], $0x80, v4, vm0, $0xb8;
	[tilespmem:$0x18100] =	vst v63  }
0x52: {  	s30 =	simm.s32 $0x4800;
	v3 =	vperm.xlane v3, v2  }
0x53: {  	[hbm4b:s6+s3] =	stream.indirect_vreg.scatter [tilespmem:s30], [sflag:$0x2], $0x80, v4, vm0, $0xb8;
	[tilespmem:$0x18100] =	vst v63  }
0x54: {  	s31 =	simm.s32 $0x5000;
	v3 =	vadd.s32 v1, v3  }
0x55: {  	[hbm4b:s7+s3] =	stream.indirect_vreg.scatter [tilespmem:s31], [sflag:$0x2], $0x80, v4, vm0, $0xb8;
	[tilespmem:$0x18100] =	vst v63  }
0x56: {  	s11 =	simm.s32 $0x5800  }
0x57: {  	[hbm4b:s8+s3] =	stream.indirect_vreg.scatter [tilespmem:s11], [sflag:$0x2], $0x80, v4, vm0, $0xb8;
	[tilespmem:$0x18100] =	vst v63  }
0x58: {  	s13 =	simm.s32 $0x6000  }
0x59: {  	[hbm4b:s4+s3] =	stream.indirect_vreg.scatter [tilespmem:s13], [sflag:$0x2], $0x80, v3, vm0, $0xb8;
	[tilespmem:$0x18100] =	vst v63  }
0x5a: {  	s14 =	simm.s32 $0x6800  }
0x5b: {  	[hbm4b:s6+s3] =	stream.indirect_vreg.scatter [tilespmem:s14], [sflag:$0x2], $0x80, v3, vm0, $0xb8;
	[tilespmem:$0x18100] =	vst v63  }
0x5c: {  	s18 =	simm.s32 $0x7000  }
0x5d: {  	[hbm4b:s7+s3] =	stream.indirect_vreg.scatter [tilespmem:s18], [sflag:$0x2], $0x80, v3, vm0, $0xb8;
	[tilespmem:$0x18100] =	vst v63  }
0x5e: {  	s19 =	simm.s32 $0x7800  }
0x5f: {  	[hbm4b:s8+s3] =	stream.indirect_vreg.scatter [tilespmem:s19], [sflag:$0x2], $0x80, v3, vm0, $0xb8;
	[tilespmem:$0x18100] =	vst v63  }
0x60: {  	v3 =	vld [tilespmem:$0x18020];
	_ =	sdelay $0x4  }
0x61: {  	v34 =	vshll.u32 v3, $0x3  }
0x62: {  	v3 =	vand.u32 $0x7, v3;
	v4 =	vand.u32 $0xFFFFFFC0, v34  }
0x63: {  	v3 =	vor.u32 v3, v4  }
0x64: {  	v4 =	vperm.xlane v3, v0;
	_ =	sdelay $0x1  }
0x65: {  	v4 =	vadd.s32 v1, v4;
	_ =	sdelay $0x3  }
0x66: {  	s20 =	simm.s32 $0x8000  }
0x67: {  	[hbm4b:s4+s3] =	stream.indirect_vreg.scatter [tilespmem:s20], [sflag:$0x2], $0x80, v4, vm0, $0xb8;
	[tilespmem:$0x18100] =	vst v63  }
0x68: {  	s21 =	simm.s32 $0x8800;
	v3 =	vperm.xlane v3, v2  }
0x69: {  	[hbm4b:s6+s3] =	stream.indirect_vreg.scatter [tilespmem:s21], [sflag:$0x2], $0x80, v4, vm0, $0xb8;
	[tilespmem:$0x18100] =	vst v63  }
0x6a: {  	s22 =	simm.s32 $0x9000;
	v3 =	vadd.s32 v1, v3  }
0x6b: {  	[hbm4b:s7+s3] =	stream.indirect_vreg.scatter [tilespmem:s22], [sflag:$0x2], $0x80, v4, vm0, $0xb8;
	[tilespmem:$0x18100] =	vst v63  }
0x6c: {  	s23 =	simm.s32 $0x9800  }
0x6d: {  	[hbm4b:s8+s3] =	stream.indirect_vreg.scatter [tilespmem:s23], [sflag:$0x2], $0x80, v4, vm0, $0xb8;
	[tilespmem:$0x18100] =	vst v63  }
0x6e: {  	s31 =	simm.s32 $0xA000  }
0x6f: {  	[hbm4b:s4+s3] =	stream.indirect_vreg.scatter [tilespmem:s31], [sflag:$0x2], $0x80, v3, vm0, $0xb8;
	[tilespmem:$0x18100] =	vst v63  }
0x70: {  	s10 =	simm.s32 $0xA800  }
0x71: {  	[hbm4b:s6+s3] =	stream.indirect_vreg.scatter [tilespmem:s10], [sflag:$0x2], $0x80, v3, vm0, $0xb8;
	[tilespmem:$0x18100] =	vst v63  }
0x72: {  	s13 =	simm.s32 $0xB000  }
0x73: {  	[hbm4b:s7+s3] =	stream.indirect_vreg.scatter [tilespmem:s13], [sflag:$0x2], $0x80, v3, vm0, $0xb8;
	[tilespmem:$0x18100] =	vst v63  }
0x74: {  	s18 =	simm.s32 $0xB800  }
0x75: {  	[hbm4b:s8+s3] =	stream.indirect_vreg.scatter [tilespmem:s18], [sflag:$0x2], $0x80, v3, vm0, $0xb8;
	[tilespmem:$0x18100] =	vst v63  }
0x76: {  	v3 =	vld [tilespmem:$0x18030];
	_ =	sdelay $0x4  }
0x77: {  	v35 =	vshll.u32 v3, $0x3  }
0x78: {  	v3 =	vand.u32 $0x7, v3;
	v4 =	vand.u32 $0xFFFFFFC0, v35  }
0x79: {  	v3 =	vor.u32 v3, v4  }
0x7a: {  	v4 =	vperm.xlane v3, v0;
	_ =	sdelay $0x1  }
0x7b: {  	v4 =	vadd.s32 v1, v4;
	_ =	sdelay $0x3  }
0x7c: {  	s19 =	simm.s32 $0xC000  }
0x7d: {  	[hbm4b:s4+s3] =	stream.indirect_vreg.scatter [tilespmem:s19], [sflag:$0x2], $0x80, v4, vm0, $0xb8;
	[tilespmem:$0x18100] =	vst v63  }
0x7e: {  	s20 =	simm.s32 $0xC800;
	v3 =	vperm.xlane v3, v2  }
0x7f: {  	[hbm4b:s6+s3] =	stream.indirect_vreg.scatter [tilespmem:s20], [sflag:$0x2], $0x80, v4, vm0, $0xb8;
	[tilespmem:$0x18100] =	vst v63  }
0x80: {  	s21 =	simm.s32 $0xD000;
	v3 =	vadd.s32 v1, v3  }
0x81: {  	[hbm4b:s7+s3] =	stream.indirect_vreg.scatter [tilespmem:s21], [sflag:$0x2], $0x80, v4, vm0, $0xb8;
	[tilespmem:$0x18100] =	vst v63  }
0x82: {  	s22 =	simm.s32 $0xD800  }
0x83: {  	[hbm4b:s8+s3] =	stream.indirect_vreg.scatter [tilespmem:s22], [sflag:$0x2], $0x80, v4, vm0, $0xb8;
	[tilespmem:$0x18100] =	vst v63  }
0x84: {  	s23 =	simm.s32 $0xE000  }
0x85: {  	[hbm4b:s4+s3] =	stream.indirect_vreg.scatter [tilespmem:s23], [sflag:$0x2], $0x80, v3, vm0, $0xb8;
	[tilespmem:$0x18100] =	vst v63  }
0x86: {  	s31 =	simm.s32 $0xE800  }
0x87: {  	[hbm4b:s6+s3] =	stream.indirect_vreg.scatter [tilespmem:s31], [sflag:$0x2], $0x80, v3, vm0, $0xb8;
	[tilespmem:$0x18100] =	vst v63  }
0x88: {  	s10 =	simm.s32 $0xF000  }
0x89: {  	[hbm4b:s7+s3] =	stream.indirect_vreg.scatter [tilespmem:s10], [sflag:$0x2], $0x80, v3, vm0, $0xb8;
	[tilespmem:$0x18100] =	vst v63  }
0x8a: {  	s20 =	simm.s32 $0xF800  }
0x8b: {  	[hbm4b:s8+s3] =	stream.indirect_vreg.scatter [tilespmem:s20], [sflag:$0x2], $0x80, v3, vm0, $0xb8;
	[tilespmem:$0x18100] =	vst v63  }
0x8c: {  	v3 =	vld [tilespmem:$0x18000];
	_ =	sdelay $0x4  }
0x8d: {  	v36 =	vshll.u32 v3, $0x1  }
0x8e: {  	v3 =	vand.u32 $0x7, v3;
	v4 =	vand.u32 $0xFFFFFFF0, v36  }
0x8f: {  	v3 =	vor.u32 v3, v4  }
0x90: {  	v4 =	vperm.xlane v3, v0;
	_ =	sdelay $0x1  }
0x91: {  	v3 =	vperm.xlane v3, v2;
	v4 =	vadd.s32 v1, v4;
	_ =	sdelay $0x1  }
0x92: {  	v3 =	vadd.s32 v1, v3;
	_ =	sdelay $0x1  }
0x93: {  	s29 =	simm.s32 $0x10000  }
0x94: {  	[hbm4b:s2+s3] =	stream.indirect_vreg.scatter [tilespmem:s29], [sflag:$0x2], $0x80, v4, vm0, $0xb8;
	[tilespmem:$0x18100] =	vst v63  }
0x95: {  	s21 =	simm.s32 $0x10800  }
0x96: {  	[hbm4b:s2+s3] =	stream.indirect_vreg.scatter [tilespmem:s21], [sflag:$0x2], $0x80, v3, vm0, $0xb8;
	[tilespmem:$0x18100] =	vst v63  }
0x97: {  	v3 =	vld [tilespmem:$0x18010];
	_ =	sdelay $0x4  }
0x98: {  	v37 =	vshll.u32 v3, $0x1  }
0x99: {  	v3 =	vand.u32 $0x7, v3;
	v4 =	vand.u32 $0xFFFFFFF0, v37  }
0x9a: {  	v3 =	vor.u32 v3, v4  }
0x9b: {  	v4 =	vperm.xlane v3, v0;
	_ =	sdelay $0x1  }
0x9c: {  	v3 =	vperm.xlane v3, v2;
	v4 =	vadd.s32 v1, v4;
	_ =	sdelay $0x1  }
0x9d: {  	v3 =	vadd.s32 v1, v3;
	_ =	sdelay $0x1  }
0x9e: {  	s22 =	simm.s32 $0x11000  }
0x9f: {  	[hbm4b:s2+s3] =	stream.indirect_vreg.scatter [tilespmem:s22], [sflag:$0x2], $0x80, v4, vm0, $0xb8;
	[tilespmem:$0x18100] =	vst v63  }
0xa0: {  	s23 =	simm.s32 $0x11800  }
0xa1: {  	[hbm4b:s2+s3] =	stream.indirect_vreg.scatter [tilespmem:s23], [sflag:$0x2], $0x80, v3, vm0, $0xb8;
	[tilespmem:$0x18100] =	vst v63  }
0xa2: {  	v3 =	vld [tilespmem:$0x18020];
	_ =	sdelay $0x4  }
0xa3: {  	v38 =	vshll.u32 v3, $0x1  }
0xa4: {  	v3 =	vand.u32 $0x7, v3;
	v4 =	vand.u32 $0xFFFFFFF0, v38  }
0xa5: {  	v3 =	vor.u32 v3, v4  }
0xa6: {  	v4 =	vperm.xlane v3, v0;
	_ =	sdelay $0x1  }
0xa7: {  	v3 =	vperm.xlane v3, v2;
	v4 =	vadd.s32 v1, v4;
	_ =	sdelay $0x1  }
0xa8: {  	v3 =	vadd.s32 v1, v3;
	_ =	sdelay $0x1  }
0xa9: {  	s29 =	simm.s32 $0x12000  }
0xaa: {  	[hbm4b:s2+s3] =	stream.indirect_vreg.scatter [tilespmem:s29], [sflag:$0x2], $0x80, v4, vm0, $0xb8;
	[tilespmem:$0x18100] =	vst v63  }
0xab: {  	s31 =	simm.s32 $0x12800  }
0xac: {  	[hbm4b:s2+s3] =	stream.indirect_vreg.scatter [tilespmem:s31], [sflag:$0x2], $0x80, v3, vm0, $0xb8;
	[tilespmem:$0x18100] =	vst v63  }
0xad: {  	v3 =	vld [tilespmem:$0x18030];
	_ =	sdelay $0x4  }
0xae: {  	v39 =	vshll.u32 v3, $0x1  }
0xaf: {  	v3 =	vand.u32 $0x7, v3;
	v4 =	vand.u32 $0xFFFFFFF0, v39  }
0xb0: {  	v3 =	vor.u32 v3, v4  }
0xb1: {  	v4 =	vperm.xlane v3, v0;
	_ =	sdelay $0x1  }
0xb2: {  	v3 =	vperm.xlane v3, v2;
	v4 =	vadd.s32 v1, v4;
	_ =	sdelay $0x1  }
0xb3: {  	v3 =	vadd.s32 v1, v3;
	_ =	sdelay $0x1  }
0xb4: {  	s10 =	simm.s32 $0x13000  }
0xb5: {  	[hbm4b:s2+s3] =	stream.indirect_vreg.scatter [tilespmem:s10], [sflag:$0x2], $0x80, v4, vm0, $0xb8;
	[tilespmem:$0x18100] =	vst v63  }
0xb6: {  	s29 =	simm.s32 $0x13800  }
0xb7: {  	[hbm4b:s2+s3] =	stream.indirect_vreg.scatter [tilespmem:s29], [sflag:$0x2], $0x80, v3, vm0, $0xb8;
	[tilespmem:$0x18100] =	vst v63  }
0xb8: {  	s5 =	simm.s32 $0x40;
	s10 =	simm.s32 $0x18080;
	s29 =	simm.s32 $0x16000  }
0xb9: {  	[hbm4b:s0+s5] =	stream.indirect.scatter [tilespmem:s29], [sflag:$0x2], $0x80, s10, s5, $0xb8;
	[tilespmem:$0x18100] =	vst v63  }
0xba: {  	v3 =	vld [tilespmem:$0x18080];
	_ =	sdelay $0x4  }
0xbb: {  	v40 =	vshll.u32 v3, $0x3  }
0xbc: {  	v3 =	vand.u32 $0x7, v3;
	v4 =	vand.u32 $0xFFFFFFC0, v40  }
0xbd: {  	v3 =	vor.u32 v3, v4  }
0xbe: {  	v4 =	vperm.xlane v3, v0;
	_ =	sdelay $0x1  }
0xbf: {  	v4 =	vadd.s32 v1, v4;
	_ =	sdelay $0x4  }
0xc0: {  	[hbm4b:s4+s3] =	stream.indirect_vreg.scatter [tilespmem:s3], [sflag:$0x2], $0x80, v4, vm0, $0xb8;
	[tilespmem:$0x18100] =	vst v63  }
0xc1: {  	s1 =	simm.s32 $0x800;
	v3 =	vperm.xlane v3, v2  }
0xc2: {  	[hbm4b:s6+s3] =	stream.indirect_vreg.scatter [tilespmem:s1], [sflag:$0x2], $0x80, v4, vm0, $0xb8;
	[tilespmem:$0x18100] =	vst v63  }
0xc3: {  	s5 =	simm.s32 $0x1000;
	v3 =	vadd.s32 v1, v3  }
0xc4: {  	[hbm4b:s7+s3] =	stream.indirect_vreg.scatter [tilespmem:s5], [sflag:$0x2], $0x80, v4, vm0, $0xb8;
	[tilespmem:$0x18100] =	vst v63  }
0xc5: {  	s1 =	simm.s32 $0x1800  }
0xc6: {  	[hbm4b:s8+s3] =	stream.indirect_vreg.scatter [tilespmem:s1], [sflag:$0x2], $0x80, v4, vm0, $0xb8;
	[tilespmem:$0x18100] =	vst v63  }
0xc7: {  	s10 =	simm.s32 $0x2000  }
0xc8: {  	[hbm4b:s4+s3] =	stream.indirect_vreg.scatter [tilespmem:s10], [sflag:$0x2], $0x80, v3, vm0, $0xb8;
	[tilespmem:$0x18100] =	vst v63  }
0xc9: {  	s29 =	simm.s32 $0x2800  }
0xca: {  	[hbm4b:s6+s3] =	stream.indirect_vreg.scatter [tilespmem:s29], [sflag:$0x2], $0x80, v3, vm0, $0xb8;
	[tilespmem:$0x18100] =	vst v63  }
0xcb: {  	s29 =	simm.s32 $0x3000  }
0xcc: {  	[hbm4b:s7+s3] =	stream.indirect_vreg.scatter [tilespmem:s29], [sflag:$0x2], $0x80, v3, vm0, $0xb8;
	[tilespmem:$0x18100] =	vst v63  }
0xcd: {  	s26 =	simm.s32 $0x3800  }
0xce: {  	[hbm4b:s8+s3] =	stream.indirect_vreg.scatter [tilespmem:s26], [sflag:$0x2], $0x80, v3, vm0, $0xb8;
	[tilespmem:$0x18100] =	vst v63  }
0xcf: {  	v3 =	vld [tilespmem:$0x18090];
	_ =	sdelay $0x4  }
0xd0: {  	v41 =	vshll.u32 v3, $0x3  }
0xd1: {  	v3 =	vand.u32 $0x7, v3;
	v4 =	vand.u32 $0xFFFFFFC0, v41  }
0xd2: {  	v3 =	vor.u32 v3, v4  }
0xd3: {  	v4 =	vperm.xlane v3, v0;
	_ =	sdelay $0x1  }
0xd4: {  	v4 =	vadd.s32 v1, v4;
	_ =	sdelay $0x3  }
0xd5: {  	s28 =	simm.s32 $0x4000  }
0xd6: {  	[hbm4b:s4+s3] =	stream.indirect_vreg.scatter [tilespmem:s28], [sflag:$0x2], $0x80, v4, vm0, $0xb8;
	[tilespmem:$0x18100] =	vst v63  }
0xd7: {  	s30 =	simm.s32 $0x4800;
	v3 =	vperm.xlane v3, v2  }
0xd8: {  	[hbm4b:s6+s3] =	stream.indirect_vreg.scatter [tilespmem:s30], [sflag:$0x2], $0x80, v4, vm0, $0xb8;
	[tilespmem:$0x18100] =	vst v63  }
0xd9: {  	v3 =	vadd.s32 v1, v3;
	s30 =	simm.s32 $0x5000  }
0xda: {  	[hbm4b:s7+s3] =	stream.indirect_vreg.scatter [tilespmem:s30], [sflag:$0x2], $0x80, v4, vm0, $0xb8;
	[tilespmem:$0x18100] =	vst v63  }
0xdb: {  	s28 =	simm.s32 $0x5800  }
0xdc: {  	[hbm4b:s8+s3] =	stream.indirect_vreg.scatter [tilespmem:s28], [sflag:$0x2], $0x80, v4, vm0, $0xb8;
	[tilespmem:$0x18100] =	vst v63  }
0xdd: {  	s29 =	simm.s32 $0x6000  }
0xde: {  	[hbm4b:s4+s3] =	stream.indirect_vreg.scatter [tilespmem:s29], [sflag:$0x2], $0x80, v3, vm0, $0xb8;
	[tilespmem:$0x18100] =	vst v63  }
0xdf: {  	s28 =	simm.s32 $0x6800  }
0xe0: {  	[hbm4b:s6+s3] =	stream.indirect_vreg.scatter [tilespmem:s28], [sflag:$0x2], $0x80, v3, vm0, $0xb8;
	[tilespmem:$0x18100] =	vst v63  }
0xe1: {  	s29 =	simm.s32 $0x7000  }
0xe2: {  	[hbm4b:s7+s3] =	stream.indirect_vreg.scatter [tilespmem:s29], [sflag:$0x2], $0x80, v3, vm0, $0xb8;
	[tilespmem:$0x18100] =	vst v63  }
0xe3: {  	s24 =	simm.s32 $0x7800  }
0xe4: {  	[hbm4b:s8+s3] =	stream.indirect_vreg.scatter [tilespmem:s24], [sflag:$0x2], $0x80, v3, vm0, $0xb8;
	[tilespmem:$0x18100] =	vst v63  }
0xe5: {  	v3 =	vld [tilespmem:$0x180A0];
	_ =	sdelay $0x4  }
0xe6: {  	v42 =	vshll.u32 v3, $0x3  }
0xe7: {  	v3 =	vand.u32 $0x7, v3;
	v4 =	vand.u32 $0xFFFFFFC0, v42  }
0xe8: {  	v3 =	vor.u32 v3, v4  }
0xe9: {  	v4 =	vperm.xlane v3, v0;
	_ =	sdelay $0x1  }
0xea: {  	v4 =	vadd.s32 v1, v4;
	_ =	sdelay $0x3  }
0xeb: {  	s25 =	simm.s32 $0x8000  }
0xec: {  	[hbm4b:s4+s3] =	stream.indirect_vreg.scatter [tilespmem:s25], [sflag:$0x2], $0x80, v4, vm0, $0xb8;
	[tilespmem:$0x18100] =	vst v63  }
0xed: {  	s11 =	simm.s32 $0x8800;
	v3 =	vperm.xlane v3, v2  }
0xee: {  	[hbm4b:s6+s3] =	stream.indirect_vreg.scatter [tilespmem:s11], [sflag:$0x2], $0x80, v4, vm0, $0xb8;
	[tilespmem:$0x18100] =	vst v63  }
0xef: {  	s26 =	simm.s32 $0x9000;
	v3 =	vadd.s32 v1, v3  }
0xf0: {  	[hbm4b:s7+s3] =	stream.indirect_vreg.scatter [tilespmem:s26], [sflag:$0x2], $0x80, v4, vm0, $0xb8;
	[tilespmem:$0x18100] =	vst v63  }
0xf1: {  	s28 =	simm.s32 $0x9800  }
0xf2: {  	[hbm4b:s8+s3] =	stream.indirect_vreg.scatter [tilespmem:s28], [sflag:$0x2], $0x80, v4, vm0, $0xb8;
	[tilespmem:$0x18100] =	vst v63  }
0xf3: {  	s29 =	simm.s32 $0xA000  }
0xf4: {  	[hbm4b:s4+s3] =	stream.indirect_vreg.scatter [tilespmem:s29], [sflag:$0x2], $0x80, v3, vm0, $0xb8;
	[tilespmem:$0x18100] =	vst v63  }
0xf5: {  	s24 =	simm.s32 $0xA800  }
0xf6: {  	[hbm4b:s6+s3] =	stream.indirect_vreg.scatter [tilespmem:s24], [sflag:$0x2], $0x80, v3, vm0, $0xb8;
	[tilespmem:$0x18100] =	vst v63  }
0xf7: {  	s25 =	simm.s32 $0xB000  }
0xf8: {  	[hbm4b:s7+s3] =	stream.indirect_vreg.scatter [tilespmem:s25], [sflag:$0x2], $0x80, v3, vm0, $0xb8;
	[tilespmem:$0x18100] =	vst v63  }
0xf9: {  	s13 =	simm.s32 $0xB800  }
0xfa: {  	[hbm4b:s8+s3] =	stream.indirect_vreg.scatter [tilespmem:s13], [sflag:$0x2], $0x80, v3, vm0, $0xb8;
	[tilespmem:$0x18100] =	vst v63  }
0xfb: {  	v3 =	vld [tilespmem:$0x180B0];
	_ =	sdelay $0x4  }
0xfc: {  	v43 =	vshll.u32 v3, $0x3  }
0xfd: {  	v3 =	vand.u32 $0x7, v3;
	v4 =	vand.u32 $0xFFFFFFC0, v43  }
0xfe: {  	v3 =	vor.u32 v3, v4  }
0xff: {  	v4 =	vperm.xlane v3, v0;
	_ =	sdelay $0x1  }
0x100: {  	v4 =	vadd.s32 v1, v4;
	_ =	sdelay $0x3  }
0x101: {  	s18 =	simm.s32 $0xC000  }
0x102: {  	[hbm4b:s4+s3] =	stream.indirect_vreg.scatter [tilespmem:s18], [sflag:$0x2], $0x80, v4, vm0, $0xb8;
	[tilespmem:$0x18100] =	vst v63  }
0x103: {  	s19 =	simm.s32 $0xC800;
	v3 =	vperm.xlane v3, v2  }
0x104: {  	[hbm4b:s6+s3] =	stream.indirect_vreg.scatter [tilespmem:s19], [sflag:$0x2], $0x80, v4, vm0, $0xb8;
	[tilespmem:$0x18100] =	vst v63  }
0x105: {  	s26 =	simm.s32 $0xD000;
	v3 =	vadd.s32 v1, v3  }
0x106: {  	[hbm4b:s7+s3] =	stream.indirect_vreg.scatter [tilespmem:s26], [sflag:$0x2], $0x80, v4, vm0, $0xb8;
	[tilespmem:$0x18100] =	vst v63  }
0x107: {  	s28 =	simm.s32 $0xD800  }
0x108: {  	[hbm4b:s8+s3] =	stream.indirect_vreg.scatter [tilespmem:s28], [sflag:$0x2], $0x80, v4, vm0, $0xb8;
	[tilespmem:$0x18100] =	vst v63  }
0x109: {  	s29 =	simm.s32 $0xE000  }
0x10a: {  	[hbm4b:s4+s3] =	stream.indirect_vreg.scatter [tilespmem:s29], [sflag:$0x2], $0x80, v3, vm0, $0xb8;
	[tilespmem:$0x18100] =	vst v63  }
0x10b: {  	s13 =	simm.s32 $0xE800  }
0x10c: {  	[hbm4b:s6+s3] =	stream.indirect_vreg.scatter [tilespmem:s13], [sflag:$0x2], $0x80, v3, vm0, $0xb8;
	[tilespmem:$0x18100] =	vst v63  }
0x10d: {  	s18 =	simm.s32 $0xF000  }
0x10e: {  	[hbm4b:s7+s3] =	stream.indirect_vreg.scatter [tilespmem:s18], [sflag:$0x2], $0x80, v3, vm0, $0xb8;
	[tilespmem:$0x18100] =	vst v63  }
0x10f: {  	s20 =	simm.s32 $0xF800  }
0x110: {  	[hbm4b:s8+s3] =	stream.indirect_vreg.scatter [tilespmem:s20], [sflag:$0x2], $0x80, v3, vm0, $0xb8;
	[tilespmem:$0x18100] =	vst v63  }
0x111: {  	v3 =	vld [tilespmem:$0x18080];
	_ =	sdelay $0x4  }
0x112: {  	v44 =	vshll.u32 v3, $0x1  }
0x113: {  	v3 =	vand.u32 $0x7, v3;
	v4 =	vand.u32 $0xFFFFFFF0, v44  }
0x114: {  	v3 =	vor.u32 v3, v4  }
0x115: {  	v4 =	vperm.xlane v3, v0;
	_ =	sdelay $0x1  }
0x116: {  	v3 =	vperm.xlane v3, v2;
	v4 =	vadd.s32 v1, v4;
	_ =	sdelay $0x1  }
0x117: {  	v3 =	vadd.s32 v1, v3;
	_ =	sdelay $0x1  }
0x118: {  	s19 =	simm.s32 $0x10000  }
0x119: {  	[hbm4b:s2+s3] =	stream.indirect_vreg.scatter [tilespmem:s19], [sflag:$0x2], $0x80, v4, vm0, $0xb8;
	[tilespmem:$0x18100] =	vst v63  }
0x11a: {  	s21 =	simm.s32 $0x10800  }
0x11b: {  	[hbm4b:s2+s3] =	stream.indirect_vreg.scatter [tilespmem:s21], [sflag:$0x2], $0x80, v3, vm0, $0xb8;
	[tilespmem:$0x18100] =	vst v63  }
0x11c: {  	v3 =	vld [tilespmem:$0x18090];
	_ =	sdelay $0x4  }
0x11d: {  	v45 =	vshll.u32 v3, $0x1  }
0x11e: {  	v3 =	vand.u32 $0x7, v3;
	v4 =	vand.u32 $0xFFFFFFF0, v45  }
0x11f: {  	v3 =	vor.u32 v3, v4  }
0x120: {  	v4 =	vperm.xlane v3, v0;
	_ =	sdelay $0x1  }
0x121: {  	v3 =	vperm.xlane v3, v2;
	v4 =	vadd.s32 v1, v4;
	_ =	sdelay $0x1  }
0x122: {  	v3 =	vadd.s32 v1, v3;
	_ =	sdelay $0x1  }
0x123: {  	s20 =	simm.s32 $0x11000  }
0x124: {  	[hbm4b:s2+s3] =	stream.indirect_vreg.scatter [tilespmem:s20], [sflag:$0x2], $0x80, v4, vm0, $0xb8;
	[tilespmem:$0x18100] =	vst v63  }
0x125: {  	s22 =	simm.s32 $0x11800  }
0x126: {  	[hbm4b:s2+s3] =	stream.indirect_vreg.scatter [tilespmem:s22], [sflag:$0x2], $0x80, v3, vm0, $0xb8;
	[tilespmem:$0x18100] =	vst v63  }
0x127: {  	v3 =	vld [tilespmem:$0x180A0];
	_ =	sdelay $0x4  }
0x128: {  	v46 =	vshll.u32 v3, $0x1  }
0x129: {  	v3 =	vand.u32 $0x7, v3;
	v4 =	vand.u32 $0xFFFFFFF0, v46  }
0x12a: {  	v3 =	vor.u32 v3, v4  }
0x12b: {  	v4 =	vperm.xlane v3, v0;
	_ =	sdelay $0x1  }
0x12c: {  	v3 =	vperm.xlane v3, v2;
	v4 =	vadd.s32 v1, v4;
	_ =	sdelay $0x1  }
0x12d: {  	v3 =	vadd.s32 v1, v3;
	_ =	sdelay $0x1  }
0x12e: {  	s21 =	simm.s32 $0x12000  }
0x12f: {  	[hbm4b:s2+s3] =	stream.indirect_vreg.scatter [tilespmem:s21], [sflag:$0x2], $0x80, v4, vm0, $0xb8;
	[tilespmem:$0x18100] =	vst v63  }
0x130: {  	s23 =	simm.s32 $0x12800  }
0x131: {  	[hbm4b:s2+s3] =	stream.indirect_vreg.scatter [tilespmem:s23], [sflag:$0x2], $0x80, v3, vm0, $0xb8;
	[tilespmem:$0x18100] =	vst v63  }
0x132: {  	v3 =	vld [tilespmem:$0x180B0];
	_ =	sdelay $0x4  }
0x133: {  	v47 =	vshll.u32 v3, $0x1  }
0x134: {  	v3 =	vand.u32 $0x7, v3;
	v4 =	vand.u32 $0xFFFFFFF0, v47  }
0x135: {  	v3 =	vor.u32 v3, v4  }
0x136: {  	v4 =	vperm.xlane v3, v0;
	_ =	sdelay $0x1  }
0x137: {  	v3 =	vperm.xlane v3, v2;
	v4 =	vadd.s32 v1, v4;
	_ =	sdelay $0x1  }
0x138: {  	v3 =	vadd.s32 v1, v3;
	_ =	sdelay $0x1  }
0x139: {  	s31 =	simm.s32 $0x13000  }
0x13a: {  	[hbm4b:s2+s3] =	stream.indirect_vreg.scatter [tilespmem:s31], [sflag:$0x2], $0x80, v4, vm0, $0xb8;
	[tilespmem:$0x18100] =	vst v63  }
0x13b: {  	s14 =	simm.s32 $0x13800  }
0x13c: {  	[hbm4b:s2+s3] =	stream.indirect_vreg.scatter [tilespmem:s14], [sflag:$0x2], $0x80, v3, vm0, $0xb8;
	[tilespmem:$0x18100] =	vst v63  }
0x13d: {  	_ =	swait.ge [sflag:s12], $0x2000  }
0x13e: {  	[sflag:s12] =	ssyncset.done $0x0  }
0x13f: {  	[sflag:s12] =	ssyncadd.s32 $0xFFFFE000  }
0x140: {  	_ =	swait.ge [sflag:s12], $0x10000  }
0x141: {  	[sflag:s12] =	ssyncset.done $0x0  }
0x142: {  	[sflag:s12] =	ssyncadd.s32 $0xFFFF0000  }
0x143: {  	_ =	swait.ge [sflag:s12], $0x4000  }
0x144: {  	[sflag:s12] =	ssyncset.done $0x0  }
0x145: {  	[sflag:s12] =	ssyncadd.s32 $0xFFFFC000  }
0x146: {  	_ =	swait.ge [sflag:s12], $0x2000  }
0x147: {  	[sflag:s12] =	ssyncset.done $0x0  }
0x148: {  	[sflag:s12] =	ssyncadd.s32 $0xFFFFE000  }
0x149: {  	_ =	swait.ge [sflag:s12], $0x10000  }
0x14a: {  	[sflag:s12] =	ssyncset.done $0x0  }
0x14b: {  	[sflag:s12] =	ssyncadd.s32 $0xFFFF0000  }
0x14c: {  	_ =	swait.ge [sflag:s12], $0x4000  }
0x14d: {  	[sflag:s12] =	ssyncset.done $0x0  }
0x14e: {  	s22 =	rddreg [dreg:$0xb];
	[sflag:s12] =	ssyncadd.s32 $0xFFFFC000  }
0x14f: {  	[tilespmem:s3], [sflag:$0x1] =	stream.linear.gather [hbm4b:s22+s3], $0x10000, $0x38;
	[tilespmem:$0x18100] =	vst v63  }
0x150: {  	s23 =	rddreg [dreg:$0xc]  }
0x151: {  	[tilespmem:s19], [sflag:$0x1] =	stream.linear.gather [hbm4b:s23+s3], $0x4000, $0x38;
	[tilespmem:$0x18100] =	vst v63  }
0x152: {  	s25 =	rddreg [dreg:$0xd]  }
0x153: {  	[tilespmem:s16], [sflag:$0x1] =	stream.linear.gather [hbm4b:s25+s3], $0x40, $0x38;
	[tilespmem:$0x18100] =	vst v63  }
0x154: {  	s31 =	simm.s32 $0x18080;
	s26 =	rddreg [dreg:$0xe]  }
0x155: {  	[tilespmem:s31], [sflag:$0x1] =	stream.linear.gather [hbm4b:s26+s3], $0x40, $0x38;
	[tilespmem:$0x18100] =	vst v63  }
0x156: {  	s29 =	rddreg [dreg:$0xf]  }
0x157: {  	[tilespmem:s17], [sflag:$0x1] =	stream.linear.gather [hbm4b:s29+s3], $0x2000, $0x38;
	[tilespmem:$0x18100] =	vst v63  }
0x158: {  	s13 =	simm.s32 $0x16000;
	s11 =	rddreg [dreg:$0x10]  }
0x159: {  	[tilespmem:s13], [sflag:$0x1] =	stream.linear.gather [hbm4b:s11+s3], $0x2000, $0x38;
	[tilespmem:$0x18100] =	vst v63  }
0x15a: {  	_ =	swait.ge [sflag:s15], $0x10000  }
0x15b: {  	[sflag:s15] =	ssyncset.done $0x0  }
0x15c: {  	[sflag:s15] =	ssyncadd.s32 $0xFFFF0000  }
0x15d: {  	_ =	swait.ge [sflag:s15], $0x4000  }
0x15e: {  	[sflag:s15] =	ssyncset.done $0x0  }
0x15f: {  	[sflag:s15] =	ssyncadd.s32 $0xFFFFC000  }
0x160: {  	_ =	swait.ge [sflag:s15], $0x40  }
0x161: {  	[sflag:s15] =	ssyncset.done $0x0  }
0x162: {  	[sflag:s15] =	ssyncadd.s32 $0xFFFFFFC0  }
0x163: {  	_ =	swait.ge [sflag:s15], $0x40  }
0x164: {  	[sflag:s15] =	ssyncset.done $0x0  }
0x165: {  	[sflag:s15] =	ssyncadd.s32 $0xFFFFFFC0  }
0x166: {  	_ =	swait.ge [sflag:s15], $0x2000  }
0x167: {  	[sflag:s15] =	ssyncset.done $0x0  }
0x168: {  	[sflag:s15] =	ssyncadd.s32 $0xFFFFE000  }
0x169: {  	_ =	swait.ge [sflag:s15], $0x2000  }
0x16a: {  	[sflag:s15] =	ssyncset.done $0x0  }
0x16b: {  	s29 =	simm.s32 $0x40;
	[sflag:s15] =	ssyncadd.s32 $0xFFFFE000  }
0x16c: {  	[hbm4b:s0+s29] =	stream.indirect.scatter [tilespmem:s17], [sflag:$0x2], $0x80, s16, s29, $0xb8;
	[tilespmem:$0x18100] =	vst v63  }
0x16d: {  	v3 =	vld [tilespmem:$0x18000];
	_ =	sdelay $0x4  }
0x16e: {  	v48 =	vshll.u32 v3, $0x3  }
0x16f: {  	v3 =	vand.u32 $0x7, v3;
	v4 =	vand.u32 $0xFFFFFFC0, v48  }
0x170: {  	v3 =	vor.u32 v3, v4  }
0x171: {  	v4 =	vperm.xlane v3, v0;
	_ =	sdelay $0x1  }
0x172: {  	v4 =	vadd.s32 v1, v4;
	_ =	sdelay $0x4  }
0x173: {  	[hbm4b:s4+s3] =	stream.indirect_vreg.scatter [tilespmem:s3], [sflag:$0x2], $0x80, v4, vm0, $0xb8;
	[tilespmem:$0x18100] =	vst v63  }
0x174: {  	s25 =	simm.s32 $0x800;
	v3 =	vperm.xlane v3, v2  }
0x175: {  	[hbm4b:s6+s3] =	stream.indirect_vreg.scatter [tilespmem:s25], [sflag:$0x2], $0x80, v4, vm0, $0xb8;
	[tilespmem:$0x18100] =	vst v63  }
0x176: {  	v3 =	vadd.s32 v1, v3  }
0x177: {  	[hbm4b:s7+s3] =	stream.indirect_vreg.scatter [tilespmem:s5], [sflag:$0x2], $0x80, v4, vm0, $0xb8;
	[tilespmem:$0x18100] =	vst v63  }
0x178: {  	_ = 	snop  }
0x179: {  	[hbm4b:s8+s3] =	stream.indirect_vreg.scatter [tilespmem:s1], [sflag:$0x2], $0x80, v4, vm0, $0xb8;
	[tilespmem:$0x18100] =	vst v63  }
0x17a: {  	_ = 	snop  }
0x17b: {  	[hbm4b:s4+s3] =	stream.indirect_vreg.scatter [tilespmem:s10], [sflag:$0x2], $0x80, v3, vm0, $0xb8;
	[tilespmem:$0x18100] =	vst v63  }
0x17c: {  	s5 =	simm.s32 $0x2800  }
0x17d: {  	[hbm4b:s6+s3] =	stream.indirect_vreg.scatter [tilespmem:s5], [sflag:$0x2], $0x80, v3, vm0, $0xb8;
	[tilespmem:$0x18100] =	vst v63  }
0x17e: {  	s19 =	simm.s32 $0x3000  }
0x17f: {  	[hbm4b:s7+s3] =	stream.indirect_vreg.scatter [tilespmem:s19], [sflag:$0x2], $0x80, v3, vm0, $0xb8;
	[tilespmem:$0x18100] =	vst v63  }
0x180: {  	s26 =	simm.s32 $0x3800  }
0x181: {  	[hbm4b:s8+s3] =	stream.indirect_vreg.scatter [tilespmem:s26], [sflag:$0x2], $0x80, v3, vm0, $0xb8;
	[tilespmem:$0x18100] =	vst v63  }
0x182: {  	v3 =	vld [tilespmem:$0x18010];
	_ =	sdelay $0x4  }
0x183: {  	v49 =	vshll.u32 v3, $0x3  }
0x184: {  	v3 =	vand.u32 $0x7, v3;
	v4 =	vand.u32 $0xFFFFFFC0, v49  }
0x185: {  	v3 =	vor.u32 v3, v4  }
0x186: {  	v4 =	vperm.xlane v3, v0;
	_ =	sdelay $0x1  }
0x187: {  	v4 =	vadd.s32 v1, v4;
	_ =	sdelay $0x3  }
0x188: {  	s17 =	simm.s32 $0x4000  }
0x189: {  	[hbm4b:s4+s3] =	stream.indirect_vreg.scatter [tilespmem:s17], [sflag:$0x2], $0x80, v4, vm0, $0xb8;
	[tilespmem:$0x18100] =	vst v63  }
0x18a: {  	s18 =	simm.s32 $0x4800;
	v3 =	vperm.xlane v3, v2  }
0x18b: {  	[hbm4b:s6+s3] =	stream.indirect_vreg.scatter [tilespmem:s18], [sflag:$0x2], $0x80, v4, vm0, $0xb8;
	[tilespmem:$0x18100] =	vst v63  }
0x18c: {  	s30 =	simm.s32 $0x5000;
	v3 =	vadd.s32 v1, v3  }
0x18d: {  	[hbm4b:s7+s3] =	stream.indirect_vreg.scatter [tilespmem:s30], [sflag:$0x2], $0x80, v4, vm0, $0xb8;
	[tilespmem:$0x18100] =	vst v63  }
0x18e: {  	s18 =	simm.s32 $0x5800  }
0x18f: {  	[hbm4b:s8+s3] =	stream.indirect_vreg.scatter [tilespmem:s18], [sflag:$0x2], $0x80, v4, vm0, $0xb8;
	[tilespmem:$0x18100] =	vst v63  }
0x190: {  	s20 =	simm.s32 $0x6000  }
0x191: {  	[hbm4b:s4+s3] =	stream.indirect_vreg.scatter [tilespmem:s20], [sflag:$0x2], $0x80, v3, vm0, $0xb8;
	[tilespmem:$0x18100] =	vst v63  }
0x192: {  	s22 =	simm.s32 $0x6800  }
0x193: {  	[hbm4b:s6+s3] =	stream.indirect_vreg.scatter [tilespmem:s22], [sflag:$0x2], $0x80, v3, vm0, $0xb8;
	[tilespmem:$0x18100] =	vst v63  }
0x194: {  	s23 =	simm.s32 $0x7000  }
0x195: {  	[hbm4b:s7+s3] =	stream.indirect_vreg.scatter [tilespmem:s23], [sflag:$0x2], $0x80, v3, vm0, $0xb8;
	[tilespmem:$0x18100] =	vst v63  }
0x196: {  	s30 =	simm.s32 $0x7800  }
0x197: {  	[hbm4b:s8+s3] =	stream.indirect_vreg.scatter [tilespmem:s30], [sflag:$0x2], $0x80, v3, vm0, $0xb8;
	[tilespmem:$0x18100] =	vst v63  }
0x198: {  	v3 =	vld [tilespmem:$0x18020];
	_ =	sdelay $0x4  }
0x199: {  	v50 =	vshll.u32 v3, $0x3  }
0x19a: {  	v3 =	vand.u32 $0x7, v3;
	v4 =	vand.u32 $0xFFFFFFC0, v50  }
0x19b: {  	v3 =	vor.u32 v3, v4  }
0x19c: {  	v4 =	vperm.xlane v3, v0;
	_ =	sdelay $0x1  }
0x19d: {  	v4 =	vadd.s32 v1, v4;
	_ =	sdelay $0x3  }
0x19e: {  	s10 =	simm.s32 $0x8000  }
0x19f: {  	[hbm4b:s4+s3] =	stream.indirect_vreg.scatter [tilespmem:s10], [sflag:$0x2], $0x80, v4, vm0, $0xb8;
	[tilespmem:$0x18100] =	vst v63  }
0x1a0: {  	s11 =	simm.s32 $0x8800;
	v3 =	vperm.xlane v3, v2  }
0x1a1: {  	[hbm4b:s6+s3] =	stream.indirect_vreg.scatter [tilespmem:s11], [sflag:$0x2], $0x80, v4, vm0, $0xb8;
	[tilespmem:$0x18100] =	vst v63  }
0x1a2: {  	v3 =	vadd.s32 v1, v3;
	s11 =	simm.s32 $0x9000  }
0x1a3: {  	[hbm4b:s7+s3] =	stream.indirect_vreg.scatter [tilespmem:s11], [sflag:$0x2], $0x80, v4, vm0, $0xb8;
	[tilespmem:$0x18100] =	vst v63  }
0x1a4: {  	s14 =	simm.s32 $0x9800  }
0x1a5: {  	[hbm4b:s8+s3] =	stream.indirect_vreg.scatter [tilespmem:s14], [sflag:$0x2], $0x80, v4, vm0, $0xb8;
	[tilespmem:$0x18100] =	vst v63  }
0x1a6: {  	s13 =	simm.s32 $0xA000  }
0x1a7: {  	[hbm4b:s4+s3] =	stream.indirect_vreg.scatter [tilespmem:s13], [sflag:$0x2], $0x80, v3, vm0, $0xb8;
	[tilespmem:$0x18100] =	vst v63  }
0x1a8: {  	s24 =	simm.s32 $0xA800  }
0x1a9: {  	[hbm4b:s6+s3] =	stream.indirect_vreg.scatter [tilespmem:s24], [sflag:$0x2], $0x80, v3, vm0, $0xb8;
	[tilespmem:$0x18100] =	vst v63  }
0x1aa: {  	s16 =	simm.s32 $0xB000  }
0x1ab: {  	[hbm4b:s7+s3] =	stream.indirect_vreg.scatter [tilespmem:s16], [sflag:$0x2], $0x80, v3, vm0, $0xb8;
	[tilespmem:$0x18100] =	vst v63  }
0x1ac: {  	s17 =	simm.s32 $0xB800  }
0x1ad: {  	[hbm4b:s8+s3] =	stream.indirect_vreg.scatter [tilespmem:s17], [sflag:$0x2], $0x80, v3, vm0, $0xb8;
	[tilespmem:$0x18100] =	vst v63  }
0x1ae: {  	v3 =	vld [tilespmem:$0x18030];
	_ =	sdelay $0x4  }
0x1af: {  	v51 =	vshll.u32 v3, $0x3  }
0x1b0: {  	v3 =	vand.u32 $0x7, v3;
	v4 =	vand.u32 $0xFFFFFFC0, v51  }
0x1b1: {  	v3 =	vor.u32 v3, v4  }
0x1b2: {  	v4 =	vperm.xlane v3, v0;
	_ =	sdelay $0x1  }
0x1b3: {  	v4 =	vadd.s32 v1, v4;
	_ =	sdelay $0x3  }
0x1b4: {  	s20 =	simm.s32 $0xC000  }
0x1b5: {  	[hbm4b:s4+s3] =	stream.indirect_vreg.scatter [tilespmem:s20], [sflag:$0x2], $0x80, v4, vm0, $0xb8;
	[tilespmem:$0x18100] =	vst v63  }
0x1b6: {  	s22 =	simm.s32 $0xC800;
	v3 =	vperm.xlane v3, v2  }
0x1b7: {  	[hbm4b:s6+s3] =	stream.indirect_vreg.scatter [tilespmem:s22], [sflag:$0x2], $0x80, v4, vm0, $0xb8;
	[tilespmem:$0x18100] =	vst v63  }
0x1b8: {  	s23 =	simm.s32 $0xD000;
	v3 =	vadd.s32 v1, v3  }
0x1b9: {  	[hbm4b:s7+s3] =	stream.indirect_vreg.scatter [tilespmem:s23], [sflag:$0x2], $0x80, v4, vm0, $0xb8;
	[tilespmem:$0x18100] =	vst v63  }
0x1ba: {  	s28 =	simm.s32 $0xD800  }
0x1bb: {  	[hbm4b:s8+s3] =	stream.indirect_vreg.scatter [tilespmem:s28], [sflag:$0x2], $0x80, v4, vm0, $0xb8;
	[tilespmem:$0x18100] =	vst v63  }
0x1bc: {  	s24 =	simm.s32 $0xE000  }
0x1bd: {  	[hbm4b:s4+s3] =	stream.indirect_vreg.scatter [tilespmem:s24], [sflag:$0x2], $0x80, v3, vm0, $0xb8;
	[tilespmem:$0x18100] =	vst v63  }
0x1be: {  	s1 =	simm.s32 $0xE800  }
0x1bf: {  	[hbm4b:s6+s3] =	stream.indirect_vreg.scatter [tilespmem:s1], [sflag:$0x2], $0x80, v3, vm0, $0xb8;
	[tilespmem:$0x18100] =	vst v63  }
0x1c0: {  	s10 =	simm.s32 $0xF000  }
0x1c1: {  	[hbm4b:s7+s3] =	stream.indirect_vreg.scatter [tilespmem:s10], [sflag:$0x2], $0x80, v3, vm0, $0xb8;
	[tilespmem:$0x18100] =	vst v63  }
0x1c2: {  	s20 =	simm.s32 $0xF800  }
0x1c3: {  	[hbm4b:s8+s3] =	stream.indirect_vreg.scatter [tilespmem:s20], [sflag:$0x2], $0x80, v3, vm0, $0xb8;
	[tilespmem:$0x18100] =	vst v63  }
0x1c4: {  	v3 =	vld [tilespmem:$0x18000];
	_ =	sdelay $0x4  }
0x1c5: {  	v52 =	vshll.u32 v3, $0x1  }
0x1c6: {  	v3 =	vand.u32 $0x7, v3;
	v4 =	vand.u32 $0xFFFFFFF0, v52  }
0x1c7: {  	v3 =	vor.u32 v3, v4  }
0x1c8: {  	v4 =	vperm.xlane v3, v0;
	_ =	sdelay $0x1  }
0x1c9: {  	v3 =	vperm.xlane v3, v2;
	v4 =	vadd.s32 v1, v4;
	_ =	sdelay $0x1  }
0x1ca: {  	v3 =	vadd.s32 v1, v3;
	_ =	sdelay $0x1  }
0x1cb: {  	s21 =	simm.s32 $0x10000  }
0x1cc: {  	[hbm4b:s2+s3] =	stream.indirect_vreg.scatter [tilespmem:s21], [sflag:$0x2], $0x80, v4, vm0, $0xb8;
	[tilespmem:$0x18100] =	vst v63  }
0x1cd: {  	s21 =	simm.s32 $0x10800  }
0x1ce: {  	[hbm4b:s2+s3] =	stream.indirect_vreg.scatter [tilespmem:s21], [sflag:$0x2], $0x80, v3, vm0, $0xb8;
	[tilespmem:$0x18100] =	vst v63  }
0x1cf: {  	v3 =	vld [tilespmem:$0x18010];
	_ =	sdelay $0x4  }
0x1d0: {  	v53 =	vshll.u32 v3, $0x1  }
0x1d1: {  	v3 =	vand.u32 $0x7, v3;
	v4 =	vand.u32 $0xFFFFFFF0, v53  }
0x1d2: {  	v3 =	vor.u32 v3, v4  }
0x1d3: {  	v4 =	vperm.xlane v3, v0;
	_ =	sdelay $0x1  }
0x1d4: {  	v3 =	vperm.xlane v3, v2;
	v4 =	vadd.s32 v1, v4;
	_ =	sdelay $0x1  }
0x1d5: {  	v3 =	vadd.s32 v1, v3;
	_ =	sdelay $0x1  }
0x1d6: {  	s13 =	simm.s32 $0x11000  }
0x1d7: {  	[hbm4b:s2+s3] =	stream.indirect_vreg.scatter [tilespmem:s13], [sflag:$0x2], $0x80, v4, vm0, $0xb8;
	[tilespmem:$0x18100] =	vst v63  }
0x1d8: {  	s22 =	simm.s32 $0x11800  }
0x1d9: {  	[hbm4b:s2+s3] =	stream.indirect_vreg.scatter [tilespmem:s22], [sflag:$0x2], $0x80, v3, vm0, $0xb8;
	[tilespmem:$0x18100] =	vst v63  }
0x1da: {  	v3 =	vld [tilespmem:$0x18020];
	_ =	sdelay $0x4  }
0x1db: {  	v54 =	vshll.u32 v3, $0x1  }
0x1dc: {  	v3 =	vand.u32 $0x7, v3;
	v4 =	vand.u32 $0xFFFFFFF0, v54  }
0x1dd: {  	v3 =	vor.u32 v3, v4  }
0x1de: {  	v4 =	vperm.xlane v3, v0;
	_ =	sdelay $0x1  }
0x1df: {  	v3 =	vperm.xlane v3, v2;
	v4 =	vadd.s32 v1, v4;
	_ =	sdelay $0x1  }
0x1e0: {  	v3 =	vadd.s32 v1, v3;
	_ =	sdelay $0x1  }
0x1e1: {  	s16 =	simm.s32 $0x12000  }
0x1e2: {  	[hbm4b:s2+s3] =	stream.indirect_vreg.scatter [tilespmem:s16], [sflag:$0x2], $0x80, v4, vm0, $0xb8;
	[tilespmem:$0x18100] =	vst v63  }
0x1e3: {  	s23 =	simm.s32 $0x12800  }
0x1e4: {  	[hbm4b:s2+s3] =	stream.indirect_vreg.scatter [tilespmem:s23], [sflag:$0x2], $0x80, v3, vm0, $0xb8;
	[tilespmem:$0x18100] =	vst v63  }
0x1e5: {  	v3 =	vld [tilespmem:$0x18030];
	_ =	sdelay $0x4  }
0x1e6: {  	v55 =	vshll.u32 v3, $0x1  }
0x1e7: {  	v3 =	vand.u32 $0x7, v3;
	v4 =	vand.u32 $0xFFFFFFF0, v55  }
0x1e8: {  	v3 =	vor.u32 v3, v4  }
0x1e9: {  	v4 =	vperm.xlane v3, v0;
	_ =	sdelay $0x1  }
0x1ea: {  	v3 =	vperm.xlane v3, v2;
	v4 =	vadd.s32 v1, v4;
	_ =	sdelay $0x1  }
0x1eb: {  	v3 =	vadd.s32 v1, v3;
	_ =	sdelay $0x1  }
0x1ec: {  	s17 =	simm.s32 $0x13000  }
0x1ed: {  	[hbm4b:s2+s3] =	stream.indirect_vreg.scatter [tilespmem:s17], [sflag:$0x2], $0x80, v4, vm0, $0xb8;
	[tilespmem:$0x18100] =	vst v63  }
0x1ee: {  	s24 =	simm.s32 $0x13800  }
0x1ef: {  	[hbm4b:s2+s3] =	stream.indirect_vreg.scatter [tilespmem:s24], [sflag:$0x2], $0x80, v3, vm0, $0xb8;
	[tilespmem:$0x18100] =	vst v63  }
0x1f0: {  	s30 =	simm.s32 $0x16000;
	s28 =	simm.s32 $0x18080  }
0x1f1: {  	[hbm4b:s0+s29] =	stream.indirect.scatter [tilespmem:s30], [sflag:$0x2], $0x80, s28, s29, $0xb8;
	[tilespmem:$0x18100] =	vst v63  }
0x1f2: {  	v3 =	vld [tilespmem:$0x18080];
	_ =	sdelay $0x4  }
0x1f3: {  	v56 =	vshll.u32 v3, $0x3  }
0x1f4: {  	v3 =	vand.u32 $0x7, v3;
	v4 =	vand.u32 $0xFFFFFFC0, v56  }
0x1f5: {  	v3 =	vor.u32 v3, v4  }
0x1f6: {  	v4 =	vperm.xlane v3, v0;
	_ =	sdelay $0x1  }
0x1f7: {  	v4 =	vadd.s32 v1, v4;
	_ =	sdelay $0x4  }
0x1f8: {  	[hbm4b:s4+s3] =	stream.indirect_vreg.scatter [tilespmem:s3], [sflag:$0x2], $0x80, v4, vm0, $0xb8;
	[tilespmem:$0x18100] =	vst v63  }
0x1f9: {  	v3 =	vperm.xlane v3, v2  }
0x1fa: {  	[hbm4b:s6+s3] =	stream.indirect_vreg.scatter [tilespmem:s25], [sflag:$0x2], $0x80, v4, vm0, $0xb8;
	[tilespmem:$0x18100] =	vst v63  }
0x1fb: {  	s29 =	simm.s32 $0x1000;
	v3 =	vadd.s32 v1, v3  }
0x1fc: {  	[hbm4b:s7+s3] =	stream.indirect_vreg.scatter [tilespmem:s29], [sflag:$0x2], $0x80, v4, vm0, $0xb8;
	[tilespmem:$0x18100] =	vst v63  }
0x1fd: {  	s30 =	simm.s32 $0x1800  }
0x1fe: {  	[hbm4b:s8+s3] =	stream.indirect_vreg.scatter [tilespmem:s30], [sflag:$0x2], $0x80, v4, vm0, $0xb8;
	[tilespmem:$0x18100] =	vst v63  }
0x1ff: {  	s31 =	simm.s32 $0x2000  }
0x200: {  	[hbm4b:s4+s3] =	stream.indirect_vreg.scatter [tilespmem:s31], [sflag:$0x2], $0x80, v3, vm0, $0xb8;
	[tilespmem:$0x18100] =	vst v63  }
0x201: {  	_ = 	snop  }
0x202: {  	[hbm4b:s6+s3] =	stream.indirect_vreg.scatter [tilespmem:s5], [sflag:$0x2], $0x80, v3, vm0, $0xb8;
	[tilespmem:$0x18100] =	vst v63  }
0x203: {  	_ = 	snop  }
0x204: {  	[hbm4b:s7+s3] =	stream.indirect_vreg.scatter [tilespmem:s19], [sflag:$0x2], $0x80, v3, vm0, $0xb8;
	[tilespmem:$0x18100] =	vst v63  }
0x205: {  	_ = 	snop  }
0x206: {  	[hbm4b:s8+s3] =	stream.indirect_vreg.scatter [tilespmem:s26], [sflag:$0x2], $0x80, v3, vm0, $0xb8;
	[tilespmem:$0x18100] =	vst v63  }
0x207: {  	v3 =	vld [tilespmem:$0x18090];
	_ =	sdelay $0x4  }
0x208: {  	v57 =	vshll.u32 v3, $0x3  }
0x209: {  	v3 =	vand.u32 $0x7, v3;
	v4 =	vand.u32 $0xFFFFFFC0, v57  }
0x20a: {  	v3 =	vor.u32 v3, v4  }
0x20b: {  	v4 =	vperm.xlane v3, v0;
	_ =	sdelay $0x1  }
0x20c: {  	v4 =	vadd.s32 v1, v4;
	_ =	sdelay $0x3  }
0x20d: {  	s5 =	simm.s32 $0x4000  }
0x20e: {  	[hbm4b:s4+s3] =	stream.indirect_vreg.scatter [tilespmem:s5], [sflag:$0x2], $0x80, v4, vm0, $0xb8;
	[tilespmem:$0x18100] =	vst v63  }
0x20f: {  	s19 =	simm.s32 $0x4800;
	v3 =	vperm.xlane v3, v2  }
0x210: {  	[hbm4b:s6+s3] =	stream.indirect_vreg.scatter [tilespmem:s19], [sflag:$0x2], $0x80, v4, vm0, $0xb8;
	[tilespmem:$0x18100] =	vst v63  }
0x211: {  	s25 =	simm.s32 $0x5000;
	v3 =	vadd.s32 v1, v3  }
0x212: {  	[hbm4b:s7+s3] =	stream.indirect_vreg.scatter [tilespmem:s25], [sflag:$0x2], $0x80, v4, vm0, $0xb8;
	[tilespmem:$0x18100] =	vst v63  }
0x213: {  	_ = 	snop  }
0x214: {  	[hbm4b:s8+s3] =	stream.indirect_vreg.scatter [tilespmem:s18], [sflag:$0x2], $0x80, v4, vm0, $0xb8;
	[tilespmem:$0x18100] =	vst v63  }
0x215: {  	s26 =	simm.s32 $0x6000  }
0x216: {  	[hbm4b:s4+s3] =	stream.indirect_vreg.scatter [tilespmem:s26], [sflag:$0x2], $0x80, v3, vm0, $0xb8;
	[tilespmem:$0x18100] =	vst v63  }
0x217: {  	s28 =	simm.s32 $0x6800  }
0x218: {  	[hbm4b:s6+s3] =	stream.indirect_vreg.scatter [tilespmem:s28], [sflag:$0x2], $0x80, v3, vm0, $0xb8;
	[tilespmem:$0x18100] =	vst v63  }
0x219: {  	s29 =	simm.s32 $0x7000  }
0x21a: {  	[hbm4b:s7+s3] =	stream.indirect_vreg.scatter [tilespmem:s29], [sflag:$0x2], $0x80, v3, vm0, $0xb8;
	[tilespmem:$0x18100] =	vst v63  }
0x21b: {  	s30 =	simm.s32 $0x7800  }
0x21c: {  	[hbm4b:s8+s3] =	stream.indirect_vreg.scatter [tilespmem:s30], [sflag:$0x2], $0x80, v3, vm0, $0xb8;
	[tilespmem:$0x18100] =	vst v63  }
0x21d: {  	v3 =	vld [tilespmem:$0x180A0];
	_ =	sdelay $0x4  }
0x21e: {  	v58 =	vshll.u32 v3, $0x3  }
0x21f: {  	v3 =	vand.u32 $0x7, v3;
	v4 =	vand.u32 $0xFFFFFFC0, v58  }
0x220: {  	v3 =	vor.u32 v3, v4  }
0x221: {  	v4 =	vperm.xlane v3, v0;
	_ =	sdelay $0x1  }
0x222: {  	v4 =	vadd.s32 v1, v4;
	_ =	sdelay $0x3  }
0x223: {  	s31 =	simm.s32 $0x8000  }
0x224: {  	[hbm4b:s4+s3] =	stream.indirect_vreg.scatter [tilespmem:s31], [sflag:$0x2], $0x80, v4, vm0, $0xb8;
	[tilespmem:$0x18100] =	vst v63  }
0x225: {  	s5 =	simm.s32 $0x8800;
	v3 =	vperm.xlane v3, v2  }
0x226: {  	[hbm4b:s6+s3] =	stream.indirect_vreg.scatter [tilespmem:s5], [sflag:$0x2], $0x80, v4, vm0, $0xb8;
	[tilespmem:$0x18100] =	vst v63  }
0x227: {  	v3 =	vadd.s32 v1, v3  }
0x228: {  	[hbm4b:s7+s3] =	stream.indirect_vreg.scatter [tilespmem:s11], [sflag:$0x2], $0x80, v4, vm0, $0xb8;
	[tilespmem:$0x18100] =	vst v63  }
0x229: {  	_ = 	snop  }
0x22a: {  	[hbm4b:s8+s3] =	stream.indirect_vreg.scatter [tilespmem:s14], [sflag:$0x2], $0x80, v4, vm0, $0xb8;
	[tilespmem:$0x18100] =	vst v63  }
0x22b: {  	s11 =	simm.s32 $0xA000  }
0x22c: {  	[hbm4b:s4+s3] =	stream.indirect_vreg.scatter [tilespmem:s11], [sflag:$0x2], $0x80, v3, vm0, $0xb8;
	[tilespmem:$0x18100] =	vst v63  }
0x22d: {  	s14 =	simm.s32 $0xA800  }
0x22e: {  	[hbm4b:s6+s3] =	stream.indirect_vreg.scatter [tilespmem:s14], [sflag:$0x2], $0x80, v3, vm0, $0xb8;
	[tilespmem:$0x18100] =	vst v63  }
0x22f: {  	s18 =	simm.s32 $0xB000  }
0x230: {  	[hbm4b:s7+s3] =	stream.indirect_vreg.scatter [tilespmem:s18], [sflag:$0x2], $0x80, v3, vm0, $0xb8;
	[tilespmem:$0x18100] =	vst v63  }
0x231: {  	s19 =	simm.s32 $0xB800  }
0x232: {  	[hbm4b:s8+s3] =	stream.indirect_vreg.scatter [tilespmem:s19], [sflag:$0x2], $0x80, v3, vm0, $0xb8;
	[tilespmem:$0x18100] =	vst v63  }
0x233: {  	v3 =	vld [tilespmem:$0x180B0];
	_ =	sdelay $0x4  }
0x234: {  	v59 =	vshll.u32 v3, $0x3  }
0x235: {  	v3 =	vand.u32 $0x7, v3;
	v4 =	vand.u32 $0xFFFFFFC0, v59  }
0x236: {  	v3 =	vor.u32 v3, v4  }
0x237: {  	v4 =	vperm.xlane v3, v0;
	_ =	sdelay $0x1  }
0x238: {  	v4 =	vadd.s32 v1, v4;
	_ =	sdelay $0x3  }
0x239: {  	s25 =	simm.s32 $0xC000  }
0x23a: {  	[hbm4b:s4+s3] =	stream.indirect_vreg.scatter [tilespmem:s25], [sflag:$0x2], $0x80, v4, vm0, $0xb8;
	[tilespmem:$0x18100] =	vst v63  }
0x23b: {  	s26 =	simm.s32 $0xC800;
	v3 =	vperm.xlane v3, v2  }
0x23c: {  	[hbm4b:s6+s3] =	stream.indirect_vreg.scatter [tilespmem:s26], [sflag:$0x2], $0x80, v4, vm0, $0xb8;
	[tilespmem:$0x18100] =	vst v63  }
0x23d: {  	s28 =	simm.s32 $0xD000;
	v3 =	vadd.s32 v1, v3  }
0x23e: {  	[hbm4b:s7+s3] =	stream.indirect_vreg.scatter [tilespmem:s28], [sflag:$0x2], $0x80, v4, vm0, $0xb8;
	[tilespmem:$0x18100] =	vst v63  }
0x23f: {  	s29 =	simm.s32 $0xD800  }
0x240: {  	[hbm4b:s8+s3] =	stream.indirect_vreg.scatter [tilespmem:s29], [sflag:$0x2], $0x80, v4, vm0, $0xb8;
	[tilespmem:$0x18100] =	vst v63  }
0x241: {  	s30 =	simm.s32 $0xE000  }
0x242: {  	[hbm4b:s4+s3] =	stream.indirect_vreg.scatter [tilespmem:s30], [sflag:$0x2], $0x80, v3, vm0, $0xb8;
	[tilespmem:$0x18100] =	vst v63  }
0x243: {  	_ = 	snop  }
0x244: {  	[hbm4b:s6+s3] =	stream.indirect_vreg.scatter [tilespmem:s1], [sflag:$0x2], $0x80, v3, vm0, $0xb8;
	[tilespmem:$0x18100] =	vst v63  }
0x245: {  	_ = 	snop  }
0x246: {  	[hbm4b:s7+s3] =	stream.indirect_vreg.scatter [tilespmem:s10], [sflag:$0x2], $0x80, v3, vm0, $0xb8;
	[tilespmem:$0x18100] =	vst v63  }
0x247: {  	_ = 	snop  }
0x248: {  	[hbm4b:s8+s3] =	stream.indirect_vreg.scatter [tilespmem:s20], [sflag:$0x2], $0x80, v3, vm0, $0xb8;
	[tilespmem:$0x18100] =	vst v63  }
0x249: {  	v3 =	vld [tilespmem:$0x18080];
	_ =	sdelay $0x4  }
0x24a: {  	v60 =	vshll.u32 v3, $0x1  }
0x24b: {  	v3 =	vand.u32 $0x7, v3;
	v4 =	vand.u32 $0xFFFFFFF0, v60  }
0x24c: {  	v3 =	vor.u32 v3, v4  }
0x24d: {  	v4 =	vperm.xlane v3, v0;
	_ =	sdelay $0x1  }
0x24e: {  	v3 =	vperm.xlane v3, v2;
	v4 =	vadd.s32 v1, v4;
	_ =	sdelay $0x1  }
0x24f: {  	v3 =	vadd.s32 v1, v3;
	_ =	sdelay $0x1  }
0x250: {  	s31 =	simm.s32 $0x10000  }
0x251: {  	[hbm4b:s2+s3] =	stream.indirect_vreg.scatter [tilespmem:s31], [sflag:$0x2], $0x80, v4, vm0, $0xb8;
	[tilespmem:$0x18100] =	vst v63  }
0x252: {  	_ = 	snop  }
0x253: {  	[hbm4b:s2+s3] =	stream.indirect_vreg.scatter [tilespmem:s21], [sflag:$0x2], $0x80, v3, vm0, $0xb8;
	[tilespmem:$0x18100] =	vst v63  }
0x254: {  	v3 =	vld [tilespmem:$0x18090];
	_ =	sdelay $0x4  }
0x255: {  	v61 =	vshll.u32 v3, $0x1  }
0x256: {  	v3 =	vand.u32 $0x7, v3;
	v4 =	vand.u32 $0xFFFFFFF0, v61  }
0x257: {  	v3 =	vor.u32 v3, v4  }
0x258: {  	v4 =	vperm.xlane v3, v0;
	_ =	sdelay $0x1  }
0x259: {  	v3 =	vperm.xlane v3, v2;
	v4 =	vadd.s32 v1, v4;
	_ =	sdelay $0x1  }
0x25a: {  	v3 =	vadd.s32 v1, v3;
	_ =	sdelay $0x2  }
0x25b: {  	[hbm4b:s2+s3] =	stream.indirect_vreg.scatter [tilespmem:s13], [sflag:$0x2], $0x80, v4, vm0, $0xb8;
	[tilespmem:$0x18100] =	vst v63  }
0x25c: {  	_ = 	snop  }
0x25d: {  	[hbm4b:s2+s3] =	stream.indirect_vreg.scatter [tilespmem:s22], [sflag:$0x2], $0x80, v3, vm0, $0xb8;
	[tilespmem:$0x18100] =	vst v63  }
0x25e: {  	v3 =	vld [tilespmem:$0x180A0];
	_ =	sdelay $0x4  }
0x25f: {  	v62 =	vshll.u32 v3, $0x1  }
0x260: {  	v3 =	vand.u32 $0x7, v3;
	v4 =	vand.u32 $0xFFFFFFF0, v62  }
0x261: {  	v3 =	vor.u32 v3, v4  }
0x262: {  	v4 =	vperm.xlane v3, v0;
	_ =	sdelay $0x1  }
0x263: {  	v3 =	vperm.xlane v3, v2;
	v4 =	vadd.s32 v1, v4;
	_ =	sdelay $0x1  }
0x264: {  	v3 =	vadd.s32 v1, v3;
	_ =	sdelay $0x2  }
0x265: {  	[hbm4b:s2+s3] =	stream.indirect_vreg.scatter [tilespmem:s16], [sflag:$0x2], $0x80, v4, vm0, $0xb8;
	[tilespmem:$0x18100] =	vst v63  }
0x266: {  	_ = 	snop  }
0x267: {  	[hbm4b:s2+s3] =	stream.indirect_vreg.scatter [tilespmem:s23], [sflag:$0x2], $0x80, v3, vm0, $0xb8;
	[tilespmem:$0x18100] =	vst v63  }
0x268: {  	v3 =	vld [tilespmem:$0x180B0];
	_ =	sdelay $0x4  }
0x269: {  	v63 =	vshll.u32 v3, $0x1  }
0x26a: {  	v3 =	vand.u32 $0x7, v3;
	v4 =	vand.u32 $0xFFFFFFF0, v63  }
0x26b: {  	v3 =	vor.u32 v3, v4  }
0x26c: {  	v4 =	vperm.xlane v3, v0;
	_ =	sdelay $0x1  }
0x26d: {  	v3 =	vperm.xlane v3, v2;
	v4 =	vadd.s32 v1, v4;
	_ =	sdelay $0x1  }
0x26e: {  	v3 =	vadd.s32 v1, v3;
	_ =	sdelay $0x2  }
0x26f: {  	[hbm4b:s2+s3] =	stream.indirect_vreg.scatter [tilespmem:s17], [sflag:$0x2], $0x80, v4, vm0, $0xb8;
	[tilespmem:$0x18100] =	vst v63  }
0x270: {  	_ = 	snop  }
0x271: {  	[hbm4b:s2+s3] =	stream.indirect_vreg.scatter [tilespmem:s24], [sflag:$0x2], $0x80, v3, vm0, $0xb8;
	[tilespmem:$0x18100] =	vst v63  }
0x272: {  	_ =	swait.ge [sflag:s12], $0x2000  }
0x273: {  	[sflag:s12] =	ssyncset.done $0x0  }
0x274: {  	[sflag:s12] =	ssyncadd.s32 $0xFFFFE000  }
0x275: {  	_ =	swait.ge [sflag:s12], $0x10000  }
0x276: {  	[sflag:s12] =	ssyncset.done $0x0  }
0x277: {  	[sflag:s12] =	ssyncadd.s32 $0xFFFF0000  }
0x278: {  	_ =	swait.ge [sflag:s12], $0x4000  }
0x279: {  	[sflag:s12] =	ssyncset.done $0x0  }
0x27a: {  	[sflag:s12] =	ssyncadd.s32 $0xFFFFC000  }
0x27b: {  	_ =	swait.ge [sflag:s12], $0x2000  }
0x27c: {  	[sflag:s12] =	ssyncset.done $0x0  }
0x27d: {  	[sflag:s12] =	ssyncadd.s32 $0xFFFFE000  }
0x27e: {  	p0 =	sne.s32 s9, $0x1;
	_ =	swait.ge [sflag:s12], $0x10000  }
.Ltmp0:
0x27f: {  	[sflag:s12] =	ssyncset.done $0x0;
	(pc) =	sbr.rel @p0 .LBB2_1-.Ltmp0, $4  }
0x280: {  	[sflag:s12] =	ssyncadd.s32 $0xFFFF0000  }
0x281: {  	_ =	swait.ge [sflag:s12], $0x4000  }
0x282: {  	[sflag:s12] =	ssyncset.done $0x0  }
0x283: {  	s9 =	sadd.s32 $0xFFFFFFFF, s9;
	[sflag:s12] =	ssyncadd.s32 $0xFFFFC000  }
0x284: {  	_ =	sfence.sel $0x180000  }
0x285: {  	[bflag:$0x0] =	sbarrier.arrive $0xFFFF  }
0x286: {  	_ =	strace $0x90000047  }
0x287: {  	s0 =	stileid.u32;
	[bflag:$0x2] =	sbarrier.arrive $0xFFFF  }
0x288: {  	p0 =	sne.s32 s0, $0x0;
	s0 =	rddreg [dreg:$0x4]  }
0x289: {  	s0 =	sadd.s32 @!p0 $0x100000, s0  }
0x28a: {  	[sflag:s0] =	ssyncadd.tile.s32 @!p0 $0x1;
	_ =	shalt  }
.Lfunc_end2:
_tile_overlayer_lowered:
.L_overlay_start_2:
0x28b: {  	(tag) =	ssettag $0x2  }
0x28c: {  	s0 =	rddreg [dreg:$0x0];
	s2 =	stileid.u32  }
0x28d: {  	s1 =	rddreg [dreg:$0x1];
	p0 =	sne.s32 s2, $0x0  }
0x28e: {  	s3 =	rddreg [dreg:$0x2];
	[bflag:$0x3] =	sbarrier.arrive $0xFFFF;
	s2 =	simm.s32 @!p0 $0x1C03  }
0x28f: {  	[timem:s3], [sflag:s2] =	dma.local @!p0 [hbm:s0], s1  }
0x290: {  	s0 =	simm.s32 @!p0 $0x3  }
0x291: {  	_ =	swait.ge @!p0 [sflag:s0], s1  }
0x292: {  	s1 =	ssub.s32 @!p0 $0x0, s1;
	[sflag:s0] =	ssyncset.done @!p0 $0x0  }
0x293: {  	[sflag:s0] =	ssyncadd.s32 @!p0 s1  }
0x294: {  	[bflag:$0x3] =	sbarrier.arrive $0xFFFF  }
0x295: {  	_ =	shalt  }

// kernel: kernel.9.cloned.1.call-start
scs
__scs_entry_jumppad:
0x0: {  	(pc) =	sbr.rel $0x88, $3  }
0x1: {  	(tag) =	ssettag $0x0;
	lr =	simm.s32 $0x1  }
0x2: {  	[smem:$0x3F98] =	sst lr;
	_ =	strace $0xD0000000  }
0x3: {  	_ = 	snop  }
0x4: {  	_ = 	snop  }
0x5: {  	_ = 	snop  }
0x6: {  	_ = 	snop  }
0x7: {  	_ = 	snop  }
__scs_overlays_trampoline_lowered:
0x8: {  	[smem:$0x3FA7] =	sst s0  }
0x9: {  	[smem:$0x3FA8] =	sst s1  }
0xa: {  	[smem:$0x3FA9] =	sst s2  }
0xb: {  	[smem:$0x3FAA] =	sst s3  }
0xc: {  	[smem:$0x3FAB] =	sst s4  }
0xd: {  	[smem:$0x3FAC] =	sst s5  }
0xe: {  	[smem:$0x3FAD] =	sst s6  }
0xf: {  	[smem:$0x3FAE] =	sst s7  }
0x10: {  	[smem:$0x3FAF] =	sst s8  }
0x11: {  	[smem:$0x3FB0] =	sst s9;
	s0 =	simm.s32 @!p0 $0x0  }
0x12: {  	s1 =	sld [smem:$0x3F96];
	s0 =	simm.s32 @p0 $0x1  }
0x13: {  	[smem:$0x3FB1] =	sst s0;
	s0 =	simm.s32 @!p1 $0x0  }
0x14: {  	s2 =	sld [smem:$0x3F95];
	s0 =	simm.s32 @p1 $0x1  }
0x15: {  	[smem:$0x3FB2] =	sst s0;
	s0 =	simm.s32 @!p2 $0x0  }
0x16: {  	s3 =	sld [smem:$0x3FDB];
	s0 =	simm.s32 @p2 $0x1  }
0x17: {  	s4 =	simm.s32 $0x1BF5;
	[smem:$0x3FB4] =	sst s0  }
0x18: {  	s0 =	sld [smem:$0x3F97];
	_ =	swait.ge [sflag:s4], $0x0  }
0x19: {  	s7 =	sld [smem:$0x3F98]  }
0x1a: {  	s8 =	sadd.s32 $0xFFFFE003, lr  }
0x1b: {  	s9 =	sadd.s32 $0xFFFFFEF7, lr;
	s5 =	simm.s32 $0xFFFFFFFF;
	p2 =	slt.u32 s8, $0xFFFFF086  }
0x1c: {  	p1 =	slt.u32 s9, $0xF7A;
	s5 =	simm.s32 @!p2 $0x0  }
0x1d: {  	s5 =	simm.s32 @p1 $0x1;
	p0 =	seq.s32 s7, s2  }
0x1e: {  	s7 =	smul.u32 @!p0 $0xF7A, s2;
	p2 =	seq.s32 @!p0 s5, $0x0  }
0x1f: {  	s9 =	smul.u32 $0xF7A, s1;
	s8 =	simm.s32 @!p0 $0x1BF5;
	p2 =	por !p2, p0  }
0x20: {  	[sflag:s8] =	ssyncset.s32 @!p0 $0xFFFFF086;
	s6 =	sadd.s32 @!p0 s3, s7;
	s7 =	simm.s32 @!p0 $0x108  }
0x21: {  	s3 =	sadd.s32 s3, s9;
	s6 =	sadd.s32 @!p0 $0x88, s6;
	s7 =	simm.s32 @p2 $0x1082  }
0x22: {  	[simem:s7], [sflag:s8] =	dma.local @!p0 [hbm:s6], $0xF7A  }
0x23: {  	s9 =	sor.u32 $0xD0000000, s2;
	s6 =	simm.s32 $0x108;
	_ =	swait.ge @!p0 [sflag:s8], $0x0  }
0x24: {  	s3 =	sadd.s32 $0x88, s3;
	s6 =	simm.s32 @!p1 $0x1082;
	[sflag:s4] =	ssyncset.s32 $0xFFFFF086  }
0x25: {  	[simem:s6], [sflag:s4] =	dma.local [hbm:s3], $0xF7A  }
0x26: {  	[smem:$0x3F98] =	sst s1;
	(tag) =	ssettag s2;
	_ =	strace s9  }
0x27: {  	s1 =	sld [smem:$0x3FA8]  }
0x28: {  	s2 =	sld [smem:$0x3FA9]  }
0x29: {  	s4 =	sld [smem:$0x3FAB]  }
0x2a: {  	p0 =	seq.s32 s5, $0x0;
	s5 =	sld [smem:$0x3FAC]  }
0x2b: {  	s6 =	sld [smem:$0x3FAD]  }
0x2c: {  	s7 =	sld [smem:$0x3FAE]  }
0x2d: {  	s3 =	simm.s32 $0x108;
	s8 =	sld [smem:$0x3FAF]  }
0x2e: {  	s3 =	simm.s32 @!p0 $0x1082;
	s9 =	sld [smem:$0x3FB0]  }
0x2f: {  	lr =	sadd.s32 s0, s3;
	s0 =	sld [smem:$0x3FA7]  }
0x30: {  	s3 =	sld [smem:$0x3FAA]  }
0x31: {  	[smem:$0x3FB3] =	sst s10  }
0x32: {  	s10 =	sld [smem:$0x3FB1];
	_ =	sdelay $0x3  }
0x33: {  	p0 =	seq.s32 s10, $0x1;
	s10 =	sld [smem:$0x3FB3];
	_ =	sdelay $0x3  }
0x34: {  	[smem:$0x3FB3] =	sst s10  }
0x35: {  	s10 =	sld [smem:$0x3FB2];
	_ =	sdelay $0x3  }
0x36: {  	p1 =	seq.s32 s10, $0x1;
	s10 =	sld [smem:$0x3FB3];
	_ =	sdelay $0x3  }
0x37: {  	[smem:$0x3FB3] =	sst s10  }
0x38: {  	s10 =	sld [smem:$0x3FB4]  }
0x39: {  	_ = 	snop;
	(pc) =	sbr.ind lr, $3  }
0x3a: {  	_ = 	snop  }
0x3b: {  	_ = 	snop  }
0x3c: {  	p2 =	seq.s32 s10, $0x1;
	s10 =	sld [smem:$0x3FB3]  }
0x3d: {  	_ =	shalt  }
0x3e: {  	_ =	shalt  }
0x3f: {  	_ =	shalt  }
0x40: {  	_ =	shalt  }
0x41: {  	_ =	shalt  }
0x42: {  	_ =	shalt  }
0x43: {  	_ =	shalt  }
0x44: {  	_ =	shalt  }
0x45: {  	_ =	shalt  }
0x46: {  	_ =	shalt  }
0x47: {  	_ =	shalt  }
0x48: {  	_ =	shalt  }
0x49: {  	_ =	shalt  }
0x4a: {  	_ =	shalt  }
0x4b: {  	_ =	shalt  }
0x4c: {  	_ =	shalt  }
0x4d: {  	_ =	shalt  }
0x4e: {  	_ =	shalt  }
0x4f: {  	_ =	shalt  }
0x50: {  	_ =	shalt  }
0x51: {  	_ =	shalt  }
0x52: {  	_ =	shalt  }
0x53: {  	_ =	shalt  }
0x54: {  	_ =	shalt  }
0x55: {  	_ =	shalt  }
0x56: {  	_ =	shalt  }
0x57: {  	_ =	shalt  }
0x58: {  	_ =	shalt  }
0x59: {  	_ =	shalt  }
0x5a: {  	_ =	shalt  }
0x5b: {  	_ =	shalt  }
0x5c: {  	_ =	shalt  }
0x5d: {  	_ =	shalt  }
0x5e: {  	_ =	shalt  }
0x5f: {  	_ =	shalt  }
0x60: {  	_ =	shalt  }
0x61: {  	_ =	shalt  }
0x62: {  	_ =	shalt  }
0x63: {  	_ =	shalt  }
0x64: {  	_ =	shalt  }
0x65: {  	_ =	shalt  }
0x66: {  	_ =	shalt  }
0x67: {  	_ =	shalt  }
0x68: {  	_ =	shalt  }
0x69: {  	_ =	shalt  }
0x6a: {  	_ =	shalt  }
0x6b: {  	_ =	shalt  }
0x6c: {  	_ =	shalt  }
0x6d: {  	_ =	shalt  }
0x6e: {  	_ =	shalt  }
0x6f: {  	_ =	shalt  }
0x70: {  	_ =	shalt  }
0x71: {  	_ =	shalt  }
0x72: {  	_ =	shalt  }
0x73: {  	_ =	shalt  }
0x74: {  	_ =	shalt  }
0x75: {  	_ =	shalt  }
0x76: {  	_ =	shalt  }
0x77: {  	_ =	shalt  }
0x78: {  	_ =	shalt  }
0x79: {  	_ =	shalt  }
0x7a: {  	_ =	shalt  }
0x7b: {  	_ =	shalt  }
0x7c: {  	_ =	shalt  }
0x7d: {  	_ =	shalt  }
0x7e: {  	_ =	shalt  }
0x7f: {  	_ =	shalt  }
0x80: {  	_ =	shalt  }
0x81: {  	_ =	shalt  }
0x82: {  	_ =	shalt  }
0x83: {  	_ =	shalt  }
0x84: {  	_ =	shalt  }
0x85: {  	_ =	shalt  }
0x86: {  	_ =	shalt  }
0x87: {  	_ =	shalt  }
.Lfunc_end0:
.L_simem_size_0:
called_computation.1_lowered:
.L_overlay_start_0:
0x88: {  	s2 =	sld [smem:$0x3FD9]  }
0x89: {  	s3 =	sld [smem:$0x3FFE];
	_ =	sdelay $0x1  }
0x8a: {  	s1 =	srdreg.scid  }
0x8b: {  	s0 =	sand.u32 $0x1, s1  }
0x8c: {  	s14 =	sshll.u32 s0, $0xA;
	s2 =	sadd.s32 s3, s2  }
0x8d: {  	s2 =	sadd.s32 s2, s14  }
0x8e: {  	[smem:$0x3FBF] =	sst s2  }
0x8f: {  	_ = 	snop  }
0x90: {  	s2 =	sld [smem:$0x3FD0];
	_ =	sdelay $0x2  }
0x91: {  	s15 =	simm.s32 $0xA;
	s4 =	simm.s32 $0x10  }
0x92: {  	[smem:s4], [sflag:s15] =	dma.local [hbm:s2], $0x1  }
0x93: {  	_ =	swait.eq [sflag:s15], $0x1  }
0x94: {  	[sflag:s15] =	ssyncset.done $0x0  }
0x95: {  	[sflag:s15] =	ssyncadd.s32 $0xFFFFFFFF  }
0x96: {  	s16 =	sld [smem:$0x10];
	(tm) =	ssettm $0x1  }
0x97: {  	s17 =	sld [smem:$0x3FFB];
	_ =	sdelay $0x3  }
0x98: {  	_ =	strace s17  }
0x99: {  	s3 =	sld [smem:$0x3FFC];
	_ =	sdelay $0x3  }
0x9a: {  	_ =	strace s3  }
0x9b: {  	s3 =	sld [smem:$0x3FFD];
	_ =	sdelay $0x3  }
0x9c: {  	_ =	strace s3  }
0x9d: {  	_ =	strace $0x8FFFFFFF  }
0x9e: {  	s18 =	sld [smem:$0x3FDB];
	_ =	sdelay $0x1  }
0x9f: {  	s19 =	simm.s32 $_scs_section_size  }
0xa0: {  	s5 =	simm.s32 $_size__tile_overlayer_lowered;
	s6 =	simm.s32 $_tile_overlayer_lowered  }
0xa1: {  	s22 =	simm.s32 $0x1BFF;
	s21 =	sshll.u32 s6, $0x1;
	s3 =	sadd.s32 s19, s18  }
0xa2: {  	s7 =	simm.s32 $0x0;
	s20 =	sshll.u32 s5, $0x1;
	s5 =	sadd.s32 s21, s3  }
0xa3: {  	[timem:s7], [sflag:s22] =	dma.local [hbm:s5], s20  }
0xa4: {  	_ =	swait.ge [sflag:s22], s20  }
0xa5: {  	s4 =	ssub.s32 $0x0, s20;
	[sflag:s22] =	ssyncset.done $0x0  }
0xa6: {  	[sflag:s22] =	ssyncadd.s32 s4;
	_ =	sdelay $0x1  }
0xa7: {  	s23 =	simm.s32 $0x1B8B  }
0xa8: {  	_ =	swait.ge [sflag:s23], $0x1  }
0xa9: {  	[sflag:s23] =	ssyncset.done $0x0  }
0xaa: {  	s25 =	simm.s32 $0x1B8E;
	s24 =	sld [smem:$0x3FFE];
	[sflag:s23] =	ssyncadd.s32 $0xFFFFFFFF  }
0xab: {  	s26 =	simm.s32 $execute0_lowered;
	[smem:$0x3FD2] =	sst s25  }
0xac: {  	s5 =	sshll.u32 s26, $0x1;
	_ =	strace $0x80000049;
	[dreg:$0x1] =	wrdreg $0xFFFFFFFF  }
0xad: {  	s28 =	simm.s32 $_size_execute0_lowered;
	s3 =	sadd.s32 s3, s5;
	[dreg:$0x0] =	wrdreg $0x0  }
0xae: {  	s5 =	sshll.u32 s28, $0x1;
	[dreg:$0x2] =	wrdreg s3  }
0xaf: {  	[dreg:$0x3] =	wrdreg s5  }
0xb0: {  	[dreg:$0x4] =	wrdreg $0xC0  }
0xb1: {  	_ =	task [dreg:s7], $0x5FFFF  }
0xb2: {  	[dreg:$0x1] =	wrdreg $0xFFFFFFFF  }
0xb3: {  	[dreg:$0x0] =	wrdreg $0x60  }
0xb4: {  	[dreg:$0x2] =	wrdreg s16  }
0xb5: {  	[dreg:$0x3] =	wrdreg s24  }
0xb6: {  	[dreg:$0x4] =	wrdreg $0x9  }
0xb7: {  	_ =	task.clear_ibuf [dreg:s7], $0x5FFFF;
	_ =	strace $0x90000049  }
0xb8: {  	s29 =	simm.s32 $0x9;
	_ =	strace $0x8000004B  }
0xb9: {  	_ =	swait.ge [sflag:s29], $0x1  }
0xba: {  	[sflag:s29] =	ssyncadd.s32 $0xFFFFFFFF  }
0xbb: {  	_ =	strace $0x9000004B  }
0xbc: {  	_ =	sfence  }
0xbd: {  	s30 =	sld [smem:$0x0];
	_ =	sdelay $0x2  }
0xbe: {  	s31 =	sshll.u32 s1, $0xD;
	s1 =	sshrl.u32 s1, $0x2  }
0xbf: {  	s3 =	sand.u32 $0x4000, s31;
	s1 =	sadd.s32 s1, s30  }
0xc0: {  	s0 =	sor.u32 s3, s0;
	s1 =	sshll.u32 s1, $0x11  }
0xc1: {  	s0 =	sor.u32 s1, s0  }
0xc2: {  	s0 =	sadd.s32 $0x8F2B, s0  }
0xc3: {  	[sflag:s0] =	ssyncadd.remote.s32 $0x1  }
0xc4: {  	_ =	sfence.sel $0xFFFF  }
0xc5: {  	[dreg:$0x0] =	wrdreg $0xFFFFFFFF;
	(pc) =	sbr.abs _section_cstart, $3  }
0xc6: {  	[dreg:$0x1] =	wrdreg $0xFFFFFFFF  }
0xc7: {  	_ =	task.clear_ibuf [dreg:s7], $0x2FFFF;
	_ =	strace $0x9FFFFFFF  }
0xc8: {  	(tm) =	ssettm $0x7FFFFFFF  }
0xc9: {  	_ =	shalt  }
tec
execute0_lowered:
.L_overlay_start_1:
0x0: {  	(tag) =	ssettag $0x1  }
0x1: {  	s2 =	rddreg [dreg:$0x0]  }
0x2: {  	s0 =	rddreg [dreg:$0x1]  }
0x3: {  	s26 =	rddreg [dreg:$0x2];
	s1 =	srdreg.scid  }
0x4: {  	s4 =	stileid.u32;
	s3 =	simm.s32 $0x0;
	s31 =	simm.s32 $0x3  }
0x5: {  	s29 =	simm.s32 $0x8140;
	p0 =	por $0x0, $0x0;
	s30 =	simm.s32 $0x80C0  }
0x6: {  	s28 =	simm.s32 $0x81C0;
	s1 =	sand.u32 $0x1, s1;
	s4 =	sshll.u32 s4, $0x1  }
0x7: {  	[smem:$0x7FF] =	sst s3;
	s7 =	sadd.s32 $0x22E00, s0;
	s8 =	sadd.s32 $0x2A00, s0  }
0x8: {  	s5 =	sor.u32 s1, s4;
	_ =	strace $0x8000004A;
	s4 =	sadd.s32 $0x23200, s0  }
0x9: {  	s0 =	sadd.s32 $0x22A00, s0;
	[dreg:$0x3] =	wrdreg s8;
	s1 =	ssub.s32 $0x2, s1  }
0xa: {  	s8 =	simm.s32 $0x8100;
	s6 =	sshll.u32 s5, $0xE;
	s24 =	sshrl.u32 s1, $0x1  }
0xb: {  	s5 =	sshll.u32 s5, $0x5;
	s12 =	sadd.s32 s4, s6;
	s1 =	ssub.s32 s1, s24  }
0xc: {  	s17 =	sadd.s32 s7, s5;
	s9 =	sor.u32 $0x10, s5;
	s19 =	sadd.s32 s0, s5  }
0xd: {  	s10 =	sor.u32 $0x8, s5;
	s5 =	sor.u32 $0x18, s5;
	s6 =	sadd.s32 $0x800, s12  }
0xe: {  	s23 =	sadd.s32 $0x1000, s12;
	s25 =	sadd.s32 $0x1800, s12;
	s13 =	sadd.s32 $0x2000, s12  }
0xf: {  	s14 =	sadd.s32 $0x2800, s12;
	s15 =	sadd.s32 $0x3000, s12;
	s16 =	sadd.s32 $0x3800, s12  }
0x10: {  	s18 =	sadd.s32 s7, s9;
	s20 =	sadd.s32 s0, s9;
	s11 =	smax.u32 s1, $0x1  }
0x11: {  	s21 =	sadd.s32 s7, s10;
	s1 =	rddreg [dreg:$0x3];
	p1 =	sne.s32 s11, $0x1  }
.Ltmp0:
0x12: {  	s22 =	sadd.s32 s7, s5;
	[dreg:$0x4] =	wrdreg s6;
	(pc) =	sbr.rel @!p1 .LBB2_1-.Ltmp0, $4  }
0x13: {  	s24 =	sadd.s32 s0, s5;
	s9 =	simm.s32 $0x8000;
	[dreg:$0x5] =	wrdreg s23  }
0x14: {  	s5 =	simm.s32 $0x8080;
	s7 =	simm.s32 $0x8180;
	[dreg:$0x6] =	wrdreg s25  }
0x15: {  	s23 =	sadd.s32 s0, s10;
	s25 =	simm.s32 $0x4000;
	s0 =	sadd.s32 $0xFFFFFFFF, s11  }
0x16: {  	s6 =	simm.s32 $0x1;
	s11 =	simm.s32 $0x2;
	s10 =	simm.s32 $0x80  }
0x17: {  	[tilespmem:s25], [sflag:$0x3] =	stream.linear.gather [hbm4b:s1+s3], $0x4000, $0x38;
	[tilespmem:$0x8200] =	vst v63  }
0x18: {  	_ =	swait.ge [sflag:s31], $0x4000  }
0x19: {  	[sflag:s31] =	ssyncset.done $0x0  }
0x1a: {  	[sflag:s31] =	ssyncadd.s32 $0xFFFFC000  }
0x1b: {  	[hbm4b:s12+s3] =	stream.linear.scatter [tilespmem:s25], [sflag:$0x2], $0x4000, $0x38;
	[tilespmem:$0x8200] =	vst v63  }
0x1c: {  	s1 =	rddreg [dreg:$0x4]  }
0x1d: {  	[hbm4b:s1+s3] =	stream.linear.scatter [tilespmem:s25], [sflag:$0x2], $0x4000, $0x38;
	[tilespmem:$0x8200] =	vst v63  }
0x1e: {  	s26 =	smov.u32 s0;
	s0 =	rddreg [dreg:$0x5]  }
0x1f: {  	[hbm4b:s0+s3] =	stream.linear.scatter [tilespmem:s25], [sflag:$0x2], $0x4000, $0x38;
	[tilespmem:$0x8200] =	vst v63  }
0x20: {  	s1 =	rddreg [dreg:$0x6]  }
0x21: {  	[hbm4b:s1+s3] =	stream.linear.scatter [tilespmem:s25], [sflag:$0x2], $0x4000, $0x38;
	[tilespmem:$0x8200] =	vst v63  }
0x22: {  	_ = 	snop  }
0x23: {  	[hbm4b:s13+s3] =	stream.linear.scatter [tilespmem:s25], [sflag:$0x2], $0x4000, $0x38;
	[tilespmem:$0x8200] =	vst v63  }
0x24: {  	_ = 	snop  }
0x25: {  	[hbm4b:s14+s3] =	stream.linear.scatter [tilespmem:s25], [sflag:$0x2], $0x4000, $0x38;
	[tilespmem:$0x8200] =	vst v63  }
0x26: {  	_ = 	snop  }
0x27: {  	[hbm4b:s15+s3] =	stream.linear.scatter [tilespmem:s25], [sflag:$0x2], $0x4000, $0x38;
	[tilespmem:$0x8200] =	vst v63  }
0x28: {  	_ = 	snop  }
0x29: {  	[hbm4b:s16+s3] =	stream.linear.scatter [tilespmem:s25], [sflag:$0x2], $0x4000, $0x38;
	[tilespmem:$0x8200] =	vst v63  }
0x2a: {  	_ = 	snop  }
0x2b: {  	[tilespmem:s9], [sflag:$0x1] =	stream.linear.gather [hbm4b:s17+s3], $0x40, $0x38;
	[tilespmem:$0x8200] =	vst v63  }
0x2c: {  	s1 =	simm.s32 $0x8040  }
0x2d: {  	[tilespmem:s1], [sflag:$0x1] =	stream.linear.gather [hbm4b:s18+s3], $0x40, $0x38;
	[tilespmem:$0x8200] =	vst v63  }
0x2e: {  	_ = 	snop  }
0x2f: {  	[tilespmem:s8], [sflag:$0x1] =	stream.linear.gather [hbm4b:s19+s3], $0x40, $0x38;
	[tilespmem:$0x8200] =	vst v63  }
0x30: {  	_ = 	snop  }
0x31: {  	[tilespmem:s29], [sflag:$0x1] =	stream.linear.gather [hbm4b:s20+s3], $0x40, $0x38;
	[tilespmem:$0x8200] =	vst v63  }
0x32: {  	_ = 	snop  }
0x33: {  	[tilespmem:s5], [sflag:$0x1] =	stream.linear.gather [hbm4b:s21+s3], $0x40, $0x38;
	[tilespmem:$0x8200] =	vst v63  }
0x34: {  	_ = 	snop  }
0x35: {  	[tilespmem:s30], [sflag:$0x1] =	stream.linear.gather [hbm4b:s22+s3], $0x40, $0x38;
	[tilespmem:$0x8200] =	vst v63  }
0x36: {  	_ = 	snop  }
0x37: {  	[tilespmem:s7], [sflag:$0x1] =	stream.linear.gather [hbm4b:s23+s3], $0x40, $0x38;
	[tilespmem:$0x8200] =	vst v63  }
0x38: {  	_ = 	snop  }
0x39: {  	[tilespmem:s28], [sflag:$0x1] =	stream.linear.gather [hbm4b:s24+s3], $0x40, $0x38;
	[tilespmem:$0x8200] =	vst v63  }
0x3a: {  	_ =	swait.ge [sflag:s6], $0x40  }
0x3b: {  	[sflag:s6] =	ssyncset.done $0x0  }
0x3c: {  	[sflag:s6] =	ssyncadd.s32 $0xFFFFFFC0  }
0x3d: {  	_ =	swait.ge [sflag:s6], $0x40  }
0x3e: {  	[sflag:s6] =	ssyncset.done $0x0  }
0x3f: {  	[sflag:s6] =	ssyncadd.s32 $0xFFFFFFC0  }
0x40: {  	_ =	swait.ge [sflag:s6], $0x40  }
0x41: {  	[sflag:s6] =	ssyncset.done $0x0  }
0x42: {  	[sflag:s6] =	ssyncadd.s32 $0xFFFFFFC0  }
0x43: {  	_ =	swait.ge [sflag:s6], $0x40  }
0x44: {  	[sflag:s6] =	ssyncset.done $0x0  }
0x45: {  	[sflag:s6] =	ssyncadd.s32 $0xFFFFFFC0  }
0x46: {  	_ =	swait.ge [sflag:s6], $0x40  }
0x47: {  	[sflag:s6] =	ssyncset.done $0x0  }
0x48: {  	[sflag:s6] =	ssyncadd.s32 $0xFFFFFFC0  }
0x49: {  	_ =	swait.ge [sflag:s6], $0x40  }
0x4a: {  	[sflag:s6] =	ssyncset.done $0x0  }
0x4b: {  	[sflag:s6] =	ssyncadd.s32 $0xFFFFFFC0  }
0x4c: {  	_ =	swait.ge [sflag:s6], $0x40  }
0x4d: {  	[sflag:s6] =	ssyncset.done $0x0  }
0x4e: {  	[sflag:s6] =	ssyncadd.s32 $0xFFFFFFC0  }
0x4f: {  	_ =	swait.ge [sflag:s6], $0x40  }
0x50: {  	[sflag:s6] =	ssyncset.done $0x0  }
0x51: {  	[sflag:s6] =	ssyncadd.s32 $0xFFFFFFC0  }
0x52: {  	_ =	swait.ge [sflag:s11], $0x4000  }
0x53: {  	[sflag:s11] =	ssyncset.done $0x0  }
0x54: {  	[sflag:s11] =	ssyncadd.s32 $0xFFFFC000  }
0x55: {  	_ =	swait.ge [sflag:s11], $0x4000  }
0x56: {  	[sflag:s11] =	ssyncset.done $0x0  }
0x57: {  	[sflag:s11] =	ssyncadd.s32 $0xFFFFC000  }
0x58: {  	_ =	swait.ge [sflag:s11], $0x4000  }
0x59: {  	[sflag:s11] =	ssyncset.done $0x0  }
0x5a: {  	[sflag:s11] =	ssyncadd.s32 $0xFFFFC000  }
0x5b: {  	_ =	swait.ge [sflag:s11], $0x4000  }
0x5c: {  	[sflag:s11] =	ssyncset.done $0x0  }
0x5d: {  	[sflag:s11] =	ssyncadd.s32 $0xFFFFC000  }
0x5e: {  	_ =	swait.ge [sflag:s11], $0x4000  }
0x5f: {  	[sflag:s11] =	ssyncset.done $0x0  }
0x60: {  	[sflag:s11] =	ssyncadd.s32 $0xFFFFC000  }
0x61: {  	_ =	swait.ge [sflag:s11], $0x4000  }
0x62: {  	[sflag:s11] =	ssyncset.done $0x0  }
0x63: {  	[sflag:s11] =	ssyncadd.s32 $0xFFFFC000  }
0x64: {  	_ =	swait.ge [sflag:s11], $0x4000  }
0x65: {  	[sflag:s11] =	ssyncset.done $0x0  }
0x66: {  	[sflag:s11] =	ssyncadd.s32 $0xFFFFC000  }
0x67: {  	_ =	swait.ge [sflag:s11], $0x4000  }
0x68: {  	[sflag:s11] =	ssyncset.done $0x0  }
0x69: {  	[sflag:s11] =	ssyncadd.s32 $0xFFFFC000  }
0x6a: {  	[tilespmem:s3], [sflag:$0x1] =	stream.indirect.gather [hbm4b:s2+s10], $0x80, s9, s10, $0xb8;
	[tilespmem:$0x8200] =	vst v63  }
0x6b: {  	_ =	swait.ge [sflag:s6], $0x4000  }
0x6c: {  	[sflag:s6] =	ssyncset.done $0x0  }
0x6d: {  	[sflag:s6] =	ssyncadd.s32 $0xFFFFC000  }
0x6e: {  	[hbm4b:s4+s10] =	stream.indirect.scatter [tilespmem:s3], [sflag:$0x1], $0x80, s8, s10, $0xb8;
	[tilespmem:$0x8200] =	vst v63  }
0x6f: {  	_ =	swait.ge [sflag:s6], $0x4000  }
0x70: {  	[sflag:s6] =	ssyncset.done $0x0  }
0x71: {  	[sflag:s6] =	ssyncadd.s32 $0xFFFFC000  }
0x72: {  	[tilespmem:s3], [sflag:$0x1] =	stream.indirect.gather [hbm4b:s2+s10], $0x80, s5, s10, $0xb8;
	[tilespmem:$0x8200] =	vst v63  }
0x73: {  	p1 =	sne.s32 s26, $0x1;
	_ =	swait.ge [sflag:s6], $0x4000  }
.Ltmp1:
0x74: {  	[sflag:s6] =	ssyncset.done $0x0;
	(pc) =	sbr.rel @!p1 .LBB2_3-.Ltmp1, $4  }
0x75: {  	[sflag:s6] =	ssyncadd.s32 $0xFFFFC000  }
0x76: {  	[hbm4b:s4+s10] =	stream.indirect.scatter [tilespmem:s3], [sflag:$0x1], $0x80, s7, s10, $0xb8;
	[tilespmem:$0x8200] =	vst v63  }
0x77: {  	p0 =	por $0x1, $0x1;
	_ =	swait.ge [sflag:s6], $0x4000  }
0x78: {  	s0 =	sadd.s32 $0xFFFFFFFF, s26;
	s1 =	rddreg [dreg:$0x3];
	[sflag:s6] =	ssyncset.done $0x0  }
.LBB2_4:
0x79: {  	[sflag:s6] =	ssyncadd.s32 $0xFFFFC000  }
0x7a: {  	[tilespmem:s25], [sflag:$0x3] =	stream.linear.gather [hbm4b:s1+s3], $0x4000, $0x38;
	[tilespmem:$0x8200] =	vst v63  }
0x7b: {  	_ =	swait.ge [sflag:s31], $0x4000  }
0x7c: {  	[sflag:s31] =	ssyncset.done $0x0  }
0x7d: {  	[sflag:s31] =	ssyncadd.s32 $0xFFFFC000  }
0x7e: {  	[hbm4b:s12+s3] =	stream.linear.scatter [tilespmem:s25], [sflag:$0x2], $0x4000, $0x38;
	[tilespmem:$0x8200] =	vst v63  }
0x7f: {  	s1 =	rddreg [dreg:$0x4]  }
0x80: {  	[hbm4b:s1+s3] =	stream.linear.scatter [tilespmem:s25], [sflag:$0x2], $0x4000, $0x38;
	[tilespmem:$0x8200] =	vst v63  }
0x81: {  	s26 =	rddreg [dreg:$0x5]  }
0x82: {  	[hbm4b:s26+s3] =	stream.linear.scatter [tilespmem:s25], [sflag:$0x2], $0x4000, $0x38;
	[tilespmem:$0x8200] =	vst v63  }
0x83: {  	s1 =	rddreg [dreg:$0x6]  }
0x84: {  	[hbm4b:s1+s3] =	stream.linear.scatter [tilespmem:s25], [sflag:$0x2], $0x4000, $0x38;
	[tilespmem:$0x8200] =	vst v63  }
0x85: {  	_ = 	snop  }
0x86: {  	[hbm4b:s13+s3] =	stream.linear.scatter [tilespmem:s25], [sflag:$0x2], $0x4000, $0x38;
	[tilespmem:$0x8200] =	vst v63  }
0x87: {  	_ = 	snop  }
0x88: {  	[hbm4b:s14+s3] =	stream.linear.scatter [tilespmem:s25], [sflag:$0x2], $0x4000, $0x38;
	[tilespmem:$0x8200] =	vst v63  }
0x89: {  	_ = 	snop  }
0x8a: {  	[hbm4b:s15+s3] =	stream.linear.scatter [tilespmem:s25], [sflag:$0x2], $0x4000, $0x38;
	[tilespmem:$0x8200] =	vst v63  }
0x8b: {  	_ = 	snop  }
0x8c: {  	[hbm4b:s16+s3] =	stream.linear.scatter [tilespmem:s25], [sflag:$0x2], $0x4000, $0x38;
	[tilespmem:$0x8200] =	vst v63  }
0x8d: {  	_ = 	snop  }
0x8e: {  	[tilespmem:s9], [sflag:$0x1] =	stream.linear.gather [hbm4b:s17+s3], $0x40, $0x38;
	[tilespmem:$0x8200] =	vst v63  }
0x8f: {  	s26 =	simm.s32 $0x8040  }
0x90: {  	[tilespmem:s26], [sflag:$0x1] =	stream.linear.gather [hbm4b:s18+s3], $0x40, $0x38;
	[tilespmem:$0x8200] =	vst v63  }
0x91: {  	_ = 	snop  }
0x92: {  	[tilespmem:s8], [sflag:$0x1] =	stream.linear.gather [hbm4b:s19+s3], $0x40, $0x38;
	[tilespmem:$0x8200] =	vst v63  }
0x93: {  	_ = 	snop  }
0x94: {  	[tilespmem:s29], [sflag:$0x1] =	stream.linear.gather [hbm4b:s20+s3], $0x40, $0x38;
	[tilespmem:$0x8200] =	vst v63  }
0x95: {  	_ = 	snop  }
0x96: {  	[tilespmem:s5], [sflag:$0x1] =	stream.linear.gather [hbm4b:s21+s3], $0x40, $0x38;
	[tilespmem:$0x8200] =	vst v63  }
0x97: {  	_ = 	snop  }
0x98: {  	[tilespmem:s30], [sflag:$0x1] =	stream.linear.gather [hbm4b:s22+s3], $0x40, $0x38;
	[tilespmem:$0x8200] =	vst v63  }
0x99: {  	_ = 	snop  }
0x9a: {  	[tilespmem:s7], [sflag:$0x1] =	stream.linear.gather [hbm4b:s23+s3], $0x40, $0x38;
	[tilespmem:$0x8200] =	vst v63  }
0x9b: {  	_ = 	snop  }
0x9c: {  	[tilespmem:s28], [sflag:$0x1] =	stream.linear.gather [hbm4b:s24+s3], $0x40, $0x38;
	[tilespmem:$0x8200] =	vst v63  }
0x9d: {  	_ =	swait.ge [sflag:s6], $0x40  }
0x9e: {  	[sflag:s6] =	ssyncset.done $0x0  }
0x9f: {  	[sflag:s6] =	ssyncadd.s32 $0xFFFFFFC0  }
0xa0: {  	_ =	swait.ge [sflag:s6], $0x40  }
0xa1: {  	[sflag:s6] =	ssyncset.done $0x0  }
0xa2: {  	[sflag:s6] =	ssyncadd.s32 $0xFFFFFFC0  }
0xa3: {  	_ =	swait.ge [sflag:s6], $0x40  }
0xa4: {  	[sflag:s6] =	ssyncset.done $0x0  }
0xa5: {  	[sflag:s6] =	ssyncadd.s32 $0xFFFFFFC0  }
0xa6: {  	_ =	swait.ge [sflag:s6], $0x40  }
0xa7: {  	[sflag:s6] =	ssyncset.done $0x0  }
0xa8: {  	[sflag:s6] =	ssyncadd.s32 $0xFFFFFFC0  }
0xa9: {  	_ =	swait.ge [sflag:s6], $0x40  }
0xaa: {  	[sflag:s6] =	ssyncset.done $0x0  }
0xab: {  	[sflag:s6] =	ssyncadd.s32 $0xFFFFFFC0  }
0xac: {  	_ =	swait.ge [sflag:s6], $0x40  }
0xad: {  	[sflag:s6] =	ssyncset.done $0x0  }
0xae: {  	[sflag:s6] =	ssyncadd.s32 $0xFFFFFFC0  }
0xaf: {  	_ =	swait.ge [sflag:s6], $0x40  }
0xb0: {  	[sflag:s6] =	ssyncset.done $0x0  }
0xb1: {  	[sflag:s6] =	ssyncadd.s32 $0xFFFFFFC0  }
0xb2: {  	_ =	swait.ge [sflag:s6], $0x40  }
0xb3: {  	[sflag:s6] =	ssyncset.done $0x0  }
0xb4: {  	[sflag:s6] =	ssyncadd.s32 $0xFFFFFFC0  }
0xb5: {  	_ =	swait.ge [sflag:s11], $0x4000  }
0xb6: {  	[sflag:s11] =	ssyncset.done $0x0  }
0xb7: {  	[sflag:s11] =	ssyncadd.s32 $0xFFFFC000  }
0xb8: {  	_ =	swait.ge [sflag:s11], $0x4000  }
0xb9: {  	[sflag:s11] =	ssyncset.done $0x0  }
0xba: {  	[sflag:s11] =	ssyncadd.s32 $0xFFFFC000  }
0xbb: {  	_ =	swait.ge [sflag:s11], $0x4000  }
0xbc: {  	[sflag:s11] =	ssyncset.done $0x0  }
0xbd: {  	[sflag:s11] =	ssyncadd.s32 $0xFFFFC000  }
0xbe: {  	_ =	swait.ge [sflag:s11], $0x4000  }
0xbf: {  	[sflag:s11] =	ssyncset.done $0x0  }
0xc0: {  	[sflag:s11] =	ssyncadd.s32 $0xFFFFC000  }
0xc1: {  	_ =	swait.ge [sflag:s11], $0x4000  }
0xc2: {  	[sflag:s11] =	ssyncset.done $0x0  }
0xc3: {  	[sflag:s11] =	ssyncadd.s32 $0xFFFFC000  }
0xc4: {  	_ =	swait.ge [sflag:s11], $0x4000  }
0xc5: {  	[sflag:s11] =	ssyncset.done $0x0  }
0xc6: {  	[sflag:s11] =	ssyncadd.s32 $0xFFFFC000  }
0xc7: {  	_ =	swait.ge [sflag:s11], $0x4000  }
0xc8: {  	[sflag:s11] =	ssyncset.done $0x0  }
0xc9: {  	[sflag:s11] =	ssyncadd.s32 $0xFFFFC000  }
0xca: {  	_ =	swait.ge [sflag:s11], $0x4000  }
0xcb: {  	[sflag:s11] =	ssyncset.done $0x0  }
0xcc: {  	[sflag:s11] =	ssyncadd.s32 $0xFFFFC000  }
0xcd: {  	[tilespmem:s3], [sflag:$0x1] =	stream.indirect.gather [hbm4b:s2+s10], $0x80, s9, s10, $0xb8;
	[tilespmem:$0x8200] =	vst v63  }
0xce: {  	_ =	swait.ge [sflag:s6], $0x4000  }
0xcf: {  	[sflag:s6] =	ssyncset.done $0x0  }
0xd0: {  	[sflag:s6] =	ssyncadd.s32 $0xFFFFC000  }
0xd1: {  	[hbm4b:s4+s10] =	stream.indirect.scatter [tilespmem:s3], [sflag:$0x1], $0x80, s8, s10, $0xb8;
	[tilespmem:$0x8200] =	vst v63  }
0xd2: {  	_ =	swait.ge [sflag:s6], $0x4000  }
0xd3: {  	[sflag:s6] =	ssyncset.done $0x0  }
0xd4: {  	[sflag:s6] =	ssyncadd.s32 $0xFFFFC000  }
0xd5: {  	[tilespmem:s3], [sflag:$0x1] =	stream.indirect.gather [hbm4b:s2+s10], $0x80, s5, s10, $0xb8;
	[tilespmem:$0x8200] =	vst v63  }
0xd6: {  	p1 =	sne.s32 s0, $0x1;
	_ =	swait.ge [sflag:s6], $0x4000  }
.Ltmp2:
0xd7: {  	[sflag:s6] =	ssyncset.done $0x0;
	(pc) =	sbr.rel @p1 .LBB2_4-.Ltmp2, $4  }
0xd8: {  	[sflag:s6] =	ssyncadd.s32 $0xFFFFC000  }
0xd9: {  	[hbm4b:s4+s10] =	stream.indirect.scatter [tilespmem:s3], [sflag:$0x1], $0x80, s7, s10, $0xb8;
	[tilespmem:$0x8200] =	vst v63  }
0xda: {  	_ =	swait.ge [sflag:s6], $0x4000  }
0xdb: {  	s0 =	sadd.s32 $0xFFFFFFFF, s0;
	s1 =	rddreg [dreg:$0x3];
	[sflag:s6] =	ssyncset.done $0x0  }
0xdc: {  	s30 =	simm.s32 $0x80C0  }
0xdd: {  	s29 =	simm.s32 $0x8140;
	s28 =	simm.s32 $0x8040;
	s26 =	rddreg [dreg:$0x2]  }
.LBB2_6:
0xde: {  	[sflag:s6] =	ssyncadd.s32 @p0 $0xFFFFC000  }
0xdf: {  	[tilespmem:s25], [sflag:$0x3] =	stream.linear.gather [hbm4b:s1+s3], $0x4000, $0x38;
	[tilespmem:$0x8200] =	vst v63  }
0xe0: {  	_ =	swait.ge [sflag:s31], $0x4000  }
0xe1: {  	[sflag:s31] =	ssyncset.done $0x0  }
0xe2: {  	[sflag:s31] =	ssyncadd.s32 $0xFFFFC000  }
0xe3: {  	[hbm4b:s12+s3] =	stream.linear.scatter [tilespmem:s25], [sflag:$0x2], $0x4000, $0x38;
	[tilespmem:$0x8200] =	vst v63  }
0xe4: {  	s0 =	rddreg [dreg:$0x4]  }
0xe5: {  	[hbm4b:s0+s3] =	stream.linear.scatter [tilespmem:s25], [sflag:$0x2], $0x4000, $0x38;
	[tilespmem:$0x8200] =	vst v63  }
0xe6: {  	s31 =	rddreg [dreg:$0x5]  }
0xe7: {  	[hbm4b:s31+s3] =	stream.linear.scatter [tilespmem:s25], [sflag:$0x2], $0x4000, $0x38;
	[tilespmem:$0x8200] =	vst v63  }
0xe8: {  	s12 =	rddreg [dreg:$0x6]  }
0xe9: {  	[hbm4b:s12+s3] =	stream.linear.scatter [tilespmem:s25], [sflag:$0x2], $0x4000, $0x38;
	[tilespmem:$0x8200] =	vst v63  }
0xea: {  	_ = 	snop  }
0xeb: {  	[hbm4b:s13+s3] =	stream.linear.scatter [tilespmem:s25], [sflag:$0x2], $0x4000, $0x38;
	[tilespmem:$0x8200] =	vst v63  }
0xec: {  	_ = 	snop  }
0xed: {  	[hbm4b:s14+s3] =	stream.linear.scatter [tilespmem:s25], [sflag:$0x2], $0x4000, $0x38;
	[tilespmem:$0x8200] =	vst v63  }
0xee: {  	_ = 	snop  }
0xef: {  	[hbm4b:s15+s3] =	stream.linear.scatter [tilespmem:s25], [sflag:$0x2], $0x4000, $0x38;
	[tilespmem:$0x8200] =	vst v63  }
0xf0: {  	_ = 	snop  }
0xf1: {  	[hbm4b:s16+s3] =	stream.linear.scatter [tilespmem:s25], [sflag:$0x2], $0x4000, $0x38;
	[tilespmem:$0x8200] =	vst v63  }
0xf2: {  	_ = 	snop  }
0xf3: {  	[tilespmem:s9], [sflag:$0x1] =	stream.linear.gather [hbm4b:s17+s3], $0x40, $0x38;
	[tilespmem:$0x8200] =	vst v63  }
0xf4: {  	_ = 	snop  }
0xf5: {  	[tilespmem:s28], [sflag:$0x1] =	stream.linear.gather [hbm4b:s18+s3], $0x40, $0x38;
	[tilespmem:$0x8200] =	vst v63  }
0xf6: {  	_ = 	snop  }
0xf7: {  	[tilespmem:s8], [sflag:$0x1] =	stream.linear.gather [hbm4b:s19+s3], $0x40, $0x38;
	[tilespmem:$0x8200] =	vst v63  }
0xf8: {  	_ = 	snop  }
0xf9: {  	[tilespmem:s29], [sflag:$0x1] =	stream.linear.gather [hbm4b:s20+s3], $0x40, $0x38;
	[tilespmem:$0x8200] =	vst v63  }
0xfa: {  	_ = 	snop  }
0xfb: {  	[tilespmem:s5], [sflag:$0x1] =	stream.linear.gather [hbm4b:s21+s3], $0x40, $0x38;
	[tilespmem:$0x8200] =	vst v63  }
0xfc: {  	_ = 	snop  }
0xfd: {  	[tilespmem:s30], [sflag:$0x1] =	stream.linear.gather [hbm4b:s22+s3], $0x40, $0x38;
	[tilespmem:$0x8200] =	vst v63  }
0xfe: {  	_ = 	snop  }
0xff: {  	[tilespmem:s7], [sflag:$0x1] =	stream.linear.gather [hbm4b:s23+s3], $0x40, $0x38;
	[tilespmem:$0x8200] =	vst v63  }
0x100: {  	s30 =	simm.s32 $0x81C0  }
0x101: {  	[tilespmem:s30], [sflag:$0x1] =	stream.linear.gather [hbm4b:s24+s3], $0x40, $0x38;
	[tilespmem:$0x8200] =	vst v63  }
0x102: {  	_ =	swait.ge [sflag:s6], $0x40  }
0x103: {  	[sflag:s6] =	ssyncset.done $0x0  }
0x104: {  	[sflag:s6] =	ssyncadd.s32 $0xFFFFFFC0  }
0x105: {  	_ =	swait.ge [sflag:s6], $0x40  }
0x106: {  	[sflag:s6] =	ssyncset.done $0x0  }
0x107: {  	[sflag:s6] =	ssyncadd.s32 $0xFFFFFFC0  }
0x108: {  	_ =	swait.ge [sflag:s6], $0x40  }
0x109: {  	[sflag:s6] =	ssyncset.done $0x0  }
0x10a: {  	[sflag:s6] =	ssyncadd.s32 $0xFFFFFFC0  }
0x10b: {  	_ =	swait.ge [sflag:s6], $0x40  }
0x10c: {  	[sflag:s6] =	ssyncset.done $0x0  }
0x10d: {  	[sflag:s6] =	ssyncadd.s32 $0xFFFFFFC0  }
0x10e: {  	_ =	swait.ge [sflag:s6], $0x40  }
0x10f: {  	[sflag:s6] =	ssyncset.done $0x0  }
0x110: {  	[sflag:s6] =	ssyncadd.s32 $0xFFFFFFC0  }
0x111: {  	_ =	swait.ge [sflag:s6], $0x40  }
0x112: {  	[sflag:s6] =	ssyncset.done $0x0  }
0x113: {  	[sflag:s6] =	ssyncadd.s32 $0xFFFFFFC0  }
0x114: {  	_ =	swait.ge [sflag:s6], $0x40  }
0x115: {  	[sflag:s6] =	ssyncset.done $0x0  }
0x116: {  	[sflag:s6] =	ssyncadd.s32 $0xFFFFFFC0  }
0x117: {  	_ =	swait.ge [sflag:s6], $0x40  }
0x118: {  	[sflag:s6] =	ssyncset.done $0x0  }
0x119: {  	[sflag:s6] =	ssyncadd.s32 $0xFFFFFFC0  }
0x11a: {  	_ =	swait.ge [sflag:s11], $0x4000  }
0x11b: {  	[sflag:s11] =	ssyncset.done $0x0  }
0x11c: {  	[sflag:s11] =	ssyncadd.s32 $0xFFFFC000  }
0x11d: {  	_ =	swait.ge [sflag:s11], $0x4000  }
0x11e: {  	[sflag:s11] =	ssyncset.done $0x0  }
0x11f: {  	[sflag:s11] =	ssyncadd.s32 $0xFFFFC000  }
0x120: {  	_ =	swait.ge [sflag:s11], $0x4000  }
0x121: {  	[sflag:s11] =	ssyncset.done $0x0  }
0x122: {  	[sflag:s11] =	ssyncadd.s32 $0xFFFFC000  }
0x123: {  	_ =	swait.ge [sflag:s11], $0x4000  }
0x124: {  	[sflag:s11] =	ssyncset.done $0x0  }
0x125: {  	[sflag:s11] =	ssyncadd.s32 $0xFFFFC000  }
0x126: {  	_ =	swait.ge [sflag:s11], $0x4000  }
0x127: {  	[sflag:s11] =	ssyncset.done $0x0  }
0x128: {  	[sflag:s11] =	ssyncadd.s32 $0xFFFFC000  }
0x129: {  	_ =	swait.ge [sflag:s11], $0x4000  }
0x12a: {  	[sflag:s11] =	ssyncset.done $0x0  }
0x12b: {  	[sflag:s11] =	ssyncadd.s32 $0xFFFFC000  }
0x12c: {  	_ =	swait.ge [sflag:s11], $0x4000  }
0x12d: {  	[sflag:s11] =	ssyncset.done $0x0  }
0x12e: {  	[sflag:s11] =	ssyncadd.s32 $0xFFFFC000  }
0x12f: {  	_ =	swait.ge [sflag:s11], $0x4000  }
0x130: {  	[sflag:s11] =	ssyncset.done $0x0  }
0x131: {  	[sflag:s11] =	ssyncadd.s32 $0xFFFFC000  }
0x132: {  	[tilespmem:s3], [sflag:$0x1] =	stream.indirect.gather [hbm4b:s2+s10], $0x80, s9, s10, $0xb8;
	[tilespmem:$0x8200] =	vst v63  }
0x133: {  	_ =	swait.ge [sflag:s6], $0x4000  }
0x134: {  	[sflag:s6] =	ssyncset.done $0x0  }
0x135: {  	[sflag:s6] =	ssyncadd.s32 $0xFFFFC000  }
0x136: {  	[hbm4b:s4+s10] =	stream.indirect.scatter [tilespmem:s3], [sflag:$0x1], $0x80, s8, s10, $0xb8;
	[tilespmem:$0x8200] =	vst v63  }
0x137: {  	_ =	swait.ge [sflag:s6], $0x4000  }
0x138: {  	[sflag:s6] =	ssyncset.done $0x0  }
0x139: {  	[sflag:s6] =	ssyncadd.s32 $0xFFFFC000  }
0x13a: {  	[tilespmem:s3], [sflag:$0x1] =	stream.indirect.gather [hbm4b:s2+s10], $0x80, s5, s10, $0xb8;
	[tilespmem:$0x8200] =	vst v63  }
0x13b: {  	_ =	swait.ge [sflag:s6], $0x4000  }
0x13c: {  	[sflag:s6] =	ssyncset.done $0x0  }
0x13d: {  	[sflag:s6] =	ssyncadd.s32 $0xFFFFC000  }
0x13e: {  	[hbm4b:s4+s10] =	stream.indirect.scatter [tilespmem:s3], [sflag:$0x1], $0x80, s7, s10, $0xb8;
	[tilespmem:$0x8200] =	vst v63  }
0x13f: {  	_ =	swait.ge [sflag:s6], $0x4000  }
0x140: {  	[sflag:s6] =	ssyncset.done $0x0  }
0x141: {  	[sflag:s6] =	ssyncadd.s32 $0xFFFFC000  }
0x142: {  	_ =	sfence.sel $0x180000  }
0x143: {  	s31 =	stileid.u32;
	[bflag:$0x0] =	sbarrier.arrive $0xFFFF  }
0x144: {  	p0 =	sne.s32 s31, $0x0;
	_ =	strace $0x9000004A  }
0x145: {  	s0 =	sadd.s32 @!p0 $0x100000, s26;
	[bflag:$0x2] =	sbarrier.arrive $0xFFFF  }
0x146: {  	[sflag:s0] =	ssyncadd.tile.s32 @!p0 $0x1;
	_ =	shalt  }
.LBB2_1:
.Ltmp3:
0x147: {  	(pc) =	sbr.rel .LBB2_6-.Ltmp3, $2  }
0x148: {  	_ =	sdelay $0x2  }
0x149: {  	s30 =	simm.s32 $0x80C0;
	s29 =	simm.s32 $0x8140;
	s28 =	simm.s32 $0x8040  }
.LBB2_3:
.Ltmp4:
0x14a: {  	(pc) =	sbr.rel .LBB2_6-.Ltmp4, $3  }
0x14b: {  	_ =	sdelay $0x1  }
0x14c: {  	s30 =	simm.s32 $0x80C0  }
0x14d: {  	s29 =	simm.s32 $0x8140;
	s28 =	simm.s32 $0x8040;
	s26 =	rddreg [dreg:$0x2]  }
.Lfunc_end2:
_tile_overlayer_lowered:
.L_overlay_start_2:
0x14e: {  	(tag) =	ssettag $0x2  }
0x14f: {  	s0 =	rddreg [dreg:$0x0];
	s2 =	stileid.u32  }
0x150: {  	s1 =	rddreg [dreg:$0x1];
	p0 =	sne.s32 s2, $0x0  }
0x151: {  	s3 =	rddreg [dreg:$0x2];
	[bflag:$0x3] =	sbarrier.arrive $0xFFFF;
	s2 =	simm.s32 @!p0 $0x1C03  }
0x152: {  	[timem:s3], [sflag:s2] =	dma.local @!p0 [hbm:s0], s1  }
0x153: {  	s0 =	simm.s32 @!p0 $0x3  }
0x154: {  	_ =	swait.ge @!p0 [sflag:s0], s1  }
0x155: {  	s1 =	ssub.s32 @!p0 $0x0, s1;
	[sflag:s0] =	ssyncset.done @!p0 $0x0  }
0x156: {  	[sflag:s0] =	ssyncadd.s32 @!p0 s1  }
0x157: {  	[bflag:$0x3] =	sbarrier.arrive $0xFFFF  }
0x158: {  	_ =	shalt  }

</sc_bundles>
